<compile_context>
chip_gen: v7x
topology: tpu7x:2x2x1
jax: 0.10.2.dev20260603
libtpu: 0.0.44.dev20260713+nightly
codegen_flags: <defaults>
</compile_context>

<pallas_src>
import functools

import jax
import jax.numpy as jnp
from jax import lax
from jax.experimental import pallas as pl
from jax.experimental.pallas import tpu as pltpu
from jax.experimental.pallas import tpu_sc as plsc

BLOCK_R = 4096
NUM_EXPERTS = 64
MODEL_DIM = 768
N_TOKENS = 32768

NC, NS, L = 2, 16, 16
N_WORKERS = NC * NS
ROWS_W = N_TOKENS // N_WORKERS


def _matmul_body(x_ref, wt_ref, logits_ref, logits_t_ref):
    logits = jnp.dot(x_ref[...], wt_ref[...],
                     preferred_element_type=jnp.float32)
    logits_ref[...] = logits
    logits_t_ref[...] = logits.T


def _tc_logits(x, wt):
    n = x.shape[0]
    return pl.pallas_call(
        _matmul_body,
        grid=(n // BLOCK_R,),
        in_specs=[
            pl.BlockSpec((BLOCK_R, MODEL_DIM), lambda i: (i, 0)),
            pl.BlockSpec((MODEL_DIM, NUM_EXPERTS), lambda i: (0, 0)),
        ],
        out_specs=[
            pl.BlockSpec((BLOCK_R, NUM_EXPERTS), lambda i: (i, 0)),
            pl.BlockSpec((NUM_EXPERTS, BLOCK_R), lambda i: (0, i)),
        ],
        out_shape=[
            jax.ShapeDtypeStruct((n, NUM_EXPERTS), jnp.float32),
            jax.ShapeDtypeStruct((NUM_EXPERTS, n), jnp.float32),
        ],
    )(x, wt)


@functools.partial(
    pl.kernel,
    out_type=[
        jax.ShapeDtypeStruct((2, N_TOKENS), jnp.float32),
        jax.ShapeDtypeStruct((2, N_TOKENS), jnp.int32),
    ],
    mesh=plsc.VectorSubcoreMesh(
        core_axis_name="c", subcore_axis_name="s", num_cores=NC,
        num_subcores=NS),
    scratch_types=[
        pltpu.VMEM((NUM_EXPERTS, ROWS_W), jnp.float32),
        pltpu.VMEM((ROWS_W,), jnp.float32),
        pltpu.VMEM((ROWS_W,), jnp.float32),
        pltpu.VMEM((ROWS_W,), jnp.int32),
        pltpu.VMEM((ROWS_W,), jnp.int32),
    ],
)
def _sc_route(lt_hbm, w_hbm, i_hbm, lt_v, w1_v, w2_v, i1_v, i2_v):
    wid = lax.axis_index("s") * NC + lax.axis_index("c")
    base = wid * ROWS_W
    pltpu.sync_copy(lt_hbm.at[:, pl.ds(base, ROWS_W)], lt_v)

    zeros = jnp.zeros((L,), jnp.int32)

    def group(g, carry):
        off = g * L
        m1 = lt_v[0, pl.ds(off, L)]
        i1 = zeros
        m2 = jnp.full((L,), -jnp.inf, jnp.float32)
        i2 = zeros
        for e in range(1, NUM_EXPERTS):
            e_v = jnp.full((L,), e, jnp.int32)
            v = lt_v[e, pl.ds(off, L)]
            gt1 = v > m1
            gt2 = v > m2
            m2 = jnp.where(gt1, m1, jnp.where(gt2, v, m2))
            i2 = jnp.where(gt1, i1, jnp.where(gt2, e_v, i2))
            m1 = jnp.where(gt1, v, m1)
            i1 = jnp.where(gt1, e_v, i1)
        s = jnp.exp(m2 - m1)
        d = 1.0 + s
        w1_v[pl.ds(off, L)] = 1.0 / d
        w2_v[pl.ds(off, L)] = s / d
        i1_v[pl.ds(off, L)] = i1
        i2_v[pl.ds(off, L)] = i2
        return carry

    lax.fori_loop(0, ROWS_W // L, group, 0)
    pltpu.sync_copy(w1_v, w_hbm.at[0, pl.ds(base, ROWS_W)])
    pltpu.sync_copy(w2_v, w_hbm.at[1, pl.ds(base, ROWS_W)])
    pltpu.sync_copy(i1_v, i_hbm.at[0, pl.ds(base, ROWS_W)])
    pltpu.sync_copy(i2_v, i_hbm.at[1, pl.ds(base, ROWS_W)])


def kernel(x, W_gate, W_noise):
    del W_noise
    wt = W_gate.T
    logits, logits_t = _tc_logits(x, wt)
    w_planar, i_planar = _sc_route(logits_t)
    weights = jnp.stack([w_planar[0], w_planar[1]], axis=-1)
    indices = jnp.stack([i_planar[0], i_planar[1]], axis=-1)
    return weights, indices, logits

# --- scband reference (transcript-rebuilt; emitter-appended) ---
"""Pipeline reference for scband-noisy-top-kgating-47433618817511 (READ-ONLY COPY).

The authoritative reference and input builder live on the scoring server;
editing this copy changes nothing except your own understanding.
"""

import jax, jax.numpy as jnp
import numpy as np

TOP_K = 2

def setup_inputs(seed: int = 0) -> dict:
    key = jax.random.key(seed)
    k1, k2, k3 = jax.random.split(key, 3)
    x = jax.random.normal(k1, (32768, 768), dtype=jnp.float32)
    # nn.Linear(model_dim, num_experts, bias=False) weight has shape [num_experts, model_dim]
    W_gate = jax.random.normal(k2, (64, 768), dtype=jnp.float32) * 0.02
    W_noise = jax.random.normal(k3, (64, 768), dtype=jnp.float32) * 0.02
    return {"x": x, "W_gate": W_gate, "W_noise": W_noise}

def reference(x, W_gate, W_noise):
    # Faithful eval-mode (self.training == False) path: noise branch is skipped,
    # so noisy_logits == clean_logits. W_noise is an unused parameter in eval.
    clean_logits = x @ W_gate.T
    noisy_logits = clean_logits
    top_k_logits, top_k_indices = jax.lax.top_k(noisy_logits, TOP_K)
    combined_weights = jax.nn.softmax(top_k_logits, axis=-1)
    return (combined_weights, top_k_indices, clean_logits)

if __name__ == "__main__":
    import jax
    _d = setup_inputs()
    print(jax.jit(kernel)(*tuple(_d.values())))

</pallas_src>

<mosaic_0001>
#map = affine_map<(d0, d1) -> (0, 0)>
module attributes {stable_mosaic.version = 14 : i64} {
  func.func @_sc_route(%arg0: i32, %arg1: i32, %arg2: memref<64x32768xf32, #tpu.memory_space<hbm>>, %arg3: memref<2x32768xf32, #tpu.memory_space<hbm>>, %arg4: memref<2x32768xi32, #tpu.memory_space<hbm>>, %arg5: memref<64x1024xf32, #tpu.memory_space<vmem>>, %arg6: memref<1024xf32, #tpu.memory_space<vmem>>, %arg7: memref<1024xf32, #tpu.memory_space<vmem>>, %arg8: memref<1024xi32, #tpu.memory_space<vmem>>, %arg9: memref<1024xi32, #tpu.memory_space<vmem>>) attributes {dimension_semantics = [#tpu.dimension_semantics<core_parallel>, #tpu.dimension_semantics<subcore_parallel>], iteration_bounds = array<i64: 2, 16>, scalar_prefetch = 0 : i64, scratch_operands = 5 : i64, tpu.core_type = #tpu.core_type<sc_vector_subcore>, window_params = [{transform_indices = #map}, {transform_indices = #map}, {transform_indices = #map}]} {
    %mul3A = arith.constant 2 : i32
    %mul3A_0 = arith.muli %arg1, %mul3A : i32
    %add3A = arith.addi %mul3A_0, %arg0 : i32
    %mul3A_1 = arith.constant 1024 : i32
    %mul3A_2 = arith.muli %add3A, %mul3A_1 : i32
    "tpu.region"() ({
      %run_scoped3A_12 = tpu.sem_alloc : memref<!tpu.dma_semaphore, #tpu.memory_space<semaphore_mem>>
      %dma_start3A = arith.constant 0 : i32
      %dma_start3A_13 = tpu.memref_slice %arg2[%dma_start3A, %mul3A_2] : memref<64x32768xf32, #tpu.memory_space<hbm>> -> memref<64x1024xf32, #tpu.memory_space<hbm>>
      %dma_start3A_14 = arith.constant 0 : i32
      %dma_start3A_15 = tpu.memref_slice %arg2[%dma_start3A_14, %mul3A_2] : memref<64x32768xf32, #tpu.memory_space<hbm>> -> memref<64x1024xf32, #tpu.memory_space<hbm>>
      tpu.enqueue_dma source(%dma_start3A_15 : memref<64x1024xf32, #tpu.memory_space<hbm>>) target(%arg5 : memref<64x1024xf32, #tpu.memory_space<vmem>>) target_semaphore(%run_scoped3A_12 : memref<!tpu.dma_semaphore, #tpu.memory_space<semaphore_mem>>)
      %dma_wait3A = arith.constant 0 : i32
      %dma_wait3A_16 = tpu.memref_slice %arg2[%dma_wait3A, %mul3A_2] : memref<64x32768xf32, #tpu.memory_space<hbm>> -> memref<64x1024xf32, #tpu.memory_space<hbm>>
      %dma_wait3A_17 = arith.constant 0 : i32
      %dma_wait3A_18 = tpu.memref_slice %arg2[%dma_wait3A_17, %mul3A_2] : memref<64x32768xf32, #tpu.memory_space<hbm>> -> memref<64x1024xf32, #tpu.memory_space<hbm>>
      tpu.wait_dma2 semaphore(%run_scoped3A_12 : memref<!tpu.dma_semaphore, #tpu.memory_space<semaphore_mem>>) src(%dma_wait3A_18 : memref<64x1024xf32, #tpu.memory_space<hbm>>) dst(%arg5 : memref<64x1024xf32, #tpu.memory_space<vmem>>)
      tpu.yield
    }) : () -> ()
    %broadcast_in_dim3A = arith.constant 0 : i32
    %broadcast_in_dim3A_3 = vector.broadcast %broadcast_in_dim3A : i32 to vector<16xi32>
    %scan3A = arith.constant 0 : i32
    %scan3A_4 = arith.constant 0 : i32
    %scan3A_5 = arith.constant 64 : i32
    %scan3A_6 = arith.addi %scan3A_4, %scan3A_5 : i32
    %scan3A_7 = arith.constant 1 : i32
    scf.for %scan3A_12 = %scan3A_4 to %scan3A_6 step %scan3A_7  : i32 {
      %mul3A_13 = arith.constant 16 : i32
      %mul3A_14 = arith.muli %scan3A_12, %mul3A_13 : i32
      %get3A = arith.constant 0 : i32
      %get3A_15 = arith.index_cast %get3A : i32 to index
      %get3A_16 = arith.index_cast %mul3A_14 : i32 to index
      %get3A_17 = tpu.vector_load %arg5[%get3A_15, %get3A_16] {strides = array<i32>} : memref<64x1024xf32, #tpu.memory_space<vmem>>, vector<1x16xf32>,
      %get3A_18 = vector.shape_cast %get3A_17 : vector<1x16xf32> to vector<16xf32>
      %broadcast_in_dim3A_19 = arith.constant 0xFF800000 : f32
      %broadcast_in_dim3A_20 = vector.broadcast %broadcast_in_dim3A_19 : f32 to vector<16xf32>
      %broadcast_in_dim3A_21 = arith.constant 1 : i32
      %broadcast_in_dim3A_22 = vector.broadcast %broadcast_in_dim3A_21 : i32 to vector<16xi32>
      %get3A_23 = arith.constant 1 : i32
      %get3A_24 = arith.index_cast %get3A_23 : i32 to index
      %get3A_25 = arith.index_cast %mul3A_14 : i32 to index
      %get3A_26 = tpu.vector_load %arg5[%get3A_24, %get3A_25] {strides = array<i32>} : memref<64x1024xf32, #tpu.memory_space<vmem>>, vector<1x16xf32>,
      %get3A_27 = vector.shape_cast %get3A_26 : vector<1x16xf32> to vector<16xf32>
      %gt3A = arith.cmpf ogt, %get3A_27, %get3A_18 : vector<16xf32>
      %gt3A_28 = arith.cmpf ogt, %get3A_27, %broadcast_in_dim3A_20 : vector<16xf32>
      %select_n3A = arith.select %gt3A_28, %get3A_27, %broadcast_in_dim3A_20 : vector<16xi1>, vector<16xf32>
      %select_n3A_29 = arith.select %gt3A, %get3A_18, %select_n3A : vector<16xi1>, vector<16xf32>
      %select_n3A_30 = arith.select %gt3A_28, %broadcast_in_dim3A_22, %broadcast_in_dim3A_3 : vector<16xi1>, vector<16xi32>
      %select_n3A_31 = arith.select %gt3A, %broadcast_in_dim3A_3, %select_n3A_30 : vector<16xi1>, vector<16xi32>
      %select_n3A_32 = arith.select %gt3A, %get3A_27, %get3A_18 : vector<16xi1>, vector<16xf32>
      %select_n3A_33 = arith.select %gt3A, %broadcast_in_dim3A_22, %broadcast_in_dim3A_3 : vector<16xi1>, vector<16xi32>
      %broadcast_in_dim3A_34 = arith.constant 2 : i32
      %broadcast_in_dim3A_35 = vector.broadcast %broadcast_in_dim3A_34 : i32 to vector<16xi32>
      %get3A_36 = arith.constant 2 : i32
      %get3A_37 = arith.index_cast %get3A_36 : i32 to index
      %get3A_38 = arith.index_cast %mul3A_14 : i32 to index
      %get3A_39 = tpu.vector_load %arg5[%get3A_37, %get3A_38] {strides = array<i32>} : memref<64x1024xf32, #tpu.memory_space<vmem>>, vector<1x16xf32>,
      %get3A_40 = vector.shape_cast %get3A_39 : vector<1x16xf32> to vector<16xf32>
      %gt3A_41 = arith.cmpf ogt, %get3A_40, %select_n3A_32 : vector<16xf32>
      %gt3A_42 = arith.cmpf ogt, %get3A_40, %select_n3A_29 : vector<16xf32>
      %select_n3A_43 = arith.select %gt3A_42, %get3A_40, %select_n3A_29 : vector<16xi1>, vector<16xf32>
      %select_n3A_44 = arith.select %gt3A_41, %select_n3A_32, %select_n3A_43 : vector<16xi1>, vector<16xf32>
      %select_n3A_45 = arith.select %gt3A_42, %broadcast_in_dim3A_35, %select_n3A_31 : vector<16xi1>, vector<16xi32>
      %select_n3A_46 = arith.select %gt3A_41, %select_n3A_33, %select_n3A_45 : vector<16xi1>, vector<16xi32>
      %select_n3A_47 = arith.select %gt3A_41, %get3A_40, %select_n3A_32 : vector<16xi1>, vector<16xf32>
      %select_n3A_48 = arith.select %gt3A_41, %broadcast_in_dim3A_35, %select_n3A_33 : vector<16xi1>, vector<16xi32>
      %broadcast_in_dim3A_49 = arith.constant 3 : i32
      %broadcast_in_dim3A_50 = vector.broadcast %broadcast_in_dim3A_49 : i32 to vector<16xi32>
      %get3A_51 = arith.constant 3 : i32
      %get3A_52 = arith.index_cast %get3A_51 : i32 to index
      %get3A_53 = arith.index_cast %mul3A_14 : i32 to index
      %get3A_54 = tpu.vector_load %arg5[%get3A_52, %get3A_53] {strides = array<i32>} : memref<64x1024xf32, #tpu.memory_space<vmem>>, vector<1x16xf32>,
      %get3A_55 = vector.shape_cast %get3A_54 : vector<1x16xf32> to vector<16xf32>
      %gt3A_56 = arith.cmpf ogt, %get3A_55, %select_n3A_47 : vector<16xf32>
      %gt3A_57 = arith.cmpf ogt, %get3A_55, %select_n3A_44 : vector<16xf32>
      %select_n3A_58 = arith.select %gt3A_57, %get3A_55, %select_n3A_44 : vector<16xi1>, vector<16xf32>
      %select_n3A_59 = arith.select %gt3A_56, %select_n3A_47, %select_n3A_58 : vector<16xi1>, vector<16xf32>
      %select_n3A_60 = arith.select %gt3A_57, %broadcast_in_dim3A_50, %select_n3A_46 : vector<16xi1>, vector<16xi32>
      %select_n3A_61 = arith.select %gt3A_56, %select_n3A_48, %select_n3A_60 : vector<16xi1>, vector<16xi32>
      %select_n3A_62 = arith.select %gt3A_56, %get3A_55, %select_n3A_47 : vector<16xi1>, vector<16xf32>
      %select_n3A_63 = arith.select %gt3A_56, %broadcast_in_dim3A_50, %select_n3A_48 : vector<16xi1>, vector<16xi32>
      %broadcast_in_dim3A_64 = arith.constant 4 : i32
      %broadcast_in_dim3A_65 = vector.broadcast %broadcast_in_dim3A_64 : i32 to vector<16xi32>
      %get3A_66 = arith.constant 4 : i32
      %get3A_67 = arith.index_cast %get3A_66 : i32 to index
      %get3A_68 = arith.index_cast %mul3A_14 : i32 to index
      %get3A_69 = tpu.vector_load %arg5[%get3A_67, %get3A_68] {strides = array<i32>} : memref<64x1024xf32, #tpu.memory_space<vmem>>, vector<1x16xf32>,
      %get3A_70 = vector.shape_cast %get3A_69 : vector<1x16xf32> to vector<16xf32>
      %gt3A_71 = arith.cmpf ogt, %get3A_70, %select_n3A_62 : vector<16xf32>
      %gt3A_72 = arith.cmpf ogt, %get3A_70, %select_n3A_59 : vector<16xf32>
      %select_n3A_73 = arith.select %gt3A_72, %get3A_70, %select_n3A_59 : vector<16xi1>, vector<16xf32>
      %select_n3A_74 = arith.select %gt3A_71, %select_n3A_62, %select_n3A_73 : vector<16xi1>, vector<16xf32>
      %select_n3A_75 = arith.select %gt3A_72, %broadcast_in_dim3A_65, %select_n3A_61 : vector<16xi1>, vector<16xi32>
      %select_n3A_76 = arith.select %gt3A_71, %select_n3A_63, %select_n3A_75 : vector<16xi1>, vector<16xi32>
      %select_n3A_77 = arith.select %gt3A_71, %get3A_70, %select_n3A_62 : vector<16xi1>, vector<16xf32>
      %select_n3A_78 = arith.select %gt3A_71, %broadcast_in_dim3A_65, %select_n3A_63 : vector<16xi1>, vector<16xi32>
      %broadcast_in_dim3A_79 = arith.constant 5 : i32
      %broadcast_in_dim3A_80 = vector.broadcast %broadcast_in_dim3A_79 : i32 to vector<16xi32>
      %get3A_81 = arith.constant 5 : i32
      %get3A_82 = arith.index_cast %get3A_81 : i32 to index
      %get3A_83 = arith.index_cast %mul3A_14 : i32 to index
      %get3A_84 = tpu.vector_load %arg5[%get3A_82, %get3A_83] {strides = array<i32>} : memref<64x1024xf32, #tpu.memory_space<vmem>>, vector<1x16xf32>,
      %get3A_85 = vector.shape_cast %get3A_84 : vector<1x16xf32> to vector<16xf32>
      %gt3A_86 = arith.cmpf ogt, %get3A_85, %select_n3A_77 : vector<16xf32>
      %gt3A_87 = arith.cmpf ogt, %get3A_85, %select_n3A_74 : vector<16xf32>
      %select_n3A_88 = arith.select %gt3A_87, %get3A_85, %select_n3A_74 : vector<16xi1>, vector<16xf32>
      %select_n3A_89 = arith.select %gt3A_86, %select_n3A_77, %select_n3A_88 : vector<16xi1>, vector<16xf32>
      %select_n3A_90 = arith.select %gt3A_87, %broadcast_in_dim3A_80, %select_n3A_76 : vector<16xi1>, vector<16xi32>
      %select_n3A_91 = arith.select %gt3A_86, %select_n3A_78, %select_n3A_90 : vector<16xi1>, vector<16xi32>
      %select_n3A_92 = arith.select %gt3A_86, %get3A_85, %select_n3A_77 : vector<16xi1>, vector<16xf32>
      %select_n3A_93 = arith.select %gt3A_86, %broadcast_in_dim3A_80, %select_n3A_78 : vector<16xi1>, vector<16xi32>
      %broadcast_in_dim3A_94 = arith.constant 6 : i32
      %broadcast_in_dim3A_95 = vector.broadcast %broadcast_in_dim3A_94 : i32 to vector<16xi32>
      %get3A_96 = arith.constant 6 : i32
      %get3A_97 = arith.index_cast %get3A_96 : i32 to index
      %get3A_98 = arith.index_cast %mul3A_14 : i32 to index
      %get3A_99 = tpu.vector_load %arg5[%get3A_97, %get3A_98] {strides = array<i32>} : memref<64x1024xf32, #tpu.memory_space<vmem>>, vector<1x16xf32>,
      %get3A_100 = vector.shape_cast %get3A_99 : vector<1x16xf32> to vector<16xf32>
      %gt3A_101 = arith.cmpf ogt, %get3A_100, %select_n3A_92 : vector<16xf32>
      %gt3A_102 = arith.cmpf ogt, %get3A_100, %select_n3A_89 : vector<16xf32>
      %select_n3A_103 = arith.select %gt3A_102, %get3A_100, %select_n3A_89 : vector<16xi1>, vector<16xf32>
      %select_n3A_104 = arith.select %gt3A_101, %select_n3A_92, %select_n3A_103 : vector<16xi1>, vector<16xf32>
      %select_n3A_105 = arith.select %gt3A_102, %broadcast_in_dim3A_95, %select_n3A_91 : vector<16xi1>, vector<16xi32>
      %select_n3A_106 = arith.select %gt3A_101, %select_n3A_93, %select_n3A_105 : vector<16xi1>, vector<16xi32>
      %select_n3A_107 = arith.select %gt3A_101, %get3A_100, %select_n3A_92 : vector<16xi1>, vector<16xf32>
      %select_n3A_108 = arith.select %gt3A_101, %broadcast_in_dim3A_95, %select_n3A_93 : vector<16xi1>, vector<16xi32>
      %broadcast_in_dim3A_109 = arith.constant 7 : i32
      %broadcast_in_dim3A_110 = vector.broadcast %broadcast_in_dim3A_109 : i32 to vector<16xi32>
      %get3A_111 = arith.constant 7 : i32
      %get3A_112 = arith.index_cast %get3A_111 : i32 to index
      %get3A_113 = arith.index_cast %mul3A_14 : i32 to index
      %get3A_114 = tpu.vector_load %arg5[%get3A_112, %get3A_113] {strides = array<i32>} : memref<64x1024xf32, #tpu.memory_space<vmem>>, vector<1x16xf32>,
      %get3A_115 = vector.shape_cast %get3A_114 : vector<1x16xf32> to vector<16xf32>
      %gt3A_116 = arith.cmpf ogt, %get3A_115, %select_n3A_107 : vector<16xf32>
      %gt3A_117 = arith.cmpf ogt, %get3A_115, %select_n3A_104 : vector<16xf32>
      %select_n3A_118 = arith.select %gt3A_117, %get3A_115, %select_n3A_104 : vector<16xi1>, vector<16xf32>
      %select_n3A_119 = arith.select %gt3A_116, %select_n3A_107, %select_n3A_118 : vector<16xi1>, vector<16xf32>
      %select_n3A_120 = arith.select %gt3A_117, %broadcast_in_dim3A_110, %select_n3A_106 : vector<16xi1>, vector<16xi32>
      %select_n3A_121 = arith.select %gt3A_116, %select_n3A_108, %select_n3A_120 : vector<16xi1>, vector<16xi32>
      %select_n3A_122 = arith.select %gt3A_116, %get3A_115, %select_n3A_107 : vector<16xi1>, vector<16xf32>
      %select_n3A_123 = arith.select %gt3A_116, %broadcast_in_dim3A_110, %select_n3A_108 : vector<16xi1>, vector<16xi32>
      %broadcast_in_dim3A_124 = arith.constant 8 : i32
      %broadcast_in_dim3A_125 = vector.broadcast %broadcast_in_dim3A_124 : i32 to vector<16xi32>
      %get3A_126 = arith.constant 8 : i32
      %get3A_127 = arith.index_cast %get3A_126 : i32 to index
      %get3A_128 = arith.index_cast %mul3A_14 : i32 to index
      %get3A_129 = tpu.vector_load %arg5[%get3A_127, %get3A_128] {strides = array<i32>} : memref<64x1024xf32, #tpu.memory_space<vmem>>, vector<1x16xf32>,
      %get3A_130 = vector.shape_cast %get3A_129 : vector<1x16xf32> to vector<16xf32>
      %gt3A_131 = arith.cmpf ogt, %get3A_130, %select_n3A_122 : vector<16xf32>
      %gt3A_132 = arith.cmpf ogt, %get3A_130, %select_n3A_119 : vector<16xf32>
      %select_n3A_133 = arith.select %gt3A_132, %get3A_130, %select_n3A_119 : vector<16xi1>, vector<16xf32>
      %select_n3A_134 = arith.select %gt3A_131, %select_n3A_122, %select_n3A_133 : vector<16xi1>, vector<16xf32>
      %select_n3A_135 = arith.select %gt3A_132, %broadcast_in_dim3A_125, %select_n3A_121 : vector<16xi1>, vector<16xi32>
      %select_n3A_136 = arith.select %gt3A_131, %select_n3A_123, %select_n3A_135 : vector<16xi1>, vector<16xi32>
      %select_n3A_137 = arith.select %gt3A_131, %get3A_130, %select_n3A_122 : vector<16xi1>, vector<16xf32>
      %select_n3A_138 = arith.select %gt3A_131, %broadcast_in_dim3A_125, %select_n3A_123 : vector<16xi1>, vector<16xi32>
      %broadcast_in_dim3A_139 = arith.constant 9 : i32
      %broadcast_in_dim3A_140 = vector.broadcast %broadcast_in_dim3A_139 : i32 to vector<16xi32>
      %get3A_141 = arith.constant 9 : i32
      %get3A_142 = arith.index_cast %get3A_141 : i32 to index
      %get3A_143 = arith.index_cast %mul3A_14 : i32 to index
      %get3A_144 = tpu.vector_load %arg5[%get3A_142, %get3A_143] {strides = array<i32>} : memref<64x1024xf32, #tpu.memory_space<vmem>>, vector<1x16xf32>,
      %get3A_145 = vector.shape_cast %get3A_144 : vector<1x16xf32> to vector<16xf32>
      %gt3A_146 = arith.cmpf ogt, %get3A_145, %select_n3A_137 : vector<16xf32>
      %gt3A_147 = arith.cmpf ogt, %get3A_145, %select_n3A_134 : vector<16xf32>
      %select_n3A_148 = arith.select %gt3A_147, %get3A_145, %select_n3A_134 : vector<16xi1>, vector<16xf32>
      %select_n3A_149 = arith.select %gt3A_146, %select_n3A_137, %select_n3A_148 : vector<16xi1>, vector<16xf32>
      %select_n3A_150 = arith.select %gt3A_147, %broadcast_in_dim3A_140, %select_n3A_136 : vector<16xi1>, vector<16xi32>
      %select_n3A_151 = arith.select %gt3A_146, %select_n3A_138, %select_n3A_150 : vector<16xi1>, vector<16xi32>
      %select_n3A_152 = arith.select %gt3A_146, %get3A_145, %select_n3A_137 : vector<16xi1>, vector<16xf32>
      %select_n3A_153 = arith.select %gt3A_146, %broadcast_in_dim3A_140, %select_n3A_138 : vector<16xi1>, vector<16xi32>
      %broadcast_in_dim3A_154 = arith.constant 10 : i32
      %broadcast_in_dim3A_155 = vector.broadcast %broadcast_in_dim3A_154 : i32 to vector<16xi32>
      %get3A_156 = arith.constant 10 : i32
      %get3A_157 = arith.index_cast %get3A_156 : i32 to index
      %get3A_158 = arith.index_cast %mul3A_14 : i32 to index
      %get3A_159 = tpu.vector_load %arg5[%get3A_157, %get3A_158] {strides = array<i32>} : memref<64x1024xf32, #tpu.memory_space<vmem>>, vector<1x16xf32>,
      %get3A_160 = vector.shape_cast %get3A_159 : vector<1x16xf32> to vector<16xf32>
      %gt3A_161 = arith.cmpf ogt, %get3A_160, %select_n3A_152 : vector<16xf32>
      %gt3A_162 = arith.cmpf ogt, %get3A_160, %select_n3A_149 : vector<16xf32>
      %select_n3A_163 = arith.select %gt3A_162, %get3A_160, %select_n3A_149 : vector<16xi1>, vector<16xf32>
      %select_n3A_164 = arith.select %gt3A_161, %select_n3A_152, %select_n3A_163 : vector<16xi1>, vector<16xf32>
      %select_n3A_165 = arith.select %gt3A_162, %broadcast_in_dim3A_155, %select_n3A_151 : vector<16xi1>, vector<16xi32>
      %select_n3A_166 = arith.select %gt3A_161, %select_n3A_153, %select_n3A_165 : vector<16xi1>, vector<16xi32>
      %select_n3A_167 = arith.select %gt3A_161, %get3A_160, %select_n3A_152 : vector<16xi1>, vector<16xf32>
      %select_n3A_168 = arith.select %gt3A_161, %broadcast_in_dim3A_155, %select_n3A_153 : vector<16xi1>, vector<16xi32>
      %broadcast_in_dim3A_169 = arith.constant 11 : i32
      %broadcast_in_dim3A_170 = vector.broadcast %broadcast_in_dim3A_169 : i32 to vector<16xi32>
      %get3A_171 = arith.constant 11 : i32
      %get3A_172 = arith.index_cast %get3A_171 : i32 to index
      %get3A_173 = arith.index_cast %mul3A_14 : i32 to index
      %get3A_174 = tpu.vector_load %arg5[%get3A_172, %get3A_173] {strides = array<i32>} : memref<64x1024xf32, #tpu.memory_space<vmem>>, vector<1x16xf32>,
      %get3A_175 = vector.shape_cast %get3A_174 : vector<1x16xf32> to vector<16xf32>
      %gt3A_176 = arith.cmpf ogt, %get3A_175, %select_n3A_167 : vector<16xf32>
      %gt3A_177 = arith.cmpf ogt, %get3A_175, %select_n3A_164 : vector<16xf32>
      %select_n3A_178 = arith.select %gt3A_177, %get3A_175, %select_n3A_164 : vector<16xi1>, vector<16xf32>
      %select_n3A_179 = arith.select %gt3A_176, %select_n3A_167, %select_n3A_178 : vector<16xi1>, vector<16xf32>
      %select_n3A_180 = arith.select %gt3A_177, %broadcast_in_dim3A_170, %select_n3A_166 : vector<16xi1>, vector<16xi32>
      %select_n3A_181 = arith.select %gt3A_176, %select_n3A_168, %select_n3A_180 : vector<16xi1>, vector<16xi32>
      %select_n3A_182 = arith.select %gt3A_176, %get3A_175, %select_n3A_167 : vector<16xi1>, vector<16xf32>
      %select_n3A_183 = arith.select %gt3A_176, %broadcast_in_dim3A_170, %select_n3A_168 : vector<16xi1>, vector<16xi32>
      %broadcast_in_dim3A_184 = arith.constant 12 : i32
      %broadcast_in_dim3A_185 = vector.broadcast %broadcast_in_dim3A_184 : i32 to vector<16xi32>
      %get3A_186 = arith.constant 12 : i32
      %get3A_187 = arith.index_cast %get3A_186 : i32 to index
      %get3A_188 = arith.index_cast %mul3A_14 : i32 to index
      %get3A_189 = tpu.vector_load %arg5[%get3A_187, %get3A_188] {strides = array<i32>} : memref<64x1024xf32, #tpu.memory_space<vmem>>, vector<1x16xf32>,
      %get3A_190 = vector.shape_cast %get3A_189 : vector<1x16xf32> to vector<16xf32>
      %gt3A_191 = arith.cmpf ogt, %get3A_190, %select_n3A_182 : vector<16xf32>
      %gt3A_192 = arith.cmpf ogt, %get3A_190, %select_n3A_179 : vector<16xf32>
      %select_n3A_193 = arith.select %gt3A_192, %get3A_190, %select_n3A_179 : vector<16xi1>, vector<16xf32>
      %select_n3A_194 = arith.select %gt3A_191, %select_n3A_182, %select_n3A_193 : vector<16xi1>, vector<16xf32>
      %select_n3A_195 = arith.select %gt3A_192, %broadcast_in_dim3A_185, %select_n3A_181 : vector<16xi1>, vector<16xi32>
      %select_n3A_196 = arith.select %gt3A_191, %select_n3A_183, %select_n3A_195 : vector<16xi1>, vector<16xi32>
      %select_n3A_197 = arith.select %gt3A_191, %get3A_190, %select_n3A_182 : vector<16xi1>, vector<16xf32>
      %select_n3A_198 = arith.select %gt3A_191, %broadcast_in_dim3A_185, %select_n3A_183 : vector<16xi1>, vector<16xi32>
      %broadcast_in_dim3A_199 = arith.constant 13 : i32
      %broadcast_in_dim3A_200 = vector.broadcast %broadcast_in_dim3A_199 : i32 to vector<16xi32>
      %get3A_201 = arith.constant 13 : i32
      %get3A_202 = arith.index_cast %get3A_201 : i32 to index
      %get3A_203 = arith.index_cast %mul3A_14 : i32 to index
      %get3A_204 = tpu.vector_load %arg5[%get3A_202, %get3A_203] {strides = array<i32>} : memref<64x1024xf32, #tpu.memory_space<vmem>>, vector<1x16xf32>,
      %get3A_205 = vector.shape_cast %get3A_204 : vector<1x16xf32> to vector<16xf32>
      %gt3A_206 = arith.cmpf ogt, %get3A_205, %select_n3A_197 : vector<16xf32>
      %gt3A_207 = arith.cmpf ogt, %get3A_205, %select_n3A_194 : vector<16xf32>
      %select_n3A_208 = arith.select %gt3A_207, %get3A_205, %select_n3A_194 : vector<16xi1>, vector<16xf32>
      %select_n3A_209 = arith.select %gt3A_206, %select_n3A_197, %select_n3A_208 : vector<16xi1>, vector<16xf32>
      %select_n3A_210 = arith.select %gt3A_207, %broadcast_in_dim3A_200, %select_n3A_196 : vector<16xi1>, vector<16xi32>
      %select_n3A_211 = arith.select %gt3A_206, %select_n3A_198, %select_n3A_210 : vector<16xi1>, vector<16xi32>
      %select_n3A_212 = arith.select %gt3A_206, %get3A_205, %select_n3A_197 : vector<16xi1>, vector<16xf32>
      %select_n3A_213 = arith.select %gt3A_206, %broadcast_in_dim3A_200, %select_n3A_198 : vector<16xi1>, vector<16xi32>
      %broadcast_in_dim3A_214 = arith.constant 14 : i32
      %broadcast_in_dim3A_215 = vector.broadcast %broadcast_in_dim3A_214 : i32 to vector<16xi32>
      %get3A_216 = arith.constant 14 : i32
      %get3A_217 = arith.index_cast %get3A_216 : i32 to index
      %get3A_218 = arith.index_cast %mul3A_14 : i32 to index
      %get3A_219 = tpu.vector_load %arg5[%get3A_217, %get3A_218] {strides = array<i32>} : memref<64x1024xf32, #tpu.memory_space<vmem>>, vector<1x16xf32>,
      %get3A_220 = vector.shape_cast %get3A_219 : vector<1x16xf32> to vector<16xf32>
      %gt3A_221 = arith.cmpf ogt, %get3A_220, %select_n3A_212 : vector<16xf32>
      %gt3A_222 = arith.cmpf ogt, %get3A_220, %select_n3A_209 : vector<16xf32>
      %select_n3A_223 = arith.select %gt3A_222, %get3A_220, %select_n3A_209 : vector<16xi1>, vector<16xf32>
      %select_n3A_224 = arith.select %gt3A_221, %select_n3A_212, %select_n3A_223 : vector<16xi1>, vector<16xf32>
      %select_n3A_225 = arith.select %gt3A_222, %broadcast_in_dim3A_215, %select_n3A_211 : vector<16xi1>, vector<16xi32>
      %select_n3A_226 = arith.select %gt3A_221, %select_n3A_213, %select_n3A_225 : vector<16xi1>, vector<16xi32>
      %select_n3A_227 = arith.select %gt3A_221, %get3A_220, %select_n3A_212 : vector<16xi1>, vector<16xf32>
      %select_n3A_228 = arith.select %gt3A_221, %broadcast_in_dim3A_215, %select_n3A_213 : vector<16xi1>, vector<16xi32>
      %broadcast_in_dim3A_229 = arith.constant 15 : i32
      %broadcast_in_dim3A_230 = vector.broadcast %broadcast_in_dim3A_229 : i32 to vector<16xi32>
      %get3A_231 = arith.constant 15 : i32
      %get3A_232 = arith.index_cast %get3A_231 : i32 to index
      %get3A_233 = arith.index_cast %mul3A_14 : i32 to index
      %get3A_234 = tpu.vector_load %arg5[%get3A_232, %get3A_233] {strides = array<i32>} : memref<64x1024xf32, #tpu.memory_space<vmem>>, vector<1x16xf32>,
      %get3A_235 = vector.shape_cast %get3A_234 : vector<1x16xf32> to vector<16xf32>
      %gt3A_236 = arith.cmpf ogt, %get3A_235, %select_n3A_227 : vector<16xf32>
      %gt3A_237 = arith.cmpf ogt, %get3A_235, %select_n3A_224 : vector<16xf32>
      %select_n3A_238 = arith.select %gt3A_237, %get3A_235, %select_n3A_224 : vector<16xi1>, vector<16xf32>
      %select_n3A_239 = arith.select %gt3A_236, %select_n3A_227, %select_n3A_238 : vector<16xi1>, vector<16xf32>
      %select_n3A_240 = arith.select %gt3A_237, %broadcast_in_dim3A_230, %select_n3A_226 : vector<16xi1>, vector<16xi32>
      %select_n3A_241 = arith.select %gt3A_236, %select_n3A_228, %select_n3A_240 : vector<16xi1>, vector<16xi32>
      %select_n3A_242 = arith.select %gt3A_236, %get3A_235, %select_n3A_227 : vector<16xi1>, vector<16xf32>
      %select_n3A_243 = arith.select %gt3A_236, %broadcast_in_dim3A_230, %select_n3A_228 : vector<16xi1>, vector<16xi32>
      %broadcast_in_dim3A_244 = arith.constant 16 : i32
      %broadcast_in_dim3A_245 = vector.broadcast %broadcast_in_dim3A_244 : i32 to vector<16xi32>
      %get3A_246 = arith.constant 16 : i32
      %get3A_247 = arith.index_cast %get3A_246 : i32 to index
      %get3A_248 = arith.index_cast %mul3A_14 : i32 to index
      %get3A_249 = tpu.vector_load %arg5[%get3A_247, %get3A_248] {strides = array<i32>} : memref<64x1024xf32, #tpu.memory_space<vmem>>, vector<1x16xf32>,
      %get3A_250 = vector.shape_cast %get3A_249 : vector<1x16xf32> to vector<16xf32>
      %gt3A_251 = arith.cmpf ogt, %get3A_250, %select_n3A_242 : vector<16xf32>
      %gt3A_252 = arith.cmpf ogt, %get3A_250, %select_n3A_239 : vector<16xf32>
      %select_n3A_253 = arith.select %gt3A_252, %get3A_250, %select_n3A_239 : vector<16xi1>, vector<16xf32>
      %select_n3A_254 = arith.select %gt3A_251, %select_n3A_242, %select_n3A_253 : vector<16xi1>, vector<16xf32>
      %select_n3A_255 = arith.select %gt3A_252, %broadcast_in_dim3A_245, %select_n3A_241 : vector<16xi1>, vector<16xi32>
      %select_n3A_256 = arith.select %gt3A_251, %select_n3A_243, %select_n3A_255 : vector<16xi1>, vector<16xi32>
      %select_n3A_257 = arith.select %gt3A_251, %get3A_250, %select_n3A_242 : vector<16xi1>, vector<16xf32>
      %select_n3A_258 = arith.select %gt3A_251, %broadcast_in_dim3A_245, %select_n3A_243 : vector<16xi1>, vector<16xi32>
      %broadcast_in_dim3A_259 = arith.constant 17 : i32
      %broadcast_in_dim3A_260 = vector.broadcast %broadcast_in_dim3A_259 : i32 to vector<16xi32>
      %get3A_261 = arith.constant 17 : i32
      %get3A_262 = arith.index_cast %get3A_261 : i32 to index
      %get3A_263 = arith.index_cast %mul3A_14 : i32 to index
      %get3A_264 = tpu.vector_load %arg5[%get3A_262, %get3A_263] {strides = array<i32>} : memref<64x1024xf32, #tpu.memory_space<vmem>>, vector<1x16xf32>,
      %get3A_265 = vector.shape_cast %get3A_264 : vector<1x16xf32> to vector<16xf32>
      %gt3A_266 = arith.cmpf ogt, %get3A_265, %select_n3A_257 : vector<16xf32>
      %gt3A_267 = arith.cmpf ogt, %get3A_265, %select_n3A_254 : vector<16xf32>
      %select_n3A_268 = arith.select %gt3A_267, %get3A_265, %select_n3A_254 : vector<16xi1>, vector<16xf32>
      %select_n3A_269 = arith.select %gt3A_266, %select_n3A_257, %select_n3A_268 : vector<16xi1>, vector<16xf32>
      %select_n3A_270 = arith.select %gt3A_267, %broadcast_in_dim3A_260, %select_n3A_256 : vector<16xi1>, vector<16xi32>
      %select_n3A_271 = arith.select %gt3A_266, %select_n3A_258, %select_n3A_270 : vector<16xi1>, vector<16xi32>
      %select_n3A_272 = arith.select %gt3A_266, %get3A_265, %select_n3A_257 : vector<16xi1>, vector<16xf32>
      %select_n3A_273 = arith.select %gt3A_266, %broadcast_in_dim3A_260, %select_n3A_258 : vector<16xi1>, vector<16xi32>
      %broadcast_in_dim3A_274 = arith.constant 18 : i32
      %broadcast_in_dim3A_275 = vector.broadcast %broadcast_in_dim3A_274 : i32 to vector<16xi32>
      %get3A_276 = arith.constant 18 : i32
      %get3A_277 = arith.index_cast %get3A_276 : i32 to index
      %get3A_278 = arith.index_cast %mul3A_14 : i32 to index
      %get3A_279 = tpu.vector_load %arg5[%get3A_277, %get3A_278] {strides = array<i32>} : memref<64x1024xf32, #tpu.memory_space<vmem>>, vector<1x16xf32>,
      %get3A_280 = vector.shape_cast %get3A_279 : vector<1x16xf32> to vector<16xf32>
      %gt3A_281 = arith.cmpf ogt, %get3A_280, %select_n3A_272 : vector<16xf32>
      %gt3A_282 = arith.cmpf ogt, %get3A_280, %select_n3A_269 : vector<16xf32>
      %select_n3A_283 = arith.select %gt3A_282, %get3A_280, %select_n3A_269 : vector<16xi1>, vector<16xf32>
      %select_n3A_284 = arith.select %gt3A_281, %select_n3A_272, %select_n3A_283 : vector<16xi1>, vector<16xf32>
      %select_n3A_285 = arith.select %gt3A_282, %broadcast_in_dim3A_275, %select_n3A_271 : vector<16xi1>, vector<16xi32>
      %select_n3A_286 = arith.select %gt3A_281, %select_n3A_273, %select_n3A_285 : vector<16xi1>, vector<16xi32>
      %select_n3A_287 = arith.select %gt3A_281, %get3A_280, %select_n3A_272 : vector<16xi1>, vector<16xf32>
      %select_n3A_288 = arith.select %gt3A_281, %broadcast_in_dim3A_275, %select_n3A_273 : vector<16xi1>, vector<16xi32>
      %broadcast_in_dim3A_289 = arith.constant 19 : i32
      %broadcast_in_dim3A_290 = vector.broadcast %broadcast_in_dim3A_289 : i32 to vector<16xi32>
      %get3A_291 = arith.constant 19 : i32
      %get3A_292 = arith.index_cast %get3A_291 : i32 to index
      %get3A_293 = arith.index_cast %mul3A_14 : i32 to index
      %get3A_294 = tpu.vector_load %arg5[%get3A_292, %get3A_293] {strides = array<i32>} : memref<64x1024xf32, #tpu.memory_space<vmem>>, vector<1x16xf32>,
      %get3A_295 = vector.shape_cast %get3A_294 : vector<1x16xf32> to vector<16xf32>
      %gt3A_296 = arith.cmpf ogt, %get3A_295, %select_n3A_287 : vector<16xf32>
      %gt3A_297 = arith.cmpf ogt, %get3A_295, %select_n3A_284 : vector<16xf32>
      %select_n3A_298 = arith.select %gt3A_297, %get3A_295, %select_n3A_284 : vector<16xi1>, vector<16xf32>
      %select_n3A_299 = arith.select %gt3A_296, %select_n3A_287, %select_n3A_298 : vector<16xi1>, vector<16xf32>
      %select_n3A_300 = arith.select %gt3A_297, %broadcast_in_dim3A_290, %select_n3A_286 : vector<16xi1>, vector<16xi32>
      %select_n3A_301 = arith.select %gt3A_296, %select_n3A_288, %select_n3A_300 : vector<16xi1>, vector<16xi32>
      %select_n3A_302 = arith.select %gt3A_296, %get3A_295, %select_n3A_287 : vector<16xi1>, vector<16xf32>
      %select_n3A_303 = arith.select %gt3A_296, %broadcast_in_dim3A_290, %select_n3A_288 : vector<16xi1>, vector<16xi32>
      %broadcast_in_dim3A_304 = arith.constant 20 : i32
      %broadcast_in_dim3A_305 = vector.broadcast %broadcast_in_dim3A_304 : i32 to vector<16xi32>
      %get3A_306 = arith.constant 20 : i32
      %get3A_307 = arith.index_cast %get3A_306 : i32 to index
      %get3A_308 = arith.index_cast %mul3A_14 : i32 to index
      %get3A_309 = tpu.vector_load %arg5[%get3A_307, %get3A_308] {strides = array<i32>} : memref<64x1024xf32, #tpu.memory_space<vmem>>, vector<1x16xf32>,
      %get3A_310 = vector.shape_cast %get3A_309 : vector<1x16xf32> to vector<16xf32>
      %gt3A_311 = arith.cmpf ogt, %get3A_310, %select_n3A_302 : vector<16xf32>
      %gt3A_312 = arith.cmpf ogt, %get3A_310, %select_n3A_299 : vector<16xf32>
      %select_n3A_313 = arith.select %gt3A_312, %get3A_310, %select_n3A_299 : vector<16xi1>, vector<16xf32>
      %select_n3A_314 = arith.select %gt3A_311, %select_n3A_302, %select_n3A_313 : vector<16xi1>, vector<16xf32>
      %select_n3A_315 = arith.select %gt3A_312, %broadcast_in_dim3A_305, %select_n3A_301 : vector<16xi1>, vector<16xi32>
      %select_n3A_316 = arith.select %gt3A_311, %select_n3A_303, %select_n3A_315 : vector<16xi1>, vector<16xi32>
      %select_n3A_317 = arith.select %gt3A_311, %get3A_310, %select_n3A_302 : vector<16xi1>, vector<16xf32>
      %select_n3A_318 = arith.select %gt3A_311, %broadcast_in_dim3A_305, %select_n3A_303 : vector<16xi1>, vector<16xi32>
      %broadcast_in_dim3A_319 = arith.constant 21 : i32
      %broadcast_in_dim3A_320 = vector.broadcast %broadcast_in_dim3A_319 : i32 to vector<16xi32>
      %get3A_321 = arith.constant 21 : i32
      %get3A_322 = arith.index_cast %get3A_321 : i32 to index
      %get3A_323 = arith.index_cast %mul3A_14 : i32 to index
      %get3A_324 = tpu.vector_load %arg5[%get3A_322, %get3A_323] {strides = array<i32>} : memref<64x1024xf32, #tpu.memory_space<vmem>>, vector<1x16xf32>,
      %get3A_325 = vector.shape_cast %get3A_324 : vector<1x16xf32> to vector<16xf32>
      %gt3A_326 = arith.cmpf ogt, %get3A_325, %select_n3A_317 : vector<16xf32>
      %gt3A_327 = arith.cmpf ogt, %get3A_325, %select_n3A_314 : vector<16xf32>
      %select_n3A_328 = arith.select %gt3A_327, %get3A_325, %select_n3A_314 : vector<16xi1>, vector<16xf32>
      %select_n3A_329 = arith.select %gt3A_326, %select_n3A_317, %select_n3A_328 : vector<16xi1>, vector<16xf32>
      %select_n3A_330 = arith.select %gt3A_327, %broadcast_in_dim3A_320, %select_n3A_316 : vector<16xi1>, vector<16xi32>
      %select_n3A_331 = arith.select %gt3A_326, %select_n3A_318, %select_n3A_330 : vector<16xi1>, vector<16xi32>
      %select_n3A_332 = arith.select %gt3A_326, %get3A_325, %select_n3A_317 : vector<16xi1>, vector<16xf32>
      %select_n3A_333 = arith.select %gt3A_326, %broadcast_in_dim3A_320, %select_n3A_318 : vector<16xi1>, vector<16xi32>
      %broadcast_in_dim3A_334 = arith.constant 22 : i32
      %broadcast_in_dim3A_335 = vector.broadcast %broadcast_in_dim3A_334 : i32 to vector<16xi32>
      %get3A_336 = arith.constant 22 : i32
      %get3A_337 = arith.index_cast %get3A_336 : i32 to index
      %get3A_338 = arith.index_cast %mul3A_14 : i32 to index
      %get3A_339 = tpu.vector_load %arg5[%get3A_337, %get3A_338] {strides = array<i32>} : memref<64x1024xf32, #tpu.memory_space<vmem>>, vector<1x16xf32>,
      %get3A_340 = vector.shape_cast %get3A_339 : vector<1x16xf32> to vector<16xf32>
      %gt3A_341 = arith.cmpf ogt, %get3A_340, %select_n3A_332 : vector<16xf32>
      %gt3A_342 = arith.cmpf ogt, %get3A_340, %select_n3A_329 : vector<16xf32>
      %select_n3A_343 = arith.select %gt3A_342, %get3A_340, %select_n3A_329 : vector<16xi1>, vector<16xf32>
      %select_n3A_344 = arith.select %gt3A_341, %select_n3A_332, %select_n3A_343 : vector<16xi1>, vector<16xf32>
      %select_n3A_345 = arith.select %gt3A_342, %broadcast_in_dim3A_335, %select_n3A_331 : vector<16xi1>, vector<16xi32>
      %select_n3A_346 = arith.select %gt3A_341, %select_n3A_333, %select_n3A_345 : vector<16xi1>, vector<16xi32>
      %select_n3A_347 = arith.select %gt3A_341, %get3A_340, %select_n3A_332 : vector<16xi1>, vector<16xf32>
      %select_n3A_348 = arith.select %gt3A_341, %broadcast_in_dim3A_335, %select_n3A_333 : vector<16xi1>, vector<16xi32>
      %broadcast_in_dim3A_349 = arith.constant 23 : i32
      %broadcast_in_dim3A_350 = vector.broadcast %broadcast_in_dim3A_349 : i32 to vector<16xi32>
      %get3A_351 = arith.constant 23 : i32
      %get3A_352 = arith.index_cast %get3A_351 : i32 to index
      %get3A_353 = arith.index_cast %mul3A_14 : i32 to index
      %get3A_354 = tpu.vector_load %arg5[%get3A_352, %get3A_353] {strides = array<i32>} : memref<64x1024xf32, #tpu.memory_space<vmem>>, vector<1x16xf32>,
      %get3A_355 = vector.shape_cast %get3A_354 : vector<1x16xf32> to vector<16xf32>
      %gt3A_356 = arith.cmpf ogt, %get3A_355, %select_n3A_347 : vector<16xf32>
      %gt3A_357 = arith.cmpf ogt, %get3A_355, %select_n3A_344 : vector<16xf32>
      %select_n3A_358 = arith.select %gt3A_357, %get3A_355, %select_n3A_344 : vector<16xi1>, vector<16xf32>
      %select_n3A_359 = arith.select %gt3A_356, %select_n3A_347, %select_n3A_358 : vector<16xi1>, vector<16xf32>
      %select_n3A_360 = arith.select %gt3A_357, %broadcast_in_dim3A_350, %select_n3A_346 : vector<16xi1>, vector<16xi32>
      %select_n3A_361 = arith.select %gt3A_356, %select_n3A_348, %select_n3A_360 : vector<16xi1>, vector<16xi32>
      %select_n3A_362 = arith.select %gt3A_356, %get3A_355, %select_n3A_347 : vector<16xi1>, vector<16xf32>
      %select_n3A_363 = arith.select %gt3A_356, %broadcast_in_dim3A_350, %select_n3A_348 : vector<16xi1>, vector<16xi32>
      %broadcast_in_dim3A_364 = arith.constant 24 : i32
      %broadcast_in_dim3A_365 = vector.broadcast %broadcast_in_dim3A_364 : i32 to vector<16xi32>
      %get3A_366 = arith.constant 24 : i32
      %get3A_367 = arith.index_cast %get3A_366 : i32 to index
      %get3A_368 = arith.index_cast %mul3A_14 : i32 to index
      %get3A_369 = tpu.vector_load %arg5[%get3A_367, %get3A_368] {strides = array<i32>} : memref<64x1024xf32, #tpu.memory_space<vmem>>, vector<1x16xf32>,
      %get3A_370 = vector.shape_cast %get3A_369 : vector<1x16xf32> to vector<16xf32>
      %gt3A_371 = arith.cmpf ogt, %get3A_370, %select_n3A_362 : vector<16xf32>
      %gt3A_372 = arith.cmpf ogt, %get3A_370, %select_n3A_359 : vector<16xf32>
      %select_n3A_373 = arith.select %gt3A_372, %get3A_370, %select_n3A_359 : vector<16xi1>, vector<16xf32>
      %select_n3A_374 = arith.select %gt3A_371, %select_n3A_362, %select_n3A_373 : vector<16xi1>, vector<16xf32>
      %select_n3A_375 = arith.select %gt3A_372, %broadcast_in_dim3A_365, %select_n3A_361 : vector<16xi1>, vector<16xi32>
      %select_n3A_376 = arith.select %gt3A_371, %select_n3A_363, %select_n3A_375 : vector<16xi1>, vector<16xi32>
      %select_n3A_377 = arith.select %gt3A_371, %get3A_370, %select_n3A_362 : vector<16xi1>, vector<16xf32>
      %select_n3A_378 = arith.select %gt3A_371, %broadcast_in_dim3A_365, %select_n3A_363 : vector<16xi1>, vector<16xi32>
      %broadcast_in_dim3A_379 = arith.constant 25 : i32
      %broadcast_in_dim3A_380 = vector.broadcast %broadcast_in_dim3A_379 : i32 to vector<16xi32>
      %get3A_381 = arith.constant 25 : i32
      %get3A_382 = arith.index_cast %get3A_381 : i32 to index
      %get3A_383 = arith.index_cast %mul3A_14 : i32 to index
      %get3A_384 = tpu.vector_load %arg5[%get3A_382, %get3A_383] {strides = array<i32>} : memref<64x1024xf32, #tpu.memory_space<vmem>>, vector<1x16xf32>,
      %get3A_385 = vector.shape_cast %get3A_384 : vector<1x16xf32> to vector<16xf32>
      %gt3A_386 = arith.cmpf ogt, %get3A_385, %select_n3A_377 : vector<16xf32>
      %gt3A_387 = arith.cmpf ogt, %get3A_385, %select_n3A_374 : vector<16xf32>
      %select_n3A_388 = arith.select %gt3A_387, %get3A_385, %select_n3A_374 : vector<16xi1>, vector<16xf32>
      %select_n3A_389 = arith.select %gt3A_386, %select_n3A_377, %select_n3A_388 : vector<16xi1>, vector<16xf32>
      %select_n3A_390 = arith.select %gt3A_387, %broadcast_in_dim3A_380, %select_n3A_376 : vector<16xi1>, vector<16xi32>
      %select_n3A_391 = arith.select %gt3A_386, %select_n3A_378, %select_n3A_390 : vector<16xi1>, vector<16xi32>
      %select_n3A_392 = arith.select %gt3A_386, %get3A_385, %select_n3A_377 : vector<16xi1>, vector<16xf32>
      %select_n3A_393 = arith.select %gt3A_386, %broadcast_in_dim3A_380, %select_n3A_378 : vector<16xi1>, vector<16xi32>
      %broadcast_in_dim3A_394 = arith.constant 26 : i32
      %broadcast_in_dim3A_395 = vector.broadcast %broadcast_in_dim3A_394 : i32 to vector<16xi32>
      %get3A_396 = arith.constant 26 : i32
      %get3A_397 = arith.index_cast %get3A_396 : i32 to index
      %get3A_398 = arith.index_cast %mul3A_14 : i32 to index
      %get3A_399 = tpu.vector_load %arg5[%get3A_397, %get3A_398] {strides = array<i32>} : memref<64x1024xf32, #tpu.memory_space<vmem>>, vector<1x16xf32>,
      %get3A_400 = vector.shape_cast %get3A_399 : vector<1x16xf32> to vector<16xf32>
      %gt3A_401 = arith.cmpf ogt, %get3A_400, %select_n3A_392 : vector<16xf32>
      %gt3A_402 = arith.cmpf ogt, %get3A_400, %select_n3A_389 : vector<16xf32>
      %select_n3A_403 = arith.select %gt3A_402, %get3A_400, %select_n3A_389 : vector<16xi1>, vector<16xf32>
      %select_n3A_404 = arith.select %gt3A_401, %select_n3A_392, %select_n3A_403 : vector<16xi1>, vector<16xf32>
      %select_n3A_405 = arith.select %gt3A_402, %broadcast_in_dim3A_395, %select_n3A_391 : vector<16xi1>, vector<16xi32>
      %select_n3A_406 = arith.select %gt3A_401, %select_n3A_393, %select_n3A_405 : vector<16xi1>, vector<16xi32>
      %select_n3A_407 = arith.select %gt3A_401, %get3A_400, %select_n3A_392 : vector<16xi1>, vector<16xf32>
      %select_n3A_408 = arith.select %gt3A_401, %broadcast_in_dim3A_395, %select_n3A_393 : vector<16xi1>, vector<16xi32>
      %broadcast_in_dim3A_409 = arith.constant 27 : i32
      %broadcast_in_dim3A_410 = vector.broadcast %broadcast_in_dim3A_409 : i32 to vector<16xi32>
      %get3A_411 = arith.constant 27 : i32
      %get3A_412 = arith.index_cast %get3A_411 : i32 to index
      %get3A_413 = arith.index_cast %mul3A_14 : i32 to index
      %get3A_414 = tpu.vector_load %arg5[%get3A_412, %get3A_413] {strides = array<i32>} : memref<64x1024xf32, #tpu.memory_space<vmem>>, vector<1x16xf32>,
      %get3A_415 = vector.shape_cast %get3A_414 : vector<1x16xf32> to vector<16xf32>
      %gt3A_416 = arith.cmpf ogt, %get3A_415, %select_n3A_407 : vector<16xf32>
      %gt3A_417 = arith.cmpf ogt, %get3A_415, %select_n3A_404 : vector<16xf32>
      %select_n3A_418 = arith.select %gt3A_417, %get3A_415, %select_n3A_404 : vector<16xi1>, vector<16xf32>
      %select_n3A_419 = arith.select %gt3A_416, %select_n3A_407, %select_n3A_418 : vector<16xi1>, vector<16xf32>
      %select_n3A_420 = arith.select %gt3A_417, %broadcast_in_dim3A_410, %select_n3A_406 : vector<16xi1>, vector<16xi32>
      %select_n3A_421 = arith.select %gt3A_416, %select_n3A_408, %select_n3A_420 : vector<16xi1>, vector<16xi32>
      %select_n3A_422 = arith.select %gt3A_416, %get3A_415, %select_n3A_407 : vector<16xi1>, vector<16xf32>
      %select_n3A_423 = arith.select %gt3A_416, %broadcast_in_dim3A_410, %select_n3A_408 : vector<16xi1>, vector<16xi32>
      %broadcast_in_dim3A_424 = arith.constant 28 : i32
      %broadcast_in_dim3A_425 = vector.broadcast %broadcast_in_dim3A_424 : i32 to vector<16xi32>
      %get3A_426 = arith.constant 28 : i32
      %get3A_427 = arith.index_cast %get3A_426 : i32 to index
      %get3A_428 = arith.index_cast %mul3A_14 : i32 to index
      %get3A_429 = tpu.vector_load %arg5[%get3A_427, %get3A_428] {strides = array<i32>} : memref<64x1024xf32, #tpu.memory_space<vmem>>, vector<1x16xf32>,
      %get3A_430 = vector.shape_cast %get3A_429 : vector<1x16xf32> to vector<16xf32>
      %gt3A_431 = arith.cmpf ogt, %get3A_430, %select_n3A_422 : vector<16xf32>
      %gt3A_432 = arith.cmpf ogt, %get3A_430, %select_n3A_419 : vector<16xf32>
      %select_n3A_433 = arith.select %gt3A_432, %get3A_430, %select_n3A_419 : vector<16xi1>, vector<16xf32>
      %select_n3A_434 = arith.select %gt3A_431, %select_n3A_422, %select_n3A_433 : vector<16xi1>, vector<16xf32>
      %select_n3A_435 = arith.select %gt3A_432, %broadcast_in_dim3A_425, %select_n3A_421 : vector<16xi1>, vector<16xi32>
      %select_n3A_436 = arith.select %gt3A_431, %select_n3A_423, %select_n3A_435 : vector<16xi1>, vector<16xi32>
      %select_n3A_437 = arith.select %gt3A_431, %get3A_430, %select_n3A_422 : vector<16xi1>, vector<16xf32>
      %select_n3A_438 = arith.select %gt3A_431, %broadcast_in_dim3A_425, %select_n3A_423 : vector<16xi1>, vector<16xi32>
      %broadcast_in_dim3A_439 = arith.constant 29 : i32
      %broadcast_in_dim3A_440 = vector.broadcast %broadcast_in_dim3A_439 : i32 to vector<16xi32>
      %get3A_441 = arith.constant 29 : i32
      %get3A_442 = arith.index_cast %get3A_441 : i32 to index
      %get3A_443 = arith.index_cast %mul3A_14 : i32 to index
      %get3A_444 = tpu.vector_load %arg5[%get3A_442, %get3A_443] {strides = array<i32>} : memref<64x1024xf32, #tpu.memory_space<vmem>>, vector<1x16xf32>,
      %get3A_445 = vector.shape_cast %get3A_444 : vector<1x16xf32> to vector<16xf32>
      %gt3A_446 = arith.cmpf ogt, %get3A_445, %select_n3A_437 : vector<16xf32>
      %gt3A_447 = arith.cmpf ogt, %get3A_445, %select_n3A_434 : vector<16xf32>
      %select_n3A_448 = arith.select %gt3A_447, %get3A_445, %select_n3A_434 : vector<16xi1>, vector<16xf32>
      %select_n3A_449 = arith.select %gt3A_446, %select_n3A_437, %select_n3A_448 : vector<16xi1>, vector<16xf32>
      %select_n3A_450 = arith.select %gt3A_447, %broadcast_in_dim3A_440, %select_n3A_436 : vector<16xi1>, vector<16xi32>
      %select_n3A_451 = arith.select %gt3A_446, %select_n3A_438, %select_n3A_450 : vector<16xi1>, vector<16xi32>
      %select_n3A_452 = arith.select %gt3A_446, %get3A_445, %select_n3A_437 : vector<16xi1>, vector<16xf32>
      %select_n3A_453 = arith.select %gt3A_446, %broadcast_in_dim3A_440, %select_n3A_438 : vector<16xi1>, vector<16xi32>
      %broadcast_in_dim3A_454 = arith.constant 30 : i32
      %broadcast_in_dim3A_455 = vector.broadcast %broadcast_in_dim3A_454 : i32 to vector<16xi32>
      %get3A_456 = arith.constant 30 : i32
      %get3A_457 = arith.index_cast %get3A_456 : i32 to index
      %get3A_458 = arith.index_cast %mul3A_14 : i32 to index
      %get3A_459 = tpu.vector_load %arg5[%get3A_457, %get3A_458] {strides = array<i32>} : memref<64x1024xf32, #tpu.memory_space<vmem>>, vector<1x16xf32>,
      %get3A_460 = vector.shape_cast %get3A_459 : vector<1x16xf32> to vector<16xf32>
      %gt3A_461 = arith.cmpf ogt, %get3A_460, %select_n3A_452 : vector<16xf32>
      %gt3A_462 = arith.cmpf ogt, %get3A_460, %select_n3A_449 : vector<16xf32>
      %select_n3A_463 = arith.select %gt3A_462, %get3A_460, %select_n3A_449 : vector<16xi1>, vector<16xf32>
      %select_n3A_464 = arith.select %gt3A_461, %select_n3A_452, %select_n3A_463 : vector<16xi1>, vector<16xf32>
      %select_n3A_465 = arith.select %gt3A_462, %broadcast_in_dim3A_455, %select_n3A_451 : vector<16xi1>, vector<16xi32>
      %select_n3A_466 = arith.select %gt3A_461, %select_n3A_453, %select_n3A_465 : vector<16xi1>, vector<16xi32>
      %select_n3A_467 = arith.select %gt3A_461, %get3A_460, %select_n3A_452 : vector<16xi1>, vector<16xf32>
      %select_n3A_468 = arith.select %gt3A_461, %broadcast_in_dim3A_455, %select_n3A_453 : vector<16xi1>, vector<16xi32>
      %broadcast_in_dim3A_469 = arith.constant 31 : i32
      %broadcast_in_dim3A_470 = vector.broadcast %broadcast_in_dim3A_469 : i32 to vector<16xi32>
      %get3A_471 = arith.constant 31 : i32
      %get3A_472 = arith.index_cast %get3A_471 : i32 to index
      %get3A_473 = arith.index_cast %mul3A_14 : i32 to index
      %get3A_474 = tpu.vector_load %arg5[%get3A_472, %get3A_473] {strides = array<i32>} : memref<64x1024xf32, #tpu.memory_space<vmem>>, vector<1x16xf32>,
      %get3A_475 = vector.shape_cast %get3A_474 : vector<1x16xf32> to vector<16xf32>
      %gt3A_476 = arith.cmpf ogt, %get3A_475, %select_n3A_467 : vector<16xf32>
      %gt3A_477 = arith.cmpf ogt, %get3A_475, %select_n3A_464 : vector<16xf32>
      %select_n3A_478 = arith.select %gt3A_477, %get3A_475, %select_n3A_464 : vector<16xi1>, vector<16xf32>
      %select_n3A_479 = arith.select %gt3A_476, %select_n3A_467, %select_n3A_478 : vector<16xi1>, vector<16xf32>
      %select_n3A_480 = arith.select %gt3A_477, %broadcast_in_dim3A_470, %select_n3A_466 : vector<16xi1>, vector<16xi32>
      %select_n3A_481 = arith.select %gt3A_476, %select_n3A_468, %select_n3A_480 : vector<16xi1>, vector<16xi32>
      %select_n3A_482 = arith.select %gt3A_476, %get3A_475, %select_n3A_467 : vector<16xi1>, vector<16xf32>
      %select_n3A_483 = arith.select %gt3A_476, %broadcast_in_dim3A_470, %select_n3A_468 : vector<16xi1>, vector<16xi32>
      %broadcast_in_dim3A_484 = arith.constant 32 : i32
      %broadcast_in_dim3A_485 = vector.broadcast %broadcast_in_dim3A_484 : i32 to vector<16xi32>
      %get3A_486 = arith.constant 32 : i32
      %get3A_487 = arith.index_cast %get3A_486 : i32 to index
      %get3A_488 = arith.index_cast %mul3A_14 : i32 to index
      %get3A_489 = tpu.vector_load %arg5[%get3A_487, %get3A_488] {strides = array<i32>} : memref<64x1024xf32, #tpu.memory_space<vmem>>, vector<1x16xf32>,
      %get3A_490 = vector.shape_cast %get3A_489 : vector<1x16xf32> to vector<16xf32>
      %gt3A_491 = arith.cmpf ogt, %get3A_490, %select_n3A_482 : vector<16xf32>
      %gt3A_492 = arith.cmpf ogt, %get3A_490, %select_n3A_479 : vector<16xf32>
      %select_n3A_493 = arith.select %gt3A_492, %get3A_490, %select_n3A_479 : vector<16xi1>, vector<16xf32>
      %select_n3A_494 = arith.select %gt3A_491, %select_n3A_482, %select_n3A_493 : vector<16xi1>, vector<16xf32>
      %select_n3A_495 = arith.select %gt3A_492, %broadcast_in_dim3A_485, %select_n3A_481 : vector<16xi1>, vector<16xi32>
      %select_n3A_496 = arith.select %gt3A_491, %select_n3A_483, %select_n3A_495 : vector<16xi1>, vector<16xi32>
      %select_n3A_497 = arith.select %gt3A_491, %get3A_490, %select_n3A_482 : vector<16xi1>, vector<16xf32>
      %select_n3A_498 = arith.select %gt3A_491, %broadcast_in_dim3A_485, %select_n3A_483 : vector<16xi1>, vector<16xi32>
      %broadcast_in_dim3A_499 = arith.constant 33 : i32
      %broadcast_in_dim3A_500 = vector.broadcast %broadcast_in_dim3A_499 : i32 to vector<16xi32>
      %get3A_501 = arith.constant 33 : i32
      %get3A_502 = arith.index_cast %get3A_501 : i32 to index
      %get3A_503 = arith.index_cast %mul3A_14 : i32 to index
      %get3A_504 = tpu.vector_load %arg5[%get3A_502, %get3A_503] {strides = array<i32>} : memref<64x1024xf32, #tpu.memory_space<vmem>>, vector<1x16xf32>,
      %get3A_505 = vector.shape_cast %get3A_504 : vector<1x16xf32> to vector<16xf32>
      %gt3A_506 = arith.cmpf ogt, %get3A_505, %select_n3A_497 : vector<16xf32>
      %gt3A_507 = arith.cmpf ogt, %get3A_505, %select_n3A_494 : vector<16xf32>
      %select_n3A_508 = arith.select %gt3A_507, %get3A_505, %select_n3A_494 : vector<16xi1>, vector<16xf32>
      %select_n3A_509 = arith.select %gt3A_506, %select_n3A_497, %select_n3A_508 : vector<16xi1>, vector<16xf32>
      %select_n3A_510 = arith.select %gt3A_507, %broadcast_in_dim3A_500, %select_n3A_496 : vector<16xi1>, vector<16xi32>
      %select_n3A_511 = arith.select %gt3A_506, %select_n3A_498, %select_n3A_510 : vector<16xi1>, vector<16xi32>
      %select_n3A_512 = arith.select %gt3A_506, %get3A_505, %select_n3A_497 : vector<16xi1>, vector<16xf32>
      %select_n3A_513 = arith.select %gt3A_506, %broadcast_in_dim3A_500, %select_n3A_498 : vector<16xi1>, vector<16xi32>
      %broadcast_in_dim3A_514 = arith.constant 34 : i32
      %broadcast_in_dim3A_515 = vector.broadcast %broadcast_in_dim3A_514 : i32 to vector<16xi32>
      %get3A_516 = arith.constant 34 : i32
      %get3A_517 = arith.index_cast %get3A_516 : i32 to index
      %get3A_518 = arith.index_cast %mul3A_14 : i32 to index
      %get3A_519 = tpu.vector_load %arg5[%get3A_517, %get3A_518] {strides = array<i32>} : memref<64x1024xf32, #tpu.memory_space<vmem>>, vector<1x16xf32>,
      %get3A_520 = vector.shape_cast %get3A_519 : vector<1x16xf32> to vector<16xf32>
      %gt3A_521 = arith.cmpf ogt, %get3A_520, %select_n3A_512 : vector<16xf32>
      %gt3A_522 = arith.cmpf ogt, %get3A_520, %select_n3A_509 : vector<16xf32>
      %select_n3A_523 = arith.select %gt3A_522, %get3A_520, %select_n3A_509 : vector<16xi1>, vector<16xf32>
      %select_n3A_524 = arith.select %gt3A_521, %select_n3A_512, %select_n3A_523 : vector<16xi1>, vector<16xf32>
      %select_n3A_525 = arith.select %gt3A_522, %broadcast_in_dim3A_515, %select_n3A_511 : vector<16xi1>, vector<16xi32>
      %select_n3A_526 = arith.select %gt3A_521, %select_n3A_513, %select_n3A_525 : vector<16xi1>, vector<16xi32>
      %select_n3A_527 = arith.select %gt3A_521, %get3A_520, %select_n3A_512 : vector<16xi1>, vector<16xf32>
      %select_n3A_528 = arith.select %gt3A_521, %broadcast_in_dim3A_515, %select_n3A_513 : vector<16xi1>, vector<16xi32>
      %broadcast_in_dim3A_529 = arith.constant 35 : i32
      %broadcast_in_dim3A_530 = vector.broadcast %broadcast_in_dim3A_529 : i32 to vector<16xi32>
      %get3A_531 = arith.constant 35 : i32
      %get3A_532 = arith.index_cast %get3A_531 : i32 to index
      %get3A_533 = arith.index_cast %mul3A_14 : i32 to index
      %get3A_534 = tpu.vector_load %arg5[%get3A_532, %get3A_533] {strides = array<i32>} : memref<64x1024xf32, #tpu.memory_space<vmem>>, vector<1x16xf32>,
      %get3A_535 = vector.shape_cast %get3A_534 : vector<1x16xf32> to vector<16xf32>
      %gt3A_536 = arith.cmpf ogt, %get3A_535, %select_n3A_527 : vector<16xf32>
      %gt3A_537 = arith.cmpf ogt, %get3A_535, %select_n3A_524 : vector<16xf32>
      %select_n3A_538 = arith.select %gt3A_537, %get3A_535, %select_n3A_524 : vector<16xi1>, vector<16xf32>
      %select_n3A_539 = arith.select %gt3A_536, %select_n3A_527, %select_n3A_538 : vector<16xi1>, vector<16xf32>
      %select_n3A_540 = arith.select %gt3A_537, %broadcast_in_dim3A_530, %select_n3A_526 : vector<16xi1>, vector<16xi32>
      %select_n3A_541 = arith.select %gt3A_536, %select_n3A_528, %select_n3A_540 : vector<16xi1>, vector<16xi32>
      %select_n3A_542 = arith.select %gt3A_536, %get3A_535, %select_n3A_527 : vector<16xi1>, vector<16xf32>
      %select_n3A_543 = arith.select %gt3A_536, %broadcast_in_dim3A_530, %select_n3A_528 : vector<16xi1>, vector<16xi32>
      %broadcast_in_dim3A_544 = arith.constant 36 : i32
      %broadcast_in_dim3A_545 = vector.broadcast %broadcast_in_dim3A_544 : i32 to vector<16xi32>
      %get3A_546 = arith.constant 36 : i32
      %get3A_547 = arith.index_cast %get3A_546 : i32 to index
      %get3A_548 = arith.index_cast %mul3A_14 : i32 to index
      %get3A_549 = tpu.vector_load %arg5[%get3A_547, %get3A_548] {strides = array<i32>} : memref<64x1024xf32, #tpu.memory_space<vmem>>, vector<1x16xf32>,
      %get3A_550 = vector.shape_cast %get3A_549 : vector<1x16xf32> to vector<16xf32>
      %gt3A_551 = arith.cmpf ogt, %get3A_550, %select_n3A_542 : vector<16xf32>
      %gt3A_552 = arith.cmpf ogt, %get3A_550, %select_n3A_539 : vector<16xf32>
      %select_n3A_553 = arith.select %gt3A_552, %get3A_550, %select_n3A_539 : vector<16xi1>, vector<16xf32>
      %select_n3A_554 = arith.select %gt3A_551, %select_n3A_542, %select_n3A_553 : vector<16xi1>, vector<16xf32>
      %select_n3A_555 = arith.select %gt3A_552, %broadcast_in_dim3A_545, %select_n3A_541 : vector<16xi1>, vector<16xi32>
      %select_n3A_556 = arith.select %gt3A_551, %select_n3A_543, %select_n3A_555 : vector<16xi1>, vector<16xi32>
      %select_n3A_557 = arith.select %gt3A_551, %get3A_550, %select_n3A_542 : vector<16xi1>, vector<16xf32>
      %select_n3A_558 = arith.select %gt3A_551, %broadcast_in_dim3A_545, %select_n3A_543 : vector<16xi1>, vector<16xi32>
      %broadcast_in_dim3A_559 = arith.constant 37 : i32
      %broadcast_in_dim3A_560 = vector.broadcast %broadcast_in_dim3A_559 : i32 to vector<16xi32>
      %get3A_561 = arith.constant 37 : i32
      %get3A_562 = arith.index_cast %get3A_561 : i32 to index
      %get3A_563 = arith.index_cast %mul3A_14 : i32 to index
      %get3A_564 = tpu.vector_load %arg5[%get3A_562, %get3A_563] {strides = array<i32>} : memref<64x1024xf32, #tpu.memory_space<vmem>>, vector<1x16xf32>,
      %get3A_565 = vector.shape_cast %get3A_564 : vector<1x16xf32> to vector<16xf32>
      %gt3A_566 = arith.cmpf ogt, %get3A_565, %select_n3A_557 : vector<16xf32>
      %gt3A_567 = arith.cmpf ogt, %get3A_565, %select_n3A_554 : vector<16xf32>
      %select_n3A_568 = arith.select %gt3A_567, %get3A_565, %select_n3A_554 : vector<16xi1>, vector<16xf32>
      %select_n3A_569 = arith.select %gt3A_566, %select_n3A_557, %select_n3A_568 : vector<16xi1>, vector<16xf32>
      %select_n3A_570 = arith.select %gt3A_567, %broadcast_in_dim3A_560, %select_n3A_556 : vector<16xi1>, vector<16xi32>
      %select_n3A_571 = arith.select %gt3A_566, %select_n3A_558, %select_n3A_570 : vector<16xi1>, vector<16xi32>
      %select_n3A_572 = arith.select %gt3A_566, %get3A_565, %select_n3A_557 : vector<16xi1>, vector<16xf32>
      %select_n3A_573 = arith.select %gt3A_566, %broadcast_in_dim3A_560, %select_n3A_558 : vector<16xi1>, vector<16xi32>
      %broadcast_in_dim3A_574 = arith.constant 38 : i32
      %broadcast_in_dim3A_575 = vector.broadcast %broadcast_in_dim3A_574 : i32 to vector<16xi32>
      %get3A_576 = arith.constant 38 : i32
      %get3A_577 = arith.index_cast %get3A_576 : i32 to index
      %get3A_578 = arith.index_cast %mul3A_14 : i32 to index
      %get3A_579 = tpu.vector_load %arg5[%get3A_577, %get3A_578] {strides = array<i32>} : memref<64x1024xf32, #tpu.memory_space<vmem>>, vector<1x16xf32>,
      %get3A_580 = vector.shape_cast %get3A_579 : vector<1x16xf32> to vector<16xf32>
      %gt3A_581 = arith.cmpf ogt, %get3A_580, %select_n3A_572 : vector<16xf32>
      %gt3A_582 = arith.cmpf ogt, %get3A_580, %select_n3A_569 : vector<16xf32>
      %select_n3A_583 = arith.select %gt3A_582, %get3A_580, %select_n3A_569 : vector<16xi1>, vector<16xf32>
      %select_n3A_584 = arith.select %gt3A_581, %select_n3A_572, %select_n3A_583 : vector<16xi1>, vector<16xf32>
      %select_n3A_585 = arith.select %gt3A_582, %broadcast_in_dim3A_575, %select_n3A_571 : vector<16xi1>, vector<16xi32>
      %select_n3A_586 = arith.select %gt3A_581, %select_n3A_573, %select_n3A_585 : vector<16xi1>, vector<16xi32>
      %select_n3A_587 = arith.select %gt3A_581, %get3A_580, %select_n3A_572 : vector<16xi1>, vector<16xf32>
      %select_n3A_588 = arith.select %gt3A_581, %broadcast_in_dim3A_575, %select_n3A_573 : vector<16xi1>, vector<16xi32>
      %broadcast_in_dim3A_589 = arith.constant 39 : i32
      %broadcast_in_dim3A_590 = vector.broadcast %broadcast_in_dim3A_589 : i32 to vector<16xi32>
      %get3A_591 = arith.constant 39 : i32
      %get3A_592 = arith.index_cast %get3A_591 : i32 to index
      %get3A_593 = arith.index_cast %mul3A_14 : i32 to index
      %get3A_594 = tpu.vector_load %arg5[%get3A_592, %get3A_593] {strides = array<i32>} : memref<64x1024xf32, #tpu.memory_space<vmem>>, vector<1x16xf32>,
      %get3A_595 = vector.shape_cast %get3A_594 : vector<1x16xf32> to vector<16xf32>
      %gt3A_596 = arith.cmpf ogt, %get3A_595, %select_n3A_587 : vector<16xf32>
      %gt3A_597 = arith.cmpf ogt, %get3A_595, %select_n3A_584 : vector<16xf32>
      %select_n3A_598 = arith.select %gt3A_597, %get3A_595, %select_n3A_584 : vector<16xi1>, vector<16xf32>
      %select_n3A_599 = arith.select %gt3A_596, %select_n3A_587, %select_n3A_598 : vector<16xi1>, vector<16xf32>
      %select_n3A_600 = arith.select %gt3A_597, %broadcast_in_dim3A_590, %select_n3A_586 : vector<16xi1>, vector<16xi32>
      %select_n3A_601 = arith.select %gt3A_596, %select_n3A_588, %select_n3A_600 : vector<16xi1>, vector<16xi32>
      %select_n3A_602 = arith.select %gt3A_596, %get3A_595, %select_n3A_587 : vector<16xi1>, vector<16xf32>
      %select_n3A_603 = arith.select %gt3A_596, %broadcast_in_dim3A_590, %select_n3A_588 : vector<16xi1>, vector<16xi32>
      %broadcast_in_dim3A_604 = arith.constant 40 : i32
      %broadcast_in_dim3A_605 = vector.broadcast %broadcast_in_dim3A_604 : i32 to vector<16xi32>
      %get3A_606 = arith.constant 40 : i32
      %get3A_607 = arith.index_cast %get3A_606 : i32 to index
      %get3A_608 = arith.index_cast %mul3A_14 : i32 to index
      %get3A_609 = tpu.vector_load %arg5[%get3A_607, %get3A_608] {strides = array<i32>} : memref<64x1024xf32, #tpu.memory_space<vmem>>, vector<1x16xf32>,
      %get3A_610 = vector.shape_cast %get3A_609 : vector<1x16xf32> to vector<16xf32>
      %gt3A_611 = arith.cmpf ogt, %get3A_610, %select_n3A_602 : vector<16xf32>
      %gt3A_612 = arith.cmpf ogt, %get3A_610, %select_n3A_599 : vector<16xf32>
      %select_n3A_613 = arith.select %gt3A_612, %get3A_610, %select_n3A_599 : vector<16xi1>, vector<16xf32>
      %select_n3A_614 = arith.select %gt3A_611, %select_n3A_602, %select_n3A_613 : vector<16xi1>, vector<16xf32>
      %select_n3A_615 = arith.select %gt3A_612, %broadcast_in_dim3A_605, %select_n3A_601 : vector<16xi1>, vector<16xi32>
      %select_n3A_616 = arith.select %gt3A_611, %select_n3A_603, %select_n3A_615 : vector<16xi1>, vector<16xi32>
      %select_n3A_617 = arith.select %gt3A_611, %get3A_610, %select_n3A_602 : vector<16xi1>, vector<16xf32>
      %select_n3A_618 = arith.select %gt3A_611, %broadcast_in_dim3A_605, %select_n3A_603 : vector<16xi1>, vector<16xi32>
      %broadcast_in_dim3A_619 = arith.constant 41 : i32
      %broadcast_in_dim3A_620 = vector.broadcast %broadcast_in_dim3A_619 : i32 to vector<16xi32>
      %get3A_621 = arith.constant 41 : i32
      %get3A_622 = arith.index_cast %get3A_621 : i32 to index
      %get3A_623 = arith.index_cast %mul3A_14 : i32 to index
      %get3A_624 = tpu.vector_load %arg5[%get3A_622, %get3A_623] {strides = array<i32>} : memref<64x1024xf32, #tpu.memory_space<vmem>>, vector<1x16xf32>,
      %get3A_625 = vector.shape_cast %get3A_624 : vector<1x16xf32> to vector<16xf32>
      %gt3A_626 = arith.cmpf ogt, %get3A_625, %select_n3A_617 : vector<16xf32>
      %gt3A_627 = arith.cmpf ogt, %get3A_625, %select_n3A_614 : vector<16xf32>
      %select_n3A_628 = arith.select %gt3A_627, %get3A_625, %select_n3A_614 : vector<16xi1>, vector<16xf32>
      %select_n3A_629 = arith.select %gt3A_626, %select_n3A_617, %select_n3A_628 : vector<16xi1>, vector<16xf32>
      %select_n3A_630 = arith.select %gt3A_627, %broadcast_in_dim3A_620, %select_n3A_616 : vector<16xi1>, vector<16xi32>
      %select_n3A_631 = arith.select %gt3A_626, %select_n3A_618, %select_n3A_630 : vector<16xi1>, vector<16xi32>
      %select_n3A_632 = arith.select %gt3A_626, %get3A_625, %select_n3A_617 : vector<16xi1>, vector<16xf32>
      %select_n3A_633 = arith.select %gt3A_626, %broadcast_in_dim3A_620, %select_n3A_618 : vector<16xi1>, vector<16xi32>
      %broadcast_in_dim3A_634 = arith.constant 42 : i32
      %broadcast_in_dim3A_635 = vector.broadcast %broadcast_in_dim3A_634 : i32 to vector<16xi32>
      %get3A_636 = arith.constant 42 : i32
      %get3A_637 = arith.index_cast %get3A_636 : i32 to index
      %get3A_638 = arith.index_cast %mul3A_14 : i32 to index
      %get3A_639 = tpu.vector_load %arg5[%get3A_637, %get3A_638] {strides = array<i32>} : memref<64x1024xf32, #tpu.memory_space<vmem>>, vector<1x16xf32>,
      %get3A_640 = vector.shape_cast %get3A_639 : vector<1x16xf32> to vector<16xf32>
      %gt3A_641 = arith.cmpf ogt, %get3A_640, %select_n3A_632 : vector<16xf32>
      %gt3A_642 = arith.cmpf ogt, %get3A_640, %select_n3A_629 : vector<16xf32>
      %select_n3A_643 = arith.select %gt3A_642, %get3A_640, %select_n3A_629 : vector<16xi1>, vector<16xf32>
      %select_n3A_644 = arith.select %gt3A_641, %select_n3A_632, %select_n3A_643 : vector<16xi1>, vector<16xf32>
      %select_n3A_645 = arith.select %gt3A_642, %broadcast_in_dim3A_635, %select_n3A_631 : vector<16xi1>, vector<16xi32>
      %select_n3A_646 = arith.select %gt3A_641, %select_n3A_633, %select_n3A_645 : vector<16xi1>, vector<16xi32>
      %select_n3A_647 = arith.select %gt3A_641, %get3A_640, %select_n3A_632 : vector<16xi1>, vector<16xf32>
      %select_n3A_648 = arith.select %gt3A_641, %broadcast_in_dim3A_635, %select_n3A_633 : vector<16xi1>, vector<16xi32>
      %broadcast_in_dim3A_649 = arith.constant 43 : i32
      %broadcast_in_dim3A_650 = vector.broadcast %broadcast_in_dim3A_649 : i32 to vector<16xi32>
      %get3A_651 = arith.constant 43 : i32
      %get3A_652 = arith.index_cast %get3A_651 : i32 to index
      %get3A_653 = arith.index_cast %mul3A_14 : i32 to index
      %get3A_654 = tpu.vector_load %arg5[%get3A_652, %get3A_653] {strides = array<i32>} : memref<64x1024xf32, #tpu.memory_space<vmem>>, vector<1x16xf32>,
      %get3A_655 = vector.shape_cast %get3A_654 : vector<1x16xf32> to vector<16xf32>
      %gt3A_656 = arith.cmpf ogt, %get3A_655, %select_n3A_647 : vector<16xf32>
      %gt3A_657 = arith.cmpf ogt, %get3A_655, %select_n3A_644 : vector<16xf32>
      %select_n3A_658 = arith.select %gt3A_657, %get3A_655, %select_n3A_644 : vector<16xi1>, vector<16xf32>
      %select_n3A_659 = arith.select %gt3A_656, %select_n3A_647, %select_n3A_658 : vector<16xi1>, vector<16xf32>
      %select_n3A_660 = arith.select %gt3A_657, %broadcast_in_dim3A_650, %select_n3A_646 : vector<16xi1>, vector<16xi32>
      %select_n3A_661 = arith.select %gt3A_656, %select_n3A_648, %select_n3A_660 : vector<16xi1>, vector<16xi32>
      %select_n3A_662 = arith.select %gt3A_656, %get3A_655, %select_n3A_647 : vector<16xi1>, vector<16xf32>
      %select_n3A_663 = arith.select %gt3A_656, %broadcast_in_dim3A_650, %select_n3A_648 : vector<16xi1>, vector<16xi32>
      %broadcast_in_dim3A_664 = arith.constant 44 : i32
      %broadcast_in_dim3A_665 = vector.broadcast %broadcast_in_dim3A_664 : i32 to vector<16xi32>
      %get3A_666 = arith.constant 44 : i32
      %get3A_667 = arith.index_cast %get3A_666 : i32 to index
      %get3A_668 = arith.index_cast %mul3A_14 : i32 to index
      %get3A_669 = tpu.vector_load %arg5[%get3A_667, %get3A_668] {strides = array<i32>} : memref<64x1024xf32, #tpu.memory_space<vmem>>, vector<1x16xf32>,
      %get3A_670 = vector.shape_cast %get3A_669 : vector<1x16xf32> to vector<16xf32>
      %gt3A_671 = arith.cmpf ogt, %get3A_670, %select_n3A_662 : vector<16xf32>
      %gt3A_672 = arith.cmpf ogt, %get3A_670, %select_n3A_659 : vector<16xf32>
      %select_n3A_673 = arith.select %gt3A_672, %get3A_670, %select_n3A_659 : vector<16xi1>, vector<16xf32>
      %select_n3A_674 = arith.select %gt3A_671, %select_n3A_662, %select_n3A_673 : vector<16xi1>, vector<16xf32>
      %select_n3A_675 = arith.select %gt3A_672, %broadcast_in_dim3A_665, %select_n3A_661 : vector<16xi1>, vector<16xi32>
      %select_n3A_676 = arith.select %gt3A_671, %select_n3A_663, %select_n3A_675 : vector<16xi1>, vector<16xi32>
      %select_n3A_677 = arith.select %gt3A_671, %get3A_670, %select_n3A_662 : vector<16xi1>, vector<16xf32>
      %select_n3A_678 = arith.select %gt3A_671, %broadcast_in_dim3A_665, %select_n3A_663 : vector<16xi1>, vector<16xi32>
      %broadcast_in_dim3A_679 = arith.constant 45 : i32
      %broadcast_in_dim3A_680 = vector.broadcast %broadcast_in_dim3A_679 : i32 to vector<16xi32>
      %get3A_681 = arith.constant 45 : i32
      %get3A_682 = arith.index_cast %get3A_681 : i32 to index
      %get3A_683 = arith.index_cast %mul3A_14 : i32 to index
      %get3A_684 = tpu.vector_load %arg5[%get3A_682, %get3A_683] {strides = array<i32>} : memref<64x1024xf32, #tpu.memory_space<vmem>>, vector<1x16xf32>,
      %get3A_685 = vector.shape_cast %get3A_684 : vector<1x16xf32> to vector<16xf32>
      %gt3A_686 = arith.cmpf ogt, %get3A_685, %select_n3A_677 : vector<16xf32>
      %gt3A_687 = arith.cmpf ogt, %get3A_685, %select_n3A_674 : vector<16xf32>
      %select_n3A_688 = arith.select %gt3A_687, %get3A_685, %select_n3A_674 : vector<16xi1>, vector<16xf32>
      %select_n3A_689 = arith.select %gt3A_686, %select_n3A_677, %select_n3A_688 : vector<16xi1>, vector<16xf32>
      %select_n3A_690 = arith.select %gt3A_687, %broadcast_in_dim3A_680, %select_n3A_676 : vector<16xi1>, vector<16xi32>
      %select_n3A_691 = arith.select %gt3A_686, %select_n3A_678, %select_n3A_690 : vector<16xi1>, vector<16xi32>
      %select_n3A_692 = arith.select %gt3A_686, %get3A_685, %select_n3A_677 : vector<16xi1>, vector<16xf32>
      %select_n3A_693 = arith.select %gt3A_686, %broadcast_in_dim3A_680, %select_n3A_678 : vector<16xi1>, vector<16xi32>
      %broadcast_in_dim3A_694 = arith.constant 46 : i32
      %broadcast_in_dim3A_695 = vector.broadcast %broadcast_in_dim3A_694 : i32 to vector<16xi32>
      %get3A_696 = arith.constant 46 : i32
      %get3A_697 = arith.index_cast %get3A_696 : i32 to index
      %get3A_698 = arith.index_cast %mul3A_14 : i32 to index
      %get3A_699 = tpu.vector_load %arg5[%get3A_697, %get3A_698] {strides = array<i32>} : memref<64x1024xf32, #tpu.memory_space<vmem>>, vector<1x16xf32>,
      %get3A_700 = vector.shape_cast %get3A_699 : vector<1x16xf32> to vector<16xf32>
      %gt3A_701 = arith.cmpf ogt, %get3A_700, %select_n3A_692 : vector<16xf32>
      %gt3A_702 = arith.cmpf ogt, %get3A_700, %select_n3A_689 : vector<16xf32>
      %select_n3A_703 = arith.select %gt3A_702, %get3A_700, %select_n3A_689 : vector<16xi1>, vector<16xf32>
      %select_n3A_704 = arith.select %gt3A_701, %select_n3A_692, %select_n3A_703 : vector<16xi1>, vector<16xf32>
      %select_n3A_705 = arith.select %gt3A_702, %broadcast_in_dim3A_695, %select_n3A_691 : vector<16xi1>, vector<16xi32>
      %select_n3A_706 = arith.select %gt3A_701, %select_n3A_693, %select_n3A_705 : vector<16xi1>, vector<16xi32>
      %select_n3A_707 = arith.select %gt3A_701, %get3A_700, %select_n3A_692 : vector<16xi1>, vector<16xf32>
      %select_n3A_708 = arith.select %gt3A_701, %broadcast_in_dim3A_695, %select_n3A_693 : vector<16xi1>, vector<16xi32>
      %broadcast_in_dim3A_709 = arith.constant 47 : i32
      %broadcast_in_dim3A_710 = vector.broadcast %broadcast_in_dim3A_709 : i32 to vector<16xi32>
      %get3A_711 = arith.constant 47 : i32
      %get3A_712 = arith.index_cast %get3A_711 : i32 to index
      %get3A_713 = arith.index_cast %mul3A_14 : i32 to index
      %get3A_714 = tpu.vector_load %arg5[%get3A_712, %get3A_713] {strides = array<i32>} : memref<64x1024xf32, #tpu.memory_space<vmem>>, vector<1x16xf32>,
      %get3A_715 = vector.shape_cast %get3A_714 : vector<1x16xf32> to vector<16xf32>
      %gt3A_716 = arith.cmpf ogt, %get3A_715, %select_n3A_707 : vector<16xf32>
      %gt3A_717 = arith.cmpf ogt, %get3A_715, %select_n3A_704 : vector<16xf32>
      %select_n3A_718 = arith.select %gt3A_717, %get3A_715, %select_n3A_704 : vector<16xi1>, vector<16xf32>
      %select_n3A_719 = arith.select %gt3A_716, %select_n3A_707, %select_n3A_718 : vector<16xi1>, vector<16xf32>
      %select_n3A_720 = arith.select %gt3A_717, %broadcast_in_dim3A_710, %select_n3A_706 : vector<16xi1>, vector<16xi32>
      %select_n3A_721 = arith.select %gt3A_716, %select_n3A_708, %select_n3A_720 : vector<16xi1>, vector<16xi32>
      %select_n3A_722 = arith.select %gt3A_716, %get3A_715, %select_n3A_707 : vector<16xi1>, vector<16xf32>
      %select_n3A_723 = arith.select %gt3A_716, %broadcast_in_dim3A_710, %select_n3A_708 : vector<16xi1>, vector<16xi32>
      %broadcast_in_dim3A_724 = arith.constant 48 : i32
      %broadcast_in_dim3A_725 = vector.broadcast %broadcast_in_dim3A_724 : i32 to vector<16xi32>
      %get3A_726 = arith.constant 48 : i32
      %get3A_727 = arith.index_cast %get3A_726 : i32 to index
      %get3A_728 = arith.index_cast %mul3A_14 : i32 to index
      %get3A_729 = tpu.vector_load %arg5[%get3A_727, %get3A_728] {strides = array<i32>} : memref<64x1024xf32, #tpu.memory_space<vmem>>, vector<1x16xf32>,
      %get3A_730 = vector.shape_cast %get3A_729 : vector<1x16xf32> to vector<16xf32>
      %gt3A_731 = arith.cmpf ogt, %get3A_730, %select_n3A_722 : vector<16xf32>
      %gt3A_732 = arith.cmpf ogt, %get3A_730, %select_n3A_719 : vector<16xf32>
      %select_n3A_733 = arith.select %gt3A_732, %get3A_730, %select_n3A_719 : vector<16xi1>, vector<16xf32>
      %select_n3A_734 = arith.select %gt3A_731, %select_n3A_722, %select_n3A_733 : vector<16xi1>, vector<16xf32>
      %select_n3A_735 = arith.select %gt3A_732, %broadcast_in_dim3A_725, %select_n3A_721 : vector<16xi1>, vector<16xi32>
      %select_n3A_736 = arith.select %gt3A_731, %select_n3A_723, %select_n3A_735 : vector<16xi1>, vector<16xi32>
      %select_n3A_737 = arith.select %gt3A_731, %get3A_730, %select_n3A_722 : vector<16xi1>, vector<16xf32>
      %select_n3A_738 = arith.select %gt3A_731, %broadcast_in_dim3A_725, %select_n3A_723 : vector<16xi1>, vector<16xi32>
      %broadcast_in_dim3A_739 = arith.constant 49 : i32
      %broadcast_in_dim3A_740 = vector.broadcast %broadcast_in_dim3A_739 : i32 to vector<16xi32>
      %get3A_741 = arith.constant 49 : i32
      %get3A_742 = arith.index_cast %get3A_741 : i32 to index
      %get3A_743 = arith.index_cast %mul3A_14 : i32 to index
      %get3A_744 = tpu.vector_load %arg5[%get3A_742, %get3A_743] {strides = array<i32>} : memref<64x1024xf32, #tpu.memory_space<vmem>>, vector<1x16xf32>,
      %get3A_745 = vector.shape_cast %get3A_744 : vector<1x16xf32> to vector<16xf32>
      %gt3A_746 = arith.cmpf ogt, %get3A_745, %select_n3A_737 : vector<16xf32>
      %gt3A_747 = arith.cmpf ogt, %get3A_745, %select_n3A_734 : vector<16xf32>
      %select_n3A_748 = arith.select %gt3A_747, %get3A_745, %select_n3A_734 : vector<16xi1>, vector<16xf32>
      %select_n3A_749 = arith.select %gt3A_746, %select_n3A_737, %select_n3A_748 : vector<16xi1>, vector<16xf32>
      %select_n3A_750 = arith.select %gt3A_747, %broadcast_in_dim3A_740, %select_n3A_736 : vector<16xi1>, vector<16xi32>
      %select_n3A_751 = arith.select %gt3A_746, %select_n3A_738, %select_n3A_750 : vector<16xi1>, vector<16xi32>
      %select_n3A_752 = arith.select %gt3A_746, %get3A_745, %select_n3A_737 : vector<16xi1>, vector<16xf32>
      %select_n3A_753 = arith.select %gt3A_746, %broadcast_in_dim3A_740, %select_n3A_738 : vector<16xi1>, vector<16xi32>
      %broadcast_in_dim3A_754 = arith.constant 50 : i32
      %broadcast_in_dim3A_755 = vector.broadcast %broadcast_in_dim3A_754 : i32 to vector<16xi32>
      %get3A_756 = arith.constant 50 : i32
      %get3A_757 = arith.index_cast %get3A_756 : i32 to index
      %get3A_758 = arith.index_cast %mul3A_14 : i32 to index
      %get3A_759 = tpu.vector_load %arg5[%get3A_757, %get3A_758] {strides = array<i32>} : memref<64x1024xf32, #tpu.memory_space<vmem>>, vector<1x16xf32>,
      %get3A_760 = vector.shape_cast %get3A_759 : vector<1x16xf32> to vector<16xf32>
      %gt3A_761 = arith.cmpf ogt, %get3A_760, %select_n3A_752 : vector<16xf32>
      %gt3A_762 = arith.cmpf ogt, %get3A_760, %select_n3A_749 : vector<16xf32>
      %select_n3A_763 = arith.select %gt3A_762, %get3A_760, %select_n3A_749 : vector<16xi1>, vector<16xf32>
      %select_n3A_764 = arith.select %gt3A_761, %select_n3A_752, %select_n3A_763 : vector<16xi1>, vector<16xf32>
      %select_n3A_765 = arith.select %gt3A_762, %broadcast_in_dim3A_755, %select_n3A_751 : vector<16xi1>, vector<16xi32>
      %select_n3A_766 = arith.select %gt3A_761, %select_n3A_753, %select_n3A_765 : vector<16xi1>, vector<16xi32>
      %select_n3A_767 = arith.select %gt3A_761, %get3A_760, %select_n3A_752 : vector<16xi1>, vector<16xf32>
      %select_n3A_768 = arith.select %gt3A_761, %broadcast_in_dim3A_755, %select_n3A_753 : vector<16xi1>, vector<16xi32>
      %broadcast_in_dim3A_769 = arith.constant 51 : i32
      %broadcast_in_dim3A_770 = vector.broadcast %broadcast_in_dim3A_769 : i32 to vector<16xi32>
      %get3A_771 = arith.constant 51 : i32
      %get3A_772 = arith.index_cast %get3A_771 : i32 to index
      %get3A_773 = arith.index_cast %mul3A_14 : i32 to index
      %get3A_774 = tpu.vector_load %arg5[%get3A_772, %get3A_773] {strides = array<i32>} : memref<64x1024xf32, #tpu.memory_space<vmem>>, vector<1x16xf32>,
      %get3A_775 = vector.shape_cast %get3A_774 : vector<1x16xf32> to vector<16xf32>
      %gt3A_776 = arith.cmpf ogt, %get3A_775, %select_n3A_767 : vector<16xf32>
      %gt3A_777 = arith.cmpf ogt, %get3A_775, %select_n3A_764 : vector<16xf32>
      %select_n3A_778 = arith.select %gt3A_777, %get3A_775, %select_n3A_764 : vector<16xi1>, vector<16xf32>
      %select_n3A_779 = arith.select %gt3A_776, %select_n3A_767, %select_n3A_778 : vector<16xi1>, vector<16xf32>
      %select_n3A_780 = arith.select %gt3A_777, %broadcast_in_dim3A_770, %select_n3A_766 : vector<16xi1>, vector<16xi32>
      %select_n3A_781 = arith.select %gt3A_776, %select_n3A_768, %select_n3A_780 : vector<16xi1>, vector<16xi32>
      %select_n3A_782 = arith.select %gt3A_776, %get3A_775, %select_n3A_767 : vector<16xi1>, vector<16xf32>
      %select_n3A_783 = arith.select %gt3A_776, %broadcast_in_dim3A_770, %select_n3A_768 : vector<16xi1>, vector<16xi32>
      %broadcast_in_dim3A_784 = arith.constant 52 : i32
      %broadcast_in_dim3A_785 = vector.broadcast %broadcast_in_dim3A_784 : i32 to vector<16xi32>
      %get3A_786 = arith.constant 52 : i32
      %get3A_787 = arith.index_cast %get3A_786 : i32 to index
      %get3A_788 = arith.index_cast %mul3A_14 : i32 to index
      %get3A_789 = tpu.vector_load %arg5[%get3A_787, %get3A_788] {strides = array<i32>} : memref<64x1024xf32, #tpu.memory_space<vmem>>, vector<1x16xf32>,
      %get3A_790 = vector.shape_cast %get3A_789 : vector<1x16xf32> to vector<16xf32>
      %gt3A_791 = arith.cmpf ogt, %get3A_790, %select_n3A_782 : vector<16xf32>
      %gt3A_792 = arith.cmpf ogt, %get3A_790, %select_n3A_779 : vector<16xf32>
      %select_n3A_793 = arith.select %gt3A_792, %get3A_790, %select_n3A_779 : vector<16xi1>, vector<16xf32>
      %select_n3A_794 = arith.select %gt3A_791, %select_n3A_782, %select_n3A_793 : vector<16xi1>, vector<16xf32>
      %select_n3A_795 = arith.select %gt3A_792, %broadcast_in_dim3A_785, %select_n3A_781 : vector<16xi1>, vector<16xi32>
      %select_n3A_796 = arith.select %gt3A_791, %select_n3A_783, %select_n3A_795 : vector<16xi1>, vector<16xi32>
      %select_n3A_797 = arith.select %gt3A_791, %get3A_790, %select_n3A_782 : vector<16xi1>, vector<16xf32>
      %select_n3A_798 = arith.select %gt3A_791, %broadcast_in_dim3A_785, %select_n3A_783 : vector<16xi1>, vector<16xi32>
      %broadcast_in_dim3A_799 = arith.constant 53 : i32
      %broadcast_in_dim3A_800 = vector.broadcast %broadcast_in_dim3A_799 : i32 to vector<16xi32>
      %get3A_801 = arith.constant 53 : i32
      %get3A_802 = arith.index_cast %get3A_801 : i32 to index
      %get3A_803 = arith.index_cast %mul3A_14 : i32 to index
      %get3A_804 = tpu.vector_load %arg5[%get3A_802, %get3A_803] {strides = array<i32>} : memref<64x1024xf32, #tpu.memory_space<vmem>>, vector<1x16xf32>,
      %get3A_805 = vector.shape_cast %get3A_804 : vector<1x16xf32> to vector<16xf32>
      %gt3A_806 = arith.cmpf ogt, %get3A_805, %select_n3A_797 : vector<16xf32>
      %gt3A_807 = arith.cmpf ogt, %get3A_805, %select_n3A_794 : vector<16xf32>
      %select_n3A_808 = arith.select %gt3A_807, %get3A_805, %select_n3A_794 : vector<16xi1>, vector<16xf32>
      %select_n3A_809 = arith.select %gt3A_806, %select_n3A_797, %select_n3A_808 : vector<16xi1>, vector<16xf32>
      %select_n3A_810 = arith.select %gt3A_807, %broadcast_in_dim3A_800, %select_n3A_796 : vector<16xi1>, vector<16xi32>
      %select_n3A_811 = arith.select %gt3A_806, %select_n3A_798, %select_n3A_810 : vector<16xi1>, vector<16xi32>
      %select_n3A_812 = arith.select %gt3A_806, %get3A_805, %select_n3A_797 : vector<16xi1>, vector<16xf32>
      %select_n3A_813 = arith.select %gt3A_806, %broadcast_in_dim3A_800, %select_n3A_798 : vector<16xi1>, vector<16xi32>
      %broadcast_in_dim3A_814 = arith.constant 54 : i32
      %broadcast_in_dim3A_815 = vector.broadcast %broadcast_in_dim3A_814 : i32 to vector<16xi32>
      %get3A_816 = arith.constant 54 : i32
      %get3A_817 = arith.index_cast %get3A_816 : i32 to index
      %get3A_818 = arith.index_cast %mul3A_14 : i32 to index
      %get3A_819 = tpu.vector_load %arg5[%get3A_817, %get3A_818] {strides = array<i32>} : memref<64x1024xf32, #tpu.memory_space<vmem>>, vector<1x16xf32>,
      %get3A_820 = vector.shape_cast %get3A_819 : vector<1x16xf32> to vector<16xf32>
      %gt3A_821 = arith.cmpf ogt, %get3A_820, %select_n3A_812 : vector<16xf32>
      %gt3A_822 = arith.cmpf ogt, %get3A_820, %select_n3A_809 : vector<16xf32>
      %select_n3A_823 = arith.select %gt3A_822, %get3A_820, %select_n3A_809 : vector<16xi1>, vector<16xf32>
      %select_n3A_824 = arith.select %gt3A_821, %select_n3A_812, %select_n3A_823 : vector<16xi1>, vector<16xf32>
      %select_n3A_825 = arith.select %gt3A_822, %broadcast_in_dim3A_815, %select_n3A_811 : vector<16xi1>, vector<16xi32>
      %select_n3A_826 = arith.select %gt3A_821, %select_n3A_813, %select_n3A_825 : vector<16xi1>, vector<16xi32>
      %select_n3A_827 = arith.select %gt3A_821, %get3A_820, %select_n3A_812 : vector<16xi1>, vector<16xf32>
      %select_n3A_828 = arith.select %gt3A_821, %broadcast_in_dim3A_815, %select_n3A_813 : vector<16xi1>, vector<16xi32>
      %broadcast_in_dim3A_829 = arith.constant 55 : i32
      %broadcast_in_dim3A_830 = vector.broadcast %broadcast_in_dim3A_829 : i32 to vector<16xi32>
      %get3A_831 = arith.constant 55 : i32
      %get3A_832 = arith.index_cast %get3A_831 : i32 to index
      %get3A_833 = arith.index_cast %mul3A_14 : i32 to index
      %get3A_834 = tpu.vector_load %arg5[%get3A_832, %get3A_833] {strides = array<i32>} : memref<64x1024xf32, #tpu.memory_space<vmem>>, vector<1x16xf32>,
      %get3A_835 = vector.shape_cast %get3A_834 : vector<1x16xf32> to vector<16xf32>
      %gt3A_836 = arith.cmpf ogt, %get3A_835, %select_n3A_827 : vector<16xf32>
      %gt3A_837 = arith.cmpf ogt, %get3A_835, %select_n3A_824 : vector<16xf32>
      %select_n3A_838 = arith.select %gt3A_837, %get3A_835, %select_n3A_824 : vector<16xi1>, vector<16xf32>
      %select_n3A_839 = arith.select %gt3A_836, %select_n3A_827, %select_n3A_838 : vector<16xi1>, vector<16xf32>
      %select_n3A_840 = arith.select %gt3A_837, %broadcast_in_dim3A_830, %select_n3A_826 : vector<16xi1>, vector<16xi32>
      %select_n3A_841 = arith.select %gt3A_836, %select_n3A_828, %select_n3A_840 : vector<16xi1>, vector<16xi32>
      %select_n3A_842 = arith.select %gt3A_836, %get3A_835, %select_n3A_827 : vector<16xi1>, vector<16xf32>
      %select_n3A_843 = arith.select %gt3A_836, %broadcast_in_dim3A_830, %select_n3A_828 : vector<16xi1>, vector<16xi32>
      %broadcast_in_dim3A_844 = arith.constant 56 : i32
      %broadcast_in_dim3A_845 = vector.broadcast %broadcast_in_dim3A_844 : i32 to vector<16xi32>
      %get3A_846 = arith.constant 56 : i32
      %get3A_847 = arith.index_cast %get3A_846 : i32 to index
      %get3A_848 = arith.index_cast %mul3A_14 : i32 to index
      %get3A_849 = tpu.vector_load %arg5[%get3A_847, %get3A_848] {strides = array<i32>} : memref<64x1024xf32, #tpu.memory_space<vmem>>, vector<1x16xf32>,
      %get3A_850 = vector.shape_cast %get3A_849 : vector<1x16xf32> to vector<16xf32>
      %gt3A_851 = arith.cmpf ogt, %get3A_850, %select_n3A_842 : vector<16xf32>
      %gt3A_852 = arith.cmpf ogt, %get3A_850, %select_n3A_839 : vector<16xf32>
      %select_n3A_853 = arith.select %gt3A_852, %get3A_850, %select_n3A_839 : vector<16xi1>, vector<16xf32>
      %select_n3A_854 = arith.select %gt3A_851, %select_n3A_842, %select_n3A_853 : vector<16xi1>, vector<16xf32>
      %select_n3A_855 = arith.select %gt3A_852, %broadcast_in_dim3A_845, %select_n3A_841 : vector<16xi1>, vector<16xi32>
      %select_n3A_856 = arith.select %gt3A_851, %select_n3A_843, %select_n3A_855 : vector<16xi1>, vector<16xi32>
      %select_n3A_857 = arith.select %gt3A_851, %get3A_850, %select_n3A_842 : vector<16xi1>, vector<16xf32>
      %select_n3A_858 = arith.select %gt3A_851, %broadcast_in_dim3A_845, %select_n3A_843 : vector<16xi1>, vector<16xi32>
      %broadcast_in_dim3A_859 = arith.constant 57 : i32
      %broadcast_in_dim3A_860 = vector.broadcast %broadcast_in_dim3A_859 : i32 to vector<16xi32>
      %get3A_861 = arith.constant 57 : i32
      %get3A_862 = arith.index_cast %get3A_861 : i32 to index
      %get3A_863 = arith.index_cast %mul3A_14 : i32 to index
      %get3A_864 = tpu.vector_load %arg5[%get3A_862, %get3A_863] {strides = array<i32>} : memref<64x1024xf32, #tpu.memory_space<vmem>>, vector<1x16xf32>,
      %get3A_865 = vector.shape_cast %get3A_864 : vector<1x16xf32> to vector<16xf32>
      %gt3A_866 = arith.cmpf ogt, %get3A_865, %select_n3A_857 : vector<16xf32>
      %gt3A_867 = arith.cmpf ogt, %get3A_865, %select_n3A_854 : vector<16xf32>
      %select_n3A_868 = arith.select %gt3A_867, %get3A_865, %select_n3A_854 : vector<16xi1>, vector<16xf32>
      %select_n3A_869 = arith.select %gt3A_866, %select_n3A_857, %select_n3A_868 : vector<16xi1>, vector<16xf32>
      %select_n3A_870 = arith.select %gt3A_867, %broadcast_in_dim3A_860, %select_n3A_856 : vector<16xi1>, vector<16xi32>
      %select_n3A_871 = arith.select %gt3A_866, %select_n3A_858, %select_n3A_870 : vector<16xi1>, vector<16xi32>
      %select_n3A_872 = arith.select %gt3A_866, %get3A_865, %select_n3A_857 : vector<16xi1>, vector<16xf32>
      %select_n3A_873 = arith.select %gt3A_866, %broadcast_in_dim3A_860, %select_n3A_858 : vector<16xi1>, vector<16xi32>
      %broadcast_in_dim3A_874 = arith.constant 58 : i32
      %broadcast_in_dim3A_875 = vector.broadcast %broadcast_in_dim3A_874 : i32 to vector<16xi32>
      %get3A_876 = arith.constant 58 : i32
      %get3A_877 = arith.index_cast %get3A_876 : i32 to index
      %get3A_878 = arith.index_cast %mul3A_14 : i32 to index
      %get3A_879 = tpu.vector_load %arg5[%get3A_877, %get3A_878] {strides = array<i32>} : memref<64x1024xf32, #tpu.memory_space<vmem>>, vector<1x16xf32>,
      %get3A_880 = vector.shape_cast %get3A_879 : vector<1x16xf32> to vector<16xf32>
      %gt3A_881 = arith.cmpf ogt, %get3A_880, %select_n3A_872 : vector<16xf32>
      %gt3A_882 = arith.cmpf ogt, %get3A_880, %select_n3A_869 : vector<16xf32>
      %select_n3A_883 = arith.select %gt3A_882, %get3A_880, %select_n3A_869 : vector<16xi1>, vector<16xf32>
      %select_n3A_884 = arith.select %gt3A_881, %select_n3A_872, %select_n3A_883 : vector<16xi1>, vector<16xf32>
      %select_n3A_885 = arith.select %gt3A_882, %broadcast_in_dim3A_875, %select_n3A_871 : vector<16xi1>, vector<16xi32>
      %select_n3A_886 = arith.select %gt3A_881, %select_n3A_873, %select_n3A_885 : vector<16xi1>, vector<16xi32>
      %select_n3A_887 = arith.select %gt3A_881, %get3A_880, %select_n3A_872 : vector<16xi1>, vector<16xf32>
      %select_n3A_888 = arith.select %gt3A_881, %broadcast_in_dim3A_875, %select_n3A_873 : vector<16xi1>, vector<16xi32>
      %broadcast_in_dim3A_889 = arith.constant 59 : i32
      %broadcast_in_dim3A_890 = vector.broadcast %broadcast_in_dim3A_889 : i32 to vector<16xi32>
      %get3A_891 = arith.constant 59 : i32
      %get3A_892 = arith.index_cast %get3A_891 : i32 to index
      %get3A_893 = arith.index_cast %mul3A_14 : i32 to index
      %get3A_894 = tpu.vector_load %arg5[%get3A_892, %get3A_893] {strides = array<i32>} : memref<64x1024xf32, #tpu.memory_space<vmem>>, vector<1x16xf32>,
      %get3A_895 = vector.shape_cast %get3A_894 : vector<1x16xf32> to vector<16xf32>
      %gt3A_896 = arith.cmpf ogt, %get3A_895, %select_n3A_887 : vector<16xf32>
      %gt3A_897 = arith.cmpf ogt, %get3A_895, %select_n3A_884 : vector<16xf32>
      %select_n3A_898 = arith.select %gt3A_897, %get3A_895, %select_n3A_884 : vector<16xi1>, vector<16xf32>
      %select_n3A_899 = arith.select %gt3A_896, %select_n3A_887, %select_n3A_898 : vector<16xi1>, vector<16xf32>
      %select_n3A_900 = arith.select %gt3A_897, %broadcast_in_dim3A_890, %select_n3A_886 : vector<16xi1>, vector<16xi32>
      %select_n3A_901 = arith.select %gt3A_896, %select_n3A_888, %select_n3A_900 : vector<16xi1>, vector<16xi32>
      %select_n3A_902 = arith.select %gt3A_896, %get3A_895, %select_n3A_887 : vector<16xi1>, vector<16xf32>
      %select_n3A_903 = arith.select %gt3A_896, %broadcast_in_dim3A_890, %select_n3A_888 : vector<16xi1>, vector<16xi32>
      %broadcast_in_dim3A_904 = arith.constant 60 : i32
      %broadcast_in_dim3A_905 = vector.broadcast %broadcast_in_dim3A_904 : i32 to vector<16xi32>
      %get3A_906 = arith.constant 60 : i32
      %get3A_907 = arith.index_cast %get3A_906 : i32 to index
      %get3A_908 = arith.index_cast %mul3A_14 : i32 to index
      %get3A_909 = tpu.vector_load %arg5[%get3A_907, %get3A_908] {strides = array<i32>} : memref<64x1024xf32, #tpu.memory_space<vmem>>, vector<1x16xf32>,
      %get3A_910 = vector.shape_cast %get3A_909 : vector<1x16xf32> to vector<16xf32>
      %gt3A_911 = arith.cmpf ogt, %get3A_910, %select_n3A_902 : vector<16xf32>
      %gt3A_912 = arith.cmpf ogt, %get3A_910, %select_n3A_899 : vector<16xf32>
      %select_n3A_913 = arith.select %gt3A_912, %get3A_910, %select_n3A_899 : vector<16xi1>, vector<16xf32>
      %select_n3A_914 = arith.select %gt3A_911, %select_n3A_902, %select_n3A_913 : vector<16xi1>, vector<16xf32>
      %select_n3A_915 = arith.select %gt3A_912, %broadcast_in_dim3A_905, %select_n3A_901 : vector<16xi1>, vector<16xi32>
      %select_n3A_916 = arith.select %gt3A_911, %select_n3A_903, %select_n3A_915 : vector<16xi1>, vector<16xi32>
      %select_n3A_917 = arith.select %gt3A_911, %get3A_910, %select_n3A_902 : vector<16xi1>, vector<16xf32>
      %select_n3A_918 = arith.select %gt3A_911, %broadcast_in_dim3A_905, %select_n3A_903 : vector<16xi1>, vector<16xi32>
      %broadcast_in_dim3A_919 = arith.constant 61 : i32
      %broadcast_in_dim3A_920 = vector.broadcast %broadcast_in_dim3A_919 : i32 to vector<16xi32>
      %get3A_921 = arith.constant 61 : i32
      %get3A_922 = arith.index_cast %get3A_921 : i32 to index
      %get3A_923 = arith.index_cast %mul3A_14 : i32 to index
      %get3A_924 = tpu.vector_load %arg5[%get3A_922, %get3A_923] {strides = array<i32>} : memref<64x1024xf32, #tpu.memory_space<vmem>>, vector<1x16xf32>,
      %get3A_925 = vector.shape_cast %get3A_924 : vector<1x16xf32> to vector<16xf32>
      %gt3A_926 = arith.cmpf ogt, %get3A_925, %select_n3A_917 : vector<16xf32>
      %gt3A_927 = arith.cmpf ogt, %get3A_925, %select_n3A_914 : vector<16xf32>
      %select_n3A_928 = arith.select %gt3A_927, %get3A_925, %select_n3A_914 : vector<16xi1>, vector<16xf32>
      %select_n3A_929 = arith.select %gt3A_926, %select_n3A_917, %select_n3A_928 : vector<16xi1>, vector<16xf32>
      %select_n3A_930 = arith.select %gt3A_927, %broadcast_in_dim3A_920, %select_n3A_916 : vector<16xi1>, vector<16xi32>
      %select_n3A_931 = arith.select %gt3A_926, %select_n3A_918, %select_n3A_930 : vector<16xi1>, vector<16xi32>
      %select_n3A_932 = arith.select %gt3A_926, %get3A_925, %select_n3A_917 : vector<16xi1>, vector<16xf32>
      %select_n3A_933 = arith.select %gt3A_926, %broadcast_in_dim3A_920, %select_n3A_918 : vector<16xi1>, vector<16xi32>
      %broadcast_in_dim3A_934 = arith.constant 62 : i32
      %broadcast_in_dim3A_935 = vector.broadcast %broadcast_in_dim3A_934 : i32 to vector<16xi32>
      %get3A_936 = arith.constant 62 : i32
      %get3A_937 = arith.index_cast %get3A_936 : i32 to index
      %get3A_938 = arith.index_cast %mul3A_14 : i32 to index
      %get3A_939 = tpu.vector_load %arg5[%get3A_937, %get3A_938] {strides = array<i32>} : memref<64x1024xf32, #tpu.memory_space<vmem>>, vector<1x16xf32>,
      %get3A_940 = vector.shape_cast %get3A_939 : vector<1x16xf32> to vector<16xf32>
      %gt3A_941 = arith.cmpf ogt, %get3A_940, %select_n3A_932 : vector<16xf32>
      %gt3A_942 = arith.cmpf ogt, %get3A_940, %select_n3A_929 : vector<16xf32>
      %select_n3A_943 = arith.select %gt3A_942, %get3A_940, %select_n3A_929 : vector<16xi1>, vector<16xf32>
      %select_n3A_944 = arith.select %gt3A_941, %select_n3A_932, %select_n3A_943 : vector<16xi1>, vector<16xf32>
      %select_n3A_945 = arith.select %gt3A_942, %broadcast_in_dim3A_935, %select_n3A_931 : vector<16xi1>, vector<16xi32>
      %select_n3A_946 = arith.select %gt3A_941, %select_n3A_933, %select_n3A_945 : vector<16xi1>, vector<16xi32>
      %select_n3A_947 = arith.select %gt3A_941, %get3A_940, %select_n3A_932 : vector<16xi1>, vector<16xf32>
      %select_n3A_948 = arith.select %gt3A_941, %broadcast_in_dim3A_935, %select_n3A_933 : vector<16xi1>, vector<16xi32>
      %broadcast_in_dim3A_949 = arith.constant 63 : i32
      %broadcast_in_dim3A_950 = vector.broadcast %broadcast_in_dim3A_949 : i32 to vector<16xi32>
      %get3A_951 = arith.constant 63 : i32
      %get3A_952 = arith.index_cast %get3A_951 : i32 to index
      %get3A_953 = arith.index_cast %mul3A_14 : i32 to index
      %get3A_954 = tpu.vector_load %arg5[%get3A_952, %get3A_953] {strides = array<i32>} : memref<64x1024xf32, #tpu.memory_space<vmem>>, vector<1x16xf32>,
      %get3A_955 = vector.shape_cast %get3A_954 : vector<1x16xf32> to vector<16xf32>
      %gt3A_956 = arith.cmpf ogt, %get3A_955, %select_n3A_947 : vector<16xf32>
      %gt3A_957 = arith.cmpf ogt, %get3A_955, %select_n3A_944 : vector<16xf32>
      %select_n3A_958 = arith.select %gt3A_957, %get3A_955, %select_n3A_944 : vector<16xi1>, vector<16xf32>
      %select_n3A_959 = arith.select %gt3A_956, %select_n3A_947, %select_n3A_958 : vector<16xi1>, vector<16xf32>
      %select_n3A_960 = arith.select %gt3A_957, %broadcast_in_dim3A_950, %select_n3A_946 : vector<16xi1>, vector<16xi32>
      %select_n3A_961 = arith.select %gt3A_956, %select_n3A_948, %select_n3A_960 : vector<16xi1>, vector<16xi32>
      %select_n3A_962 = arith.select %gt3A_956, %get3A_955, %select_n3A_947 : vector<16xi1>, vector<16xf32>
      %select_n3A_963 = arith.select %gt3A_956, %broadcast_in_dim3A_950, %select_n3A_948 : vector<16xi1>, vector<16xi32>
      %sub3A = arith.subf %select_n3A_959, %select_n3A_962 : vector<16xf32>
      %exp3A = math.exp %sub3A : vector<16xf32>
      %add3A_964 = arith.constant 1.000000e+00 : f32
      %add3A_965 = vector.broadcast %add3A_964 : f32 to vector<16xf32>
      %add3A_966 = arith.addf %add3A_965, %exp3A : vector<16xf32>
      %div3A = arith.constant 1.000000e+00 : f32
      %div3A_967 = vector.broadcast %div3A : f32 to vector<16xf32>
      %div3A_968 = arith.divf %div3A_967, %add3A_966 : vector<16xf32>
      %swap3A = arith.index_cast %mul3A_14 : i32 to index
      %swap3A_969 = tpu.vector_load %arg6[%swap3A] {strides = array<i32>} : memref<1024xf32, #tpu.memory_space<vmem>>, vector<16xf32>,
      %swap3A_970 = vector.shape_cast %swap3A_969 : vector<16xf32> to vector<16xf32>
      %swap3A_971 = vector.shape_cast %div3A_968 : vector<16xf32> to vector<16xf32>
      tpu.vector_store %arg6[%swap3A], %swap3A_971 {strides = array<i32>} : memref<1024xf32, #tpu.memory_space<vmem>>, vector<16xf32>,
      %div3A_972 = arith.divf %exp3A, %add3A_966 : vector<16xf32>
      %swap3A_973 = arith.index_cast %mul3A_14 : i32 to index
      %swap3A_974 = tpu.vector_load %arg7[%swap3A_973] {strides = array<i32>} : memref<1024xf32, #tpu.memory_space<vmem>>, vector<16xf32>,
      %swap3A_975 = vector.shape_cast %swap3A_974 : vector<16xf32> to vector<16xf32>
      %swap3A_976 = vector.shape_cast %div3A_972 : vector<16xf32> to vector<16xf32>
      tpu.vector_store %arg7[%swap3A_973], %swap3A_976 {strides = array<i32>} : memref<1024xf32, #tpu.memory_space<vmem>>, vector<16xf32>,
      %swap3A_977 = arith.index_cast %mul3A_14 : i32 to index
      %swap3A_978 = tpu.vector_load %arg8[%swap3A_977] {strides = array<i32>} : memref<1024xi32, #tpu.memory_space<vmem>>, vector<16xi32>,
      %swap3A_979 = vector.shape_cast %swap3A_978 : vector<16xi32> to vector<16xi32>
      %swap3A_980 = vector.shape_cast %select_n3A_963 : vector<16xi32> to vector<16xi32>
      tpu.vector_store %arg8[%swap3A_977], %swap3A_980 {strides = array<i32>} : memref<1024xi32, #tpu.memory_space<vmem>>, vector<16xi32>,
      %swap3A_981 = arith.index_cast %mul3A_14 : i32 to index
      %swap3A_982 = tpu.vector_load %arg9[%swap3A_981] {strides = array<i32>} : memref<1024xi32, #tpu.memory_space<vmem>>, vector<16xi32>,
      %swap3A_983 = vector.shape_cast %swap3A_982 : vector<16xi32> to vector<16xi32>
      %swap3A_984 = vector.shape_cast %select_n3A_961 : vector<16xi32> to vector<16xi32>
      tpu.vector_store %arg9[%swap3A_981], %swap3A_984 {strides = array<i32>} : memref<1024xi32, #tpu.memory_space<vmem>>, vector<16xi32>,
    }
    %scan3A_8 = arith.constant 64 : i32
    %run_scoped3A = arith.constant 0 : i32
    "tpu.region"() ({
      %run_scoped3A_12 = tpu.sem_alloc : memref<!tpu.dma_semaphore, #tpu.memory_space<semaphore_mem>>
      %dma_start3A = tpu.memref_slice %arg3[%run_scoped3A, %mul3A_2] : memref<2x32768xf32, #tpu.memory_space<hbm>> -> memref<1x1024xf32, #tpu.memory_space<hbm>>
      %dma_start3A_13 = tpu.memref_squeeze %dma_start3A : memref<1x1024xf32, #tpu.memory_space<hbm>> -> memref<1024xf32, #tpu.memory_space<hbm>>
      %dma_start3A_14 = tpu.memref_slice %arg3[%run_scoped3A, %mul3A_2] : memref<2x32768xf32, #tpu.memory_space<hbm>> -> memref<1x1024xf32, #tpu.memory_space<hbm>>
      %dma_start3A_15 = tpu.memref_squeeze %dma_start3A_14 : memref<1x1024xf32, #tpu.memory_space<hbm>> -> memref<1024xf32, #tpu.memory_space<hbm>>
      tpu.enqueue_dma source(%arg6 : memref<1024xf32, #tpu.memory_space<vmem>>) target(%dma_start3A_15 : memref<1024xf32, #tpu.memory_space<hbm>>) target_semaphore(%run_scoped3A_12 : memref<!tpu.dma_semaphore, #tpu.memory_space<semaphore_mem>>)
      %dma_wait3A = tpu.memref_slice %arg3[%run_scoped3A, %mul3A_2] : memref<2x32768xf32, #tpu.memory_space<hbm>> -> memref<1x1024xf32, #tpu.memory_space<hbm>>
      %dma_wait3A_16 = tpu.memref_squeeze %dma_wait3A : memref<1x1024xf32, #tpu.memory_space<hbm>> -> memref<1024xf32, #tpu.memory_space<hbm>>
      %dma_wait3A_17 = tpu.memref_slice %arg3[%run_scoped3A, %mul3A_2] : memref<2x32768xf32, #tpu.memory_space<hbm>> -> memref<1x1024xf32, #tpu.memory_space<hbm>>
      %dma_wait3A_18 = tpu.memref_squeeze %dma_wait3A_17 : memref<1x1024xf32, #tpu.memory_space<hbm>> -> memref<1024xf32, #tpu.memory_space<hbm>>
      tpu.wait_dma2 semaphore(%run_scoped3A_12 : memref<!tpu.dma_semaphore, #tpu.memory_space<semaphore_mem>>) src(%arg6 : memref<1024xf32, #tpu.memory_space<vmem>>) dst(%dma_wait3A_18 : memref<1024xf32, #tpu.memory_space<hbm>>)
      tpu.yield
    }) : () -> ()
    %run_scoped3A_9 = arith.constant 1 : i32
    "tpu.region"() ({
      %run_scoped3A_12 = tpu.sem_alloc : memref<!tpu.dma_semaphore, #tpu.memory_space<semaphore_mem>>
      %dma_start3A = tpu.memref_slice %arg3[%run_scoped3A_9, %mul3A_2] : memref<2x32768xf32, #tpu.memory_space<hbm>> -> memref<1x1024xf32, #tpu.memory_space<hbm>>
      %dma_start3A_13 = tpu.memref_squeeze %dma_start3A : memref<1x1024xf32, #tpu.memory_space<hbm>> -> memref<1024xf32, #tpu.memory_space<hbm>>
      %dma_start3A_14 = tpu.memref_slice %arg3[%run_scoped3A_9, %mul3A_2] : memref<2x32768xf32, #tpu.memory_space<hbm>> -> memref<1x1024xf32, #tpu.memory_space<hbm>>
      %dma_start3A_15 = tpu.memref_squeeze %dma_start3A_14 : memref<1x1024xf32, #tpu.memory_space<hbm>> -> memref<1024xf32, #tpu.memory_space<hbm>>
      tpu.enqueue_dma source(%arg7 : memref<1024xf32, #tpu.memory_space<vmem>>) target(%dma_start3A_15 : memref<1024xf32, #tpu.memory_space<hbm>>) target_semaphore(%run_scoped3A_12 : memref<!tpu.dma_semaphore, #tpu.memory_space<semaphore_mem>>)
      %dma_wait3A = tpu.memref_slice %arg3[%run_scoped3A_9, %mul3A_2] : memref<2x32768xf32, #tpu.memory_space<hbm>> -> memref<1x1024xf32, #tpu.memory_space<hbm>>
      %dma_wait3A_16 = tpu.memref_squeeze %dma_wait3A : memref<1x1024xf32, #tpu.memory_space<hbm>> -> memref<1024xf32, #tpu.memory_space<hbm>>
      %dma_wait3A_17 = tpu.memref_slice %arg3[%run_scoped3A_9, %mul3A_2] : memref<2x32768xf32, #tpu.memory_space<hbm>> -> memref<1x1024xf32, #tpu.memory_space<hbm>>
      %dma_wait3A_18 = tpu.memref_squeeze %dma_wait3A_17 : memref<1x1024xf32, #tpu.memory_space<hbm>> -> memref<1024xf32, #tpu.memory_space<hbm>>
      tpu.wait_dma2 semaphore(%run_scoped3A_12 : memref<!tpu.dma_semaphore, #tpu.memory_space<semaphore_mem>>) src(%arg7 : memref<1024xf32, #tpu.memory_space<vmem>>) dst(%dma_wait3A_18 : memref<1024xf32, #tpu.memory_space<hbm>>)
      tpu.yield
    }) : () -> ()
    %run_scoped3A_10 = arith.constant 0 : i32
    "tpu.region"() ({
      %run_scoped3A_12 = tpu.sem_alloc : memref<!tpu.dma_semaphore, #tpu.memory_space<semaphore_mem>>
      %dma_start3A = tpu.memref_slice %arg4[%run_scoped3A_10, %mul3A_2] : memref<2x32768xi32, #tpu.memory_space<hbm>> -> memref<1x1024xi32, #tpu.memory_space<hbm>>
      %dma_start3A_13 = tpu.memref_squeeze %dma_start3A : memref<1x1024xi32, #tpu.memory_space<hbm>> -> memref<1024xi32, #tpu.memory_space<hbm>>
      %dma_start3A_14 = tpu.memref_slice %arg4[%run_scoped3A_10, %mul3A_2] : memref<2x32768xi32, #tpu.memory_space<hbm>> -> memref<1x1024xi32, #tpu.memory_space<hbm>>
      %dma_start3A_15 = tpu.memref_squeeze %dma_start3A_14 : memref<1x1024xi32, #tpu.memory_space<hbm>> -> memref<1024xi32, #tpu.memory_space<hbm>>
      tpu.enqueue_dma source(%arg8 : memref<1024xi32, #tpu.memory_space<vmem>>) target(%dma_start3A_15 : memref<1024xi32, #tpu.memory_space<hbm>>) target_semaphore(%run_scoped3A_12 : memref<!tpu.dma_semaphore, #tpu.memory_space<semaphore_mem>>)
      %dma_wait3A = tpu.memref_slice %arg4[%run_scoped3A_10, %mul3A_2] : memref<2x32768xi32, #tpu.memory_space<hbm>> -> memref<1x1024xi32, #tpu.memory_space<hbm>>
      %dma_wait3A_16 = tpu.memref_squeeze %dma_wait3A : memref<1x1024xi32, #tpu.memory_space<hbm>> -> memref<1024xi32, #tpu.memory_space<hbm>>
      %dma_wait3A_17 = tpu.memref_slice %arg4[%run_scoped3A_10, %mul3A_2] : memref<2x32768xi32, #tpu.memory_space<hbm>> -> memref<1x1024xi32, #tpu.memory_space<hbm>>
      %dma_wait3A_18 = tpu.memref_squeeze %dma_wait3A_17 : memref<1x1024xi32, #tpu.memory_space<hbm>> -> memref<1024xi32, #tpu.memory_space<hbm>>
      tpu.wait_dma2 semaphore(%run_scoped3A_12 : memref<!tpu.dma_semaphore, #tpu.memory_space<semaphore_mem>>) src(%arg8 : memref<1024xi32, #tpu.memory_space<vmem>>) dst(%dma_wait3A_18 : memref<1024xi32, #tpu.memory_space<hbm>>)
      tpu.yield
    }) : () -> ()
    %run_scoped3A_11 = arith.constant 1 : i32
    "tpu.region"() ({
      %run_scoped3A_12 = tpu.sem_alloc : memref<!tpu.dma_semaphore, #tpu.memory_space<semaphore_mem>>
      %dma_start3A = tpu.memref_slice %arg4[%run_scoped3A_11, %mul3A_2] : memref<2x32768xi32, #tpu.memory_space<hbm>> -> memref<1x1024xi32, #tpu.memory_space<hbm>>
      %dma_start3A_13 = tpu.memref_squeeze %dma_start3A : memref<1x1024xi32, #tpu.memory_space<hbm>> -> memref<1024xi32, #tpu.memory_space<hbm>>
      %dma_start3A_14 = tpu.memref_slice %arg4[%run_scoped3A_11, %mul3A_2] : memref<2x32768xi32, #tpu.memory_space<hbm>> -> memref<1x1024xi32, #tpu.memory_space<hbm>>
      %dma_start3A_15 = tpu.memref_squeeze %dma_start3A_14 : memref<1x1024xi32, #tpu.memory_space<hbm>> -> memref<1024xi32, #tpu.memory_space<hbm>>
      tpu.enqueue_dma source(%arg9 : memref<1024xi32, #tpu.memory_space<vmem>>) target(%dma_start3A_15 : memref<1024xi32, #tpu.memory_space<hbm>>) target_semaphore(%run_scoped3A_12 : memref<!tpu.dma_semaphore, #tpu.memory_space<semaphore_mem>>)
      %dma_wait3A = tpu.memref_slice %arg4[%run_scoped3A_11, %mul3A_2] : memref<2x32768xi32, #tpu.memory_space<hbm>> -> memref<1x1024xi32, #tpu.memory_space<hbm>>
      %dma_wait3A_16 = tpu.memref_squeeze %dma_wait3A : memref<1x1024xi32, #tpu.memory_space<hbm>> -> memref<1024xi32, #tpu.memory_space<hbm>>
      %dma_wait3A_17 = tpu.memref_slice %arg4[%run_scoped3A_11, %mul3A_2] : memref<2x32768xi32, #tpu.memory_space<hbm>> -> memref<1x1024xi32, #tpu.memory_space<hbm>>
      %dma_wait3A_18 = tpu.memref_squeeze %dma_wait3A_17 : memref<1x1024xi32, #tpu.memory_space<hbm>> -> memref<1024xi32, #tpu.memory_space<hbm>>
      tpu.wait_dma2 semaphore(%run_scoped3A_12 : memref<!tpu.dma_semaphore, #tpu.memory_space<semaphore_mem>>) src(%arg9 : memref<1024xi32, #tpu.memory_space<vmem>>) dst(%dma_wait3A_18 : memref<1024xi32, #tpu.memory_space<hbm>>)
      tpu.yield
    }) : () -> ()
    return
  }
}

module attributes {stable_mosaic.version = 14 : i64} {
  func.func @_matmul_body(%arg0: i32, %arg1: memref<4096x768xf32, #tpu.memory_space<vmem>>, %arg2: memref<768x64xf32, #tpu.memory_space<vmem>>, %arg3: memref<4096x64xf32, #tpu.memory_space<vmem>>, %arg4: memref<64x4096xf32, #tpu.memory_space<vmem>>) attributes {dimension_semantics = [#tpu.dimension_semantics<arbitrary>], iteration_bounds = array<i64: 8>, scalar_prefetch = 0 : i64, scratch_operands = 0 : i64, tpu.core_type = #tpu.core_type<tc>, window_params = [{transform_indices = @transform_0, window_bounds = array<i64: 4096, 768>}, {pipeline_mode = #tpu.pipeline_mode<synchronous>, transform_indices = @transform_1, window_bounds = array<i64: 768, 64>}, {transform_indices = @transform_2, window_bounds = array<i64: 4096, 64>}, {transform_indices = @transform_3, window_bounds = array<i64: 64, 4096>}]} {
    %get3A = arith.constant 0 : index
    %get3A_0 = arith.constant 0 : index
    %get3A_1 = vector.load %arg1[%get3A, %get3A_0] : memref<4096x768xf32, #tpu.memory_space<vmem>>, vector<4096x768xf32>
    %get3A_2 = arith.constant 0 : index
    %get3A_3 = arith.constant 0 : index
    %get3A_4 = vector.load %arg2[%get3A_2, %get3A_3] : memref<768x64xf32, #tpu.memory_space<vmem>>, vector<768x64xf32>
    %dot_general3A = arith.constant dense<0.000000e+00> : vector<4096x64xf32>
    %dot_general3A_5 = tpu.matmul %get3A_1, %get3A_4, %dot_general3A {dimension_numbers = #tpu.dot_dimension_numbers<[1], [0], [0], [1], [0, 0, 1, 1], [], []>, transpose_lhs_hint = false} : vector<4096x768xf32>, vector<768x64xf32>, vector<4096x64xf32> -> vector<4096x64xf32>
    %swap3A = arith.constant 0 : index
    %swap3A_6 = arith.constant 0 : index
    %swap3A_7 = vector.load %arg3[%swap3A, %swap3A_6] : memref<4096x64xf32, #tpu.memory_space<vmem>>, vector<4096x64xf32>
    tpu.vector_store %arg3[%swap3A, %swap3A_6], %dot_general3A_5 {strides = array<i32>} : memref<4096x64xf32, #tpu.memory_space<vmem>>, vector<4096x64xf32>,
    %transpose3A = tpu.transpose %dot_general3A_5, [1, 0] : vector<4096x64xf32> -> vector<64x4096xf32>
    %swap3A_8 = arith.constant 0 : index
    %swap3A_9 = arith.constant 0 : index
    %swap3A_10 = vector.load %arg4[%swap3A_8, %swap3A_9] : memref<64x4096xf32, #tpu.memory_space<vmem>>, vector<64x4096xf32>
    tpu.vector_store %arg4[%swap3A_8, %swap3A_9], %transpose3A {strides = array<i32>} : memref<64x4096xf32, #tpu.memory_space<vmem>>, vector<64x4096xf32>,
    return
  }
  func.func @transform_0(%arg0: i32) -> (i32, i32) {
    %c0_i32 = arith.constant 0 : i32
    %c0_i32_0 = arith.constant 0 : i32
    return %arg0, %c0_i32 : i32, i32
  }
  func.func @transform_1(%arg0: i32) -> (i32, i32) {
    %c0_i32 = arith.constant 0 : i32
    %c0_i32_0 = arith.constant 0 : i32
    %c0_i32_1 = arith.constant 0 : i32
    return %c0_i32, %c0_i32_0 : i32, i32
  }
  func.func @transform_2(%arg0: i32) -> (i32, i32) {
    %c0_i32 = arith.constant 0 : i32
    %c0_i32_0 = arith.constant 0 : i32
    return %arg0, %c0_i32 : i32, i32
  }
  func.func @transform_3(%arg0: i32) -> (i32, i32) {
    %c0_i32 = arith.constant 0 : i32
    %c0_i32_0 = arith.constant 0 : i32
    return %c0_i32, %arg0 : i32, i32
  }
}

</mosaic_0001>

<sc_bundles>
// kernel: kernel.4.cloned.1.call-start
scs
__scs_entry_jumppad:
0x0: {  	(pc) =	sbr.rel $0x88, $3  }
0x1: {  	(tag) =	ssettag $0x0;
	lr =	simm.s32 $0x1  }
0x2: {  	[smem:$0x3F9F] =	sst lr;
	_ =	strace $0xD0000000  }
0x3: {  	_ = 	snop  }
0x4: {  	_ = 	snop  }
0x5: {  	_ = 	snop  }
0x6: {  	_ = 	snop  }
0x7: {  	_ = 	snop  }
__scs_overlays_trampoline_lowered:
0x8: {  	[smem:$0x3FAE] =	sst s0  }
0x9: {  	[smem:$0x3FAF] =	sst s1  }
0xa: {  	[smem:$0x3FB0] =	sst s2  }
0xb: {  	[smem:$0x3FB1] =	sst s3  }
0xc: {  	[smem:$0x3FB2] =	sst s4  }
0xd: {  	[smem:$0x3FB3] =	sst s5  }
0xe: {  	[smem:$0x3FB4] =	sst s6  }
0xf: {  	[smem:$0x3FB5] =	sst s7  }
0x10: {  	[smem:$0x3FB6] =	sst s8  }
0x11: {  	[smem:$0x3FB7] =	sst s9;
	s0 =	simm.s32 @!p0 $0x0  }
0x12: {  	s1 =	sld [smem:$0x3F9D];
	s0 =	simm.s32 @p0 $0x1  }
0x13: {  	[smem:$0x3FB8] =	sst s0;
	s0 =	simm.s32 @!p1 $0x0  }
0x14: {  	s2 =	sld [smem:$0x3F9C];
	s0 =	simm.s32 @p1 $0x1  }
0x15: {  	[smem:$0x3FB9] =	sst s0;
	s0 =	simm.s32 @!p2 $0x0  }
0x16: {  	s3 =	sld [smem:$0x3FDB];
	s0 =	simm.s32 @p2 $0x1  }
0x17: {  	s4 =	simm.s32 $0x1BF5;
	[smem:$0x3FBB] =	sst s0  }
0x18: {  	s0 =	sld [smem:$0x3F9E];
	_ =	swait.ge [sflag:s4], $0x0  }
0x19: {  	s7 =	sld [smem:$0x3F9F]  }
0x1a: {  	s8 =	sadd.s32 $0xFFFFE003, lr  }
0x1b: {  	s9 =	sadd.s32 $0xFFFFFEF7, lr;
	s5 =	simm.s32 $0xFFFFFFFF;
	p2 =	slt.u32 s8, $0xFFFFF086  }
0x1c: {  	p1 =	slt.u32 s9, $0xF7A;
	s5 =	simm.s32 @!p2 $0x0  }
0x1d: {  	s5 =	simm.s32 @p1 $0x1;
	p0 =	seq.s32 s7, s2  }
0x1e: {  	s7 =	smul.u32 @!p0 $0xF7A, s2;
	p2 =	seq.s32 @!p0 s5, $0x0  }
0x1f: {  	s9 =	smul.u32 $0xF7A, s1;
	s8 =	simm.s32 @!p0 $0x1BF5;
	p2 =	por !p2, p0  }
0x20: {  	[sflag:s8] =	ssyncset.s32 @!p0 $0xFFFFF086;
	s6 =	sadd.s32 @!p0 s3, s7;
	s7 =	simm.s32 @!p0 $0x108  }
0x21: {  	s3 =	sadd.s32 s3, s9;
	s6 =	sadd.s32 @!p0 $0x88, s6;
	s7 =	simm.s32 @p2 $0x1082  }
0x22: {  	[simem:s7], [sflag:s8] =	dma.local @!p0 [hbm:s6], $0xF7A  }
0x23: {  	s9 =	sor.u32 $0xD0000000, s2;
	s6 =	simm.s32 $0x108;
	_ =	swait.ge @!p0 [sflag:s8], $0x0  }
0x24: {  	s3 =	sadd.s32 $0x88, s3;
	s6 =	simm.s32 @!p1 $0x1082;
	[sflag:s4] =	ssyncset.s32 $0xFFFFF086  }
0x25: {  	[simem:s6], [sflag:s4] =	dma.local [hbm:s3], $0xF7A  }
0x26: {  	[smem:$0x3F9F] =	sst s1;
	(tag) =	ssettag s2;
	_ =	strace s9  }
0x27: {  	s1 =	sld [smem:$0x3FAF]  }
0x28: {  	s2 =	sld [smem:$0x3FB0]  }
0x29: {  	s4 =	sld [smem:$0x3FB2]  }
0x2a: {  	p0 =	seq.s32 s5, $0x0;
	s5 =	sld [smem:$0x3FB3]  }
0x2b: {  	s6 =	sld [smem:$0x3FB4]  }
0x2c: {  	s7 =	sld [smem:$0x3FB5]  }
0x2d: {  	s3 =	simm.s32 $0x108;
	s8 =	sld [smem:$0x3FB6]  }
0x2e: {  	s3 =	simm.s32 @!p0 $0x1082;
	s9 =	sld [smem:$0x3FB7]  }
0x2f: {  	lr =	sadd.s32 s0, s3;
	s0 =	sld [smem:$0x3FAE]  }
0x30: {  	s3 =	sld [smem:$0x3FB1]  }
0x31: {  	[smem:$0x3FBA] =	sst s10  }
0x32: {  	s10 =	sld [smem:$0x3FB8];
	_ =	sdelay $0x3  }
0x33: {  	p0 =	seq.s32 s10, $0x1;
	s10 =	sld [smem:$0x3FBA];
	_ =	sdelay $0x3  }
0x34: {  	[smem:$0x3FBA] =	sst s10  }
0x35: {  	s10 =	sld [smem:$0x3FB9];
	_ =	sdelay $0x3  }
0x36: {  	p1 =	seq.s32 s10, $0x1;
	s10 =	sld [smem:$0x3FBA];
	_ =	sdelay $0x3  }
0x37: {  	[smem:$0x3FBA] =	sst s10  }
0x38: {  	s10 =	sld [smem:$0x3FBB]  }
0x39: {  	_ = 	snop;
	(pc) =	sbr.ind lr, $3  }
0x3a: {  	_ = 	snop  }
0x3b: {  	_ = 	snop  }
0x3c: {  	p2 =	seq.s32 s10, $0x1;
	s10 =	sld [smem:$0x3FBA]  }
0x3d: {  	_ =	shalt  }
0x3e: {  	_ =	shalt  }
0x3f: {  	_ =	shalt  }
0x40: {  	_ =	shalt  }
0x41: {  	_ =	shalt  }
0x42: {  	_ =	shalt  }
0x43: {  	_ =	shalt  }
0x44: {  	_ =	shalt  }
0x45: {  	_ =	shalt  }
0x46: {  	_ =	shalt  }
0x47: {  	_ =	shalt  }
0x48: {  	_ =	shalt  }
0x49: {  	_ =	shalt  }
0x4a: {  	_ =	shalt  }
0x4b: {  	_ =	shalt  }
0x4c: {  	_ =	shalt  }
0x4d: {  	_ =	shalt  }
0x4e: {  	_ =	shalt  }
0x4f: {  	_ =	shalt  }
0x50: {  	_ =	shalt  }
0x51: {  	_ =	shalt  }
0x52: {  	_ =	shalt  }
0x53: {  	_ =	shalt  }
0x54: {  	_ =	shalt  }
0x55: {  	_ =	shalt  }
0x56: {  	_ =	shalt  }
0x57: {  	_ =	shalt  }
0x58: {  	_ =	shalt  }
0x59: {  	_ =	shalt  }
0x5a: {  	_ =	shalt  }
0x5b: {  	_ =	shalt  }
0x5c: {  	_ =	shalt  }
0x5d: {  	_ =	shalt  }
0x5e: {  	_ =	shalt  }
0x5f: {  	_ =	shalt  }
0x60: {  	_ =	shalt  }
0x61: {  	_ =	shalt  }
0x62: {  	_ =	shalt  }
0x63: {  	_ =	shalt  }
0x64: {  	_ =	shalt  }
0x65: {  	_ =	shalt  }
0x66: {  	_ =	shalt  }
0x67: {  	_ =	shalt  }
0x68: {  	_ =	shalt  }
0x69: {  	_ =	shalt  }
0x6a: {  	_ =	shalt  }
0x6b: {  	_ =	shalt  }
0x6c: {  	_ =	shalt  }
0x6d: {  	_ =	shalt  }
0x6e: {  	_ =	shalt  }
0x6f: {  	_ =	shalt  }
0x70: {  	_ =	shalt  }
0x71: {  	_ =	shalt  }
0x72: {  	_ =	shalt  }
0x73: {  	_ =	shalt  }
0x74: {  	_ =	shalt  }
0x75: {  	_ =	shalt  }
0x76: {  	_ =	shalt  }
0x77: {  	_ =	shalt  }
0x78: {  	_ =	shalt  }
0x79: {  	_ =	shalt  }
0x7a: {  	_ =	shalt  }
0x7b: {  	_ =	shalt  }
0x7c: {  	_ =	shalt  }
0x7d: {  	_ =	shalt  }
0x7e: {  	_ =	shalt  }
0x7f: {  	_ =	shalt  }
0x80: {  	_ =	shalt  }
0x81: {  	_ =	shalt  }
0x82: {  	_ =	shalt  }
0x83: {  	_ =	shalt  }
0x84: {  	_ =	shalt  }
0x85: {  	_ =	shalt  }
0x86: {  	_ =	shalt  }
0x87: {  	_ =	shalt  }
.Lfunc_end0:
.L_simem_size_0:
called_computation_lowered:
.L_overlay_start_0:
0x88: {  	s2 =	sld [smem:$0x3FD9]  }
0x89: {  	s3 =	sld [smem:$0x3FFE];
	_ =	sdelay $0x1  }
0x8a: {  	s1 =	srdreg.scid  }
0x8b: {  	s0 =	sand.u32 $0x1, s1  }
0x8c: {  	s14 =	sshll.u32 s0, $0xA;
	s2 =	sadd.s32 s3, s2  }
0x8d: {  	s2 =	sadd.s32 s2, s14  }
0x8e: {  	[smem:$0x3FC6] =	sst s2  }
0x8f: {  	_ = 	snop  }
0x90: {  	s2 =	sld [smem:$0x3FD0];
	_ =	sdelay $0x2  }
0x91: {  	s15 =	simm.s32 $0xA;
	s4 =	simm.s32 $0x10  }
0x92: {  	[smem:s4], [sflag:s15] =	dma.local [hbm:s2], $0x1  }
0x93: {  	_ =	swait.eq [sflag:s15], $0x1  }
0x94: {  	[sflag:s15] =	ssyncset.done $0x0  }
0x95: {  	s16 =	sld [smem:$0x10];
	[sflag:s15] =	ssyncadd.s32 $0xFFFFFFFF  }
0x96: {  	s17 =	sld [smem:$0x11];
	(tm) =	ssettm $0x1  }
0x97: {  	s18 =	sld [smem:$0x3FFB];
	_ =	sdelay $0x3  }
0x98: {  	_ =	strace s18  }
0x99: {  	s4 =	sld [smem:$0x3FFC];
	_ =	sdelay $0x3  }
0x9a: {  	_ =	strace s4  }
0x9b: {  	s4 =	sld [smem:$0x3FFD];
	_ =	sdelay $0x3  }
0x9c: {  	_ =	strace s4  }
0x9d: {  	_ =	strace $0x8FFFFFFF  }
0x9e: {  	s19 =	sld [smem:$0x3FDB];
	_ =	sdelay $0x1  }
0x9f: {  	s5 =	simm.s32 $_scs_section_size  }
0xa0: {  	s6 =	simm.s32 $_size__tile_overlayer_lowered;
	s7 =	simm.s32 $_tile_overlayer_lowered  }
0xa1: {  	s22 =	simm.s32 $0x1BFF;
	s21 =	sshll.u32 s7, $0x1;
	s4 =	sadd.s32 s5, s19  }
0xa2: {  	s8 =	simm.s32 $0x0;
	s20 =	sshll.u32 s6, $0x1;
	s6 =	sadd.s32 s21, s4  }
0xa3: {  	[timem:s8], [sflag:s22] =	dma.local [hbm:s6], s20  }
0xa4: {  	_ =	swait.ge [sflag:s22], s20  }
0xa5: {  	s5 =	ssub.s32 $0x0, s20;
	[sflag:s22] =	ssyncset.done $0x0  }
0xa6: {  	[sflag:s22] =	ssyncadd.s32 s5;
	_ =	sdelay $0x1  }
0xa7: {  	s23 =	simm.s32 $0x1B8B  }
0xa8: {  	_ =	swait.ge [sflag:s23], $0x1  }
0xa9: {  	[sflag:s23] =	ssyncset.done $0x0  }
0xaa: {  	s25 =	simm.s32 $0x1B8E;
	s24 =	sld [smem:$0x3FFE];
	[sflag:s23] =	ssyncadd.s32 $0xFFFFFFFF  }
0xab: {  	s26 =	simm.s32 $execute0_lowered;
	[smem:$0x3FD2] =	sst s25  }
0xac: {  	s6 =	sshll.u32 s26, $0x1;
	_ =	strace $0x80000046;
	[dreg:$0x1] =	wrdreg $0xFFFFFFFF  }
0xad: {  	s28 =	simm.s32 $_size_execute0_lowered;
	s4 =	sadd.s32 s4, s6;
	[dreg:$0x0] =	wrdreg $0x0  }
0xae: {  	s6 =	sshll.u32 s28, $0x1;
	[dreg:$0x2] =	wrdreg s4  }
0xaf: {  	[dreg:$0x3] =	wrdreg s6  }
0xb0: {  	[dreg:$0x4] =	wrdreg $0xC0  }
0xb1: {  	_ =	task [dreg:s8], $0x5FFFF  }
0xb2: {  	[dreg:$0x1] =	wrdreg $0xFFFFFFFF  }
0xb3: {  	[dreg:$0x0] =	wrdreg $0x60  }
0xb4: {  	[dreg:$0x2] =	wrdreg s24  }
0xb5: {  	[dreg:$0x3] =	wrdreg s17  }
0xb6: {  	[dreg:$0x4] =	wrdreg s16  }
0xb7: {  	[dreg:$0x5] =	wrdreg $0x9  }
0xb8: {  	_ =	task.clear_ibuf [dreg:s8], $0x6FFFF;
	_ =	strace $0x90000046  }
0xb9: {  	s29 =	simm.s32 $0x9;
	_ =	strace $0x80000048  }
0xba: {  	_ =	swait.ge [sflag:s29], $0x1  }
0xbb: {  	[sflag:s29] =	ssyncadd.s32 $0xFFFFFFFF  }
0xbc: {  	_ =	strace $0x90000048  }
0xbd: {  	_ =	sfence  }
0xbe: {  	s30 =	sld [smem:$0x0];
	_ =	sdelay $0x2  }
0xbf: {  	s31 =	sshll.u32 s1, $0xD;
	s1 =	sshrl.u32 s1, $0x2  }
0xc0: {  	s3 =	sand.u32 $0x4000, s31;
	s1 =	sadd.s32 s1, s30  }
0xc1: {  	s0 =	sor.u32 s3, s0;
	s1 =	sshll.u32 s1, $0x11  }
0xc2: {  	s0 =	sor.u32 s1, s0  }
0xc3: {  	s0 =	sadd.s32 $0x8F2B, s0  }
0xc4: {  	[sflag:s0] =	ssyncadd.remote.s32 $0x1  }
0xc5: {  	_ =	sfence.sel $0xFFFF  }
0xc6: {  	[dreg:$0x0] =	wrdreg $0xFFFFFFFF;
	(pc) =	sbr.abs _section_cstart, $3  }
0xc7: {  	[dreg:$0x1] =	wrdreg $0xFFFFFFFF  }
0xc8: {  	_ =	task.clear_ibuf [dreg:s8], $0x2FFFF;
	_ =	strace $0x9FFFFFFF  }
0xc9: {  	(tm) =	ssettm $0x7FFFFFFF  }
tec
execute0_lowered:
.L_overlay_start_1:
0x0: {  	(tag) =	ssettag $0x1  }
0x1: {  	s3 =	rddreg [dreg:$0x0]  }
0x2: {  	s5 =	rddreg [dreg:$0x1]  }
0x3: {  	s7 =	rddreg [dreg:$0x2]  }
0x4: {  	s0 =	rddreg [dreg:$0x3];
	s4 =	srdreg.scid  }
0x5: {  	s2 =	simm.s32 $0x0;
	s1 =	stileid.u32;
	s10 =	simm.s32 $0x40000  }
0x6: {  	s11 =	simm.s32 $0x1;
	s12 =	simm.s32 $0x80;
	s13 =	simm.s32 $0x100  }
0x7: {  	s14 =	simm.s32 $0x10000;
	s15 =	simm.s32 $0x10400;
	s16 =	simm.s32 $0x10800  }
0x8: {  	s17 =	simm.s32 $0x10C00;
	s18 =	simm.s32 $0x0;
	s4 =	sand.u32 $0x1, s4  }
0x9: {  	[smem:$0x7FF] =	sst s2;
	s6 =	sshll.u32 s1, $0xB;
	s8 =	sshll.u32 s4, $0xA  }
0xa: {  	_ =	strace $0x80000047;
	s4 =	ssub.s32 $0x2, s4;
	s6 =	sor.u32 s8, s6  }
0xb: {  	s31 =	sshrl.u32 s4, $0x1;
	s3 =	sadd.s32 s6, s3;
	s6 =	sshrl.u32 s6, $0x2  }
0xc: {  	s8 =	ssub.s32 s4, s31;
	s3 =	sadd.s32 $0x81200, s3;
	s9 =	sor.u32 $0x10, s6  }
0xd: {  	s4 =	sadd.s32 s5, s6;
	s6 =	sadd.s32 s7, s6;
	s8 =	smax.u32 s8, $0x1  }
0xe: {  	v0 =	vimm.s32 $0x0;
	s5 =	sadd.s32 s5, s9;
	s7 =	sadd.s32 s7, s9;
	s9 =	simm.s32 $0x2000  }
.LBB2_1:
0xf: {  	[tilespmem:s2], [sflag:$0x1] =	stream.strided.gather [hbm4b:s3+s9], $0x10000, s10, s9, $0x38;
	[tilespmem:$0x11000] =	vst v63  }
0x10: {  	_ =	swait.ge [sflag:s11], $0x10000  }
0x11: {  	s19 =	sand.u32 $0x70, s2;
	s20 =	sand.u32 $0x1C00, s2;
	[sflag:s11] =	ssyncset.done $0x0  }
0x12: {  	s19 =	sor.u32 s19, s20;
	[sflag:s11] =	ssyncadd.s32 $0xFFFF0000  }
0x13: {  	v1 =	vld [tilespmem:s19+$0x80]  }
0x14: {  	v2 =	vld [tilespmem:s19+$0x0];
	_ =	sdelay $0x2  }
0x15: {  	v3 =	vld [tilespmem:s19+$0x100]  }
0x16: {  	vm0 =	vlt.f32 v1, $-Inf;
	vm1 =	vgt.f32 v1, $-Inf  }
0x17: {  	v4 =	vimm.s32 $0x0;
	vm2 =	vgt.f32 v1, v2;
	vm3 =	vmor vm1, vm0  }
0x18: {  	v4 =	vsel vm2, $0xFFFFFFFF, v4;
	vm1 =	vmneg vm2;
	v41 =	vnsel vm3, $0xFF800000, v1  }
0x19: {  	v5 =	vld [tilespmem:s19+$0x180];
	[tilespmem:$0x1FB80] =	vst v4;
	v4 =	vsel vm1, v41, v2  }
0x1a: {  	v1 =	vsel vm1, v2, v1;
	v2 =	vimm.s32 $0x0;
	vm10 =	vgt.f32 v3, v4  }
0x1b: {  	v2 =	vsel vm10, $0xFFFFFFFF, v2  }
0x1c: {  	vm4 =	vgt.f32 v3, v1;
	[tilespmem:$0x1FB90] =	vst v2;
	v2 =	vsel vm10, v3, v4  }
0x1d: {  	v42 =	vld [tilespmem:s19+$0x200];
	v2 =	vsel vm4, v1, v2  }
0x1e: {  	v1 =	vsel vm4, v3, v1;
	v3 =	vimm.s32 $0x0;
	vm11 =	vgt.f32 v5, v2  }
0x1f: {  	v3 =	vsel vm11, $0xFFFFFFFF, v3  }
0x20: {  	vm5 =	vgt.f32 v5, v1;
	v2 =	vsel vm11, v5, v2;
	[tilespmem:$0x1FBA0] =	vst v3;
	v3 =	vld [tilespmem:s19+$0x280]  }
0x21: {  	v2 =	vsel vm5, v1, v2  }
0x22: {  	v1 =	vsel vm5, v5, v1;
	vm12 =	vgt.f32 v42, v2  }
0x23: {  	v44 =	vld [tilespmem:s19+$0x300];
	vm6 =	vgt.f32 v42, v1;
	v2 =	vsel vm12, v42, v2  }
0x24: {  	v2 =	vsel vm6, v1, v2  }
0x25: {  	v1 =	vsel vm6, v42, v1;
	vm13 =	vgt.f32 v3, v2  }
0x26: {  	vm7 =	vgt.f32 v3, v1;
	v2 =	vsel vm13, v3, v2  }
0x27: {  	v46 =	vld [tilespmem:s19+$0x380];
	v2 =	vsel vm7, v1, v2  }
0x28: {  	v1 =	vsel vm7, v3, v1;
	v3 =	vimm.s32 $0x0;
	vm14 =	vgt.f32 v44, v2  }
0x29: {  	v3 =	vsel vm14, $0xFFFFFFFF, v3  }
0x2a: {  	vm8 =	vgt.f32 v44, v1;
	v2 =	vsel vm14, v44, v2;
	[tilespmem:$0x1FBD0] =	vst v3;
	v3 =	vld [tilespmem:s19+$0x2000]  }
0x2b: {  	v2 =	vsel vm8, v1, v2  }
0x2c: {  	v1 =	vsel vm8, v44, v1;
	vm15 =	vgt.f32 v46, v2  }
0x2d: {  	v48 =	vld [tilespmem:s19+$0x2080];
	vm9 =	vgt.f32 v46, v1;
	v2 =	vsel vm15, v46, v2  }
0x2e: {  	v43 =	vimm.s32 $0x0;
	v2 =	vsel vm9, v1, v2  }
0x2f: {  	v5 =	vsel vm12, $0xFFFFFFFF, v43;
	v1 =	vsel vm9, v46, v1;
	vm12 =	vgt.f32 v3, v2  }
0x30: {  	v45 =	vimm.s32 $0x0;
	vm10 =	vgt.f32 v3, v1;
	v2 =	vsel vm12, v3, v2  }
0x31: {  	v50 =	vld [tilespmem:s19+$0x2100];
	v4 =	vsel vm13, $0xFFFFFFFF, v45;
	v2 =	vsel vm10, v1, v2  }
0x32: {  	v1 =	vsel vm10, v3, v1;
	v3 =	vimm.s32 $0x0;
	vm13 =	vgt.f32 v48, v2  }
0x33: {  	v3 =	vsel vm13, $0xFFFFFFFF, v3  }
0x34: {  	vm11 =	vgt.f32 v48, v1;
	v2 =	vsel vm13, v48, v2;
	[tilespmem:$0x1FC00] =	vst v3;
	v3 =	vld [tilespmem:s19+$0x2180]  }
0x35: {  	v2 =	vsel vm11, v1, v2  }
0x36: {  	v49 =	vimm.s32 $0x0;
	v1 =	vsel vm11, v48, v1;
	vm14 =	vgt.f32 v50, v2  }
0x37: {  	v52 =	vld [tilespmem:s19+$0x2200];
	[tilespmem:$0x1FBC0] =	vst v4;
	v4 =	vsel vm12, $0xFFFFFFFF, v49;
	vm12 =	vgt.f32 v50, v1;
	v2 =	vsel vm14, v50, v2  }
0x38: {  	v47 =	vimm.s32 $0x0;
	v2 =	vsel vm12, v1, v2  }
0x39: {  	[tilespmem:$0x1FBB0] =	vst v5;
	v5 =	vsel vm15, $0xFFFFFFFF, v47;
	v1 =	vsel vm12, v50, v1;
	vm15 =	vgt.f32 v3, v2  }
0x3a: {  	vm2 =	vgt.f32 v3, v1;
	v2 =	vsel vm15, v3, v2  }
0x3b: {  	v54 =	vld [tilespmem:s19+$0x2280];
	v2 =	vsel vm2, v1, v2  }
0x3c: {  	v1 =	vsel vm2, v3, v1;
	v3 =	vimm.s32 $0x0;
	vm13 =	vgt.f32 v52, v2  }
0x3d: {  	v3 =	vsel vm13, $0xFFFFFFFF, v3  }
0x3e: {  	v51 =	vimm.s32 $0x0;
	v2 =	vsel vm13, v52, v2;
	vm13 =	vgt.f32 v52, v1;
	[tilespmem:$0x1FC30] =	vst v3;
	v3 =	vld [tilespmem:s19+$0x2300]  }
0x3f: {  	v53 =	vimm.s32 $0x0;
	v55 =	vimm.s32 $0x0;
	v2 =	vsel vm13, v1, v2  }
0x40: {  	[tilespmem:$0x1FBE0] =	vst v5;
	v5 =	vsel vm14, $0xFFFFFFFF, v51;
	v1 =	vsel vm13, v52, v1;
	vm14 =	vgt.f32 v54, v2  }
0x41: {  	v56 =	vld [tilespmem:s19+$0x2380];
	[tilespmem:$0x1FC10] =	vst v5;
	v5 =	vsel vm14, $0xFFFFFFFF, v55;
	v2 =	vsel vm14, v54, v2;
	vm14 =	vgt.f32 v54, v1  }
0x42: {  	v57 =	vimm.s32 $0x0;
	v6 =	vimm.s32 $0x0;
	v2 =	vsel vm14, v1, v2  }
0x43: {  	[tilespmem:$0x1FBF0] =	vst v4;
	v4 =	vsel vm15, $0xFFFFFFFF, v53;
	v1 =	vsel vm14, v54, v1;
	vm15 =	vgt.f32 v3, v2  }
0x44: {  	[tilespmem:$0x1FC20] =	vst v4;
	v4 =	vsel vm15, $0xFFFFFFFF, v57;
	v2 =	vsel vm15, v3, v2;
	vm15 =	vgt.f32 v3, v1  }
0x45: {  	v59 =	vimm.s32 $0x0;
	v61 =	vimm.s32 $0x0;
	v58 =	vld [tilespmem:s19+$0x4000];
	v2 =	vsel vm15, v1, v2  }
0x46: {  	v1 =	vsel vm15, v3, v1;
	v3 =	vimm.s32 $0x0;
	vm0 =	vgt.f32 v56, v2  }
0x47: {  	v63 =	vimm.s32 $0x0;
	v11 =	vimm.s32 $0x0;
	v3 =	vsel vm0, $0xFFFFFFFF, v3  }
0x48: {  	v14 =	vimm.s32 $0x0;
	v2 =	vsel vm0, v56, v2;
	vm0 =	vgt.f32 v56, v1;
	[tilespmem:$0x1FC60] =	vst v3;
	v3 =	vld [tilespmem:s19+$0x4080]  }
0x49: {  	v17 =	vimm.s32 $0x0;
	v20 =	vimm.s32 $0x0;
	v2 =	vsel vm0, v1, v2  }
0x4a: {  	v6 =	vsel vm0, $0xFFFFFFFF, v6;
	v1 =	vsel vm0, v56, v1;
	vm0 =	vgt.f32 v58, v2  }
0x4b: {  	v60 =	vld [tilespmem:s19+$0x4100];
	[tilespmem:$0x1FC40] =	vst v5;
	v5 =	vsel vm0, $0xFFFFFFFF, v59;
	v2 =	vsel vm0, v58, v2;
	vm0 =	vgt.f32 v58, v1  }
0x4c: {  	v23 =	vimm.s32 $0x0;
	vm3 =	vmand vm1, vm3;
	v2 =	vsel vm0, v1, v2  }
0x4d: {  	v7 =	vld [tilespmem:$0x1FB80];
	[tilespmem:$0x1FC70] =	vst v6;
	v6 =	vsel vm0, $0xFFFFFFFF, v61;
	v1 =	vsel vm0, v58, v1;
	vm0 =	vgt.f32 v3, v2  }
0x4e: {  	v62 =	vsel vm3, $0x1, v0;
	v8 =	vld [tilespmem:$0x1FB90];
	vm3 =	vgt.f32 v3, v1;
	v2 =	vsel vm0, v3, v2  }
0x4f: {  	v26 =	vimm.s32 $0x0;
	[tilespmem:$0x1FC50] =	vst v4;
	v4 =	vsel vm0, $0xFFFFFFFF, v63;
	v2 =	vsel vm3, v1, v2  }
0x50: {  	v1 =	vsel vm3, v3, v1;
	v3 =	vimm.s32 $0x0;
	vm0 =	vgt.f32 v60, v2  }
0x51: {  	v29 =	vimm.s32 $0x0;
	v32 =	vimm.s32 $0x0;
	v36 =	vld [tilespmem:$0x1FC30];
	v3 =	vsel vm0, $0xFFFFFFFF, v3  }
0x52: {  	v35 =	vimm.s32 $0x0;
	v38 =	vimm.s32 $0x0;
	vm1 =	vnez.u8 v7;
	[tilespmem:$0x1FCB0] =	vst v3;
	v3 =	vld [tilespmem:$0x1FBA0]  }
0x53: {  	v39 =	vimm.s32 $0x0;
	v7 =	vsel vm1, $0x1, v0;
	vm1 =	vnez.u8 v8  }
0x54: {  	v9 =	vld [tilespmem:s19+$0x4180];
	v42 =	vimm.s32 $0x0;
	v45 =	vimm.s32 $0x0;
	v50 =	vimm.s32 $0x0  }
0x55: {  	v12 =	vld [tilespmem:$0x1FBB0];
	v53 =	vimm.s32 $0x0;
	v56 =	vimm.s32 $0x0;
	v59 =	vimm.s32 $0x0  }
0x56: {  	[tilespmem:$0x1FCA0] =	vst v4;
	v4 =	vsel vm1, $0x2, v62;
	vm1 =	vnez.u8 v36;
	v62 =	vimm.s32 $0x0  }
0x57: {  	v4 =	vsel vm4, v7, v4;
	v7 =	vsel vm4, $0x2, v7;
	vm4 =	vnez.u8 v3  }
0x58: {  	v15 =	vld [tilespmem:$0x1FBC0];
	v2 =	vsel vm0, v60, v2;
	v3 =	vsel vm4, $0x3, v4;
	vm4 =	vgt.f32 v60, v1  }
0x59: {  	v10 =	vld [tilespmem:s19+$0x4200];
	v3 =	vsel vm5, v7, v3;
	v2 =	vsel vm4, v1, v2;
	v7 =	vsel vm5, $0x3, v7  }
0x5a: {  	v18 =	vld [tilespmem:$0x1FBD0];
	v1 =	vsel vm4, v60, v1;
	vm5 =	vnez.u8 v12;
	vm0 =	vgt.f32 v9, v2  }
0x5b: {  	[tilespmem:$0x1FC80] =	vst v5;
	v3 =	vsel vm5, $0x4, v3;
	vm5 =	vgt.f32 v9, v1;
	v5 =	vsel vm0, $0xFFFFFFFF, v11  }
0x5c: {  	v2 =	vsel vm0, v9, v2;
	v3 =	vsel vm6, v7, v3;
	v7 =	vsel vm6, $0x4, v7  }
0x5d: {  	v13 =	vld [tilespmem:s19+$0x4280];
	vm6 =	vnez.u8 v15;
	v2 =	vsel vm5, v1, v2;
	v1 =	vsel vm5, v9, v1  }
0x5e: {  	v8 =	vld [tilespmem:$0x1FBE0];
	v3 =	vsel vm6, $0x5, v3;
	vm0 =	vgt.f32 v10, v2;
	vm6 =	vgt.f32 v10, v1  }
0x5f: {  	v3 =	vsel vm7, v7, v3;
	v7 =	vsel vm7, $0x5, v7;
	vm7 =	vnez.u8 v18  }
0x60: {  	v16 =	vld [tilespmem:s19+$0x4300];
	[tilespmem:$0x1FC90] =	vst v6;
	v6 =	vsel vm0, $0xFFFFFFFF, v14;
	v2 =	vsel vm0, v10, v2;
	v3 =	vsel vm7, $0x6, v3  }
0x61: {  	v21 =	vsel vm8, $0x6, v7;
	v2 =	vsel vm6, v1, v2;
	v1 =	vsel vm6, v10, v1  }
0x62: {  	v3 =	vsel vm8, v7, v3;
	vm0 =	vgt.f32 v13, v2;
	vm7 =	vgt.f32 v13, v1  }
0x63: {  	v24 =	vld [tilespmem:$0x1FBF0];
	v4 =	vsel vm0, $0xFFFFFFFF, v17;
	v2 =	vsel vm0, v13, v2;
	vm0 =	vnez.u8 v8  }
0x64: {  	v19 =	vld [tilespmem:s19+$0x4380];
	v10 =	vimm.s32 $0x0;
	v2 =	vsel vm7, v1, v2;
	v3 =	vsel vm0, $0x7, v3  }
0x65: {  	v1 =	vsel vm7, v13, v1;
	v13 =	vimm.s32 $0x0;
	vm0 =	vgt.f32 v16, v2  }
0x66: {  	v27 =	vld [tilespmem:$0x1FC00];
	[tilespmem:$0x1FCC0] =	vst v5;
	vm8 =	vgt.f32 v16, v1;
	v5 =	vsel vm0, $0xFFFFFFFF, v20;
	v2 =	vsel vm0, v16, v2  }
0x67: {  	v3 =	vsel vm9, v21, v3;
	[tilespmem:$0x1FCF0] =	vst v5;
	v2 =	vsel vm8, v1, v2;
	v5 =	vsel vm9, $0x7, v21  }
0x68: {  	v22 =	vld [tilespmem:s19+$0x6000];
	v1 =	vsel vm8, v16, v1;
	vm9 =	vnez.u8 v24;
	v16 =	vimm.s32 $0x0  }
0x69: {  	vm0 =	vgt.f32 v19, v2;
	v3 =	vsel vm9, $0x8, v3;
	vm9 =	vgt.f32 v19, v1  }
0x6a: {  	v30 =	vld [tilespmem:$0x1FC10];
	[tilespmem:$0x1FCD0] =	vst v6;
	v6 =	vsel vm0, $0xFFFFFFFF, v23;
	v2 =	vsel vm0, v19, v2;
	v3 =	vsel vm10, v5, v3  }
0x6b: {  	v5 =	vsel vm10, $0x8, v5;
	vm10 =	vnez.u8 v27;
	v23 =	vimm.s32 $0x0  }
0x6c: {  	v27 =	vimm.s32 $0x0;
	v2 =	vsel vm9, v1, v2;
	v1 =	vsel vm9, v19, v1  }
0x6d: {  	v33 =	vld [tilespmem:$0x1FC20];
	v3 =	vsel vm10, $0x9, v3;
	v19 =	vimm.s32 $0x0;
	vm0 =	vgt.f32 v22, v2  }
0x6e: {  	v25 =	vld [tilespmem:s19+$0x6080];
	vm10 =	vgt.f32 v22, v1;
	v3 =	vsel vm11, v5, v3;
	v5 =	vsel vm11, $0x9, v5  }
0x6f: {  	[tilespmem:$0x1FCE0] =	vst v4;
	vm11 =	vnez.u8 v30;
	v30 =	vimm.s32 $0x0;
	v4 =	vsel vm0, $0xFFFFFFFF, v26  }
0x70: {  	v54 =	vld [tilespmem:$0x1FCA0];
	v2 =	vsel vm0, v22, v2;
	v3 =	vsel vm11, $0xA, v3;
	v26 =	vimm.s32 $0x0  }
0x71: {  	v49 =	vld [tilespmem:$0x1FC80];
	v2 =	vsel vm10, v1, v2;
	v1 =	vsel vm10, v22, v1;
	v3 =	vsel vm12, v5, v3  }
0x72: {  	v28 =	vld [tilespmem:s19+$0x6100];
	v5 =	vsel vm12, $0xA, v5;
	vm12 =	vnez.u8 v33;
	v22 =	vimm.s32 $0x0  }
0x73: {  	v40 =	vld [tilespmem:$0x1FC40];
	vm0 =	vgt.f32 v25, v2;
	vm11 =	vgt.f32 v25, v1;
	v3 =	vsel vm12, $0xB, v3  }
0x74: {  	v7 =	vsel vm0, $0xFFFFFFFF, v29;
	v2 =	vsel vm0, v25, v2;
	v3 =	vsel vm2, v5, v3  }
0x75: {  	v31 =	vld [tilespmem:s19+$0x6180];
	v5 =	vsel vm2, $0xB, v5;
	vm2 =	vnez.u8 v54;
	v2 =	vsel vm11, v1, v2  }
0x76: {  	v43 =	vld [tilespmem:$0x1FC50];
	v1 =	vsel vm11, v25, v1;
	v3 =	vsel vm1, $0xC, v3;
	vm1 =	vnez.u8 v49  }
0x77: {  	vm0 =	vgt.f32 v28, v2;
	vm12 =	vgt.f32 v28, v1;
	v3 =	vsel vm13, v5, v3  }
0x78: {  	v5 =	vsel vm13, $0xC, v5;
	vm13 =	vnez.u8 v40;
	v40 =	vimm.s32 $0x0  }
0x79: {  	v46 =	vld [tilespmem:$0x1FC60];
	[tilespmem:$0x1FD00] =	vst v6;
	v6 =	vsel vm0, $0xFFFFFFFF, v32;
	v2 =	vsel vm0, v28, v2;
	v3 =	vsel vm13, $0xD, v3  }
0x7a: {  	v34 =	vld [tilespmem:s19+$0x6200];
	v2 =	vsel vm12, v1, v2;
	v1 =	vsel vm12, v28, v1;
	v3 =	vsel vm14, v5, v3  }
0x7b: {  	v5 =	vsel vm14, $0xD, v5;
	vm14 =	vnez.u8 v43;
	vm0 =	vgt.f32 v31, v2  }
0x7c: {  	[tilespmem:$0x1FD10] =	vst v4;
	v43 =	vimm.s32 $0x0;
	v3 =	vsel vm14, $0xE, v3;
	v4 =	vsel vm0, $0xFFFFFFFF, v35  }
0x7d: {  	v37 =	vld [tilespmem:s19+$0x6280];
	v2 =	vsel vm0, v31, v2;
	vm0 =	vgt.f32 v31, v1;
	v3 =	vsel vm15, v5, v3  }
0x7e: {  	v5 =	vsel vm15, $0xE, v5;
	vm15 =	vnez.u8 v46;
	v2 =	vsel vm0, v1, v2  }
0x7f: {  	v8 =	vsel vm0, $0xFFFFFFFF, v38;
	v1 =	vsel vm0, v31, v1;
	vm0 =	vgt.f32 v34, v2  }
0x80: {  	v41 =	vld [tilespmem:s19+$0x6300];
	v3 =	vsel vm15, $0xF, v3;
	vm13 =	vgt.f32 v34, v1;
	v2 =	vsel vm0, v34, v2  }
0x81: {  	v48 =	vld [tilespmem:$0x1FC70];
	[tilespmem:$0x1FD20] =	vst v7;
	v31 =	vimm.s32 $0x0;
	v7 =	vsel vm0, $0xFFFFFFFF, v39;
	v2 =	vsel vm13, v1, v2  }
0x82: {  	v39 =	vimm.s32 $0x0;
	v1 =	vsel vm13, v34, v1;
	vm0 =	vgt.f32 v37, v2  }
0x83: {  	v44 =	vld [tilespmem:s19+$0x6380];
	v34 =	vimm.s32 $0x0;
	vm14 =	vgt.f32 v37, v1;
	v2 =	vsel vm0, v37, v2  }
0x84: {  	v52 =	vld [tilespmem:$0x1FC90];
	[tilespmem:$0x1FD30] =	vst v6;
	v6 =	vsel vm0, $0xFFFFFFFF, v42;
	v2 =	vsel vm14, v1, v2;
	v1 =	vsel vm14, v37, v1  }
0x85: {  	v37 =	vimm.s32 $0x0;
	vm0 =	vgt.f32 v41, v2;
	vm15 =	vgt.f32 v41, v1  }
0x86: {  	[tilespmem:$0x1FD40] =	vst v4;
	v4 =	vsel vm0, $0xFFFFFFFF, v45;
	v2 =	vsel vm0, v41, v2;
	vm0 =	vnez.u8 v48  }
0x87: {  	v47 =	vld [tilespmem:s19+$0x8000];
	v3 =	vsel vm0, v5, v3;
	v2 =	vsel vm15, v1, v2;
	v1 =	vsel vm15, v41, v1  }
0x88: {  	v5 =	vsel vm0, $0xF, v5;
	v3 =	vsel vm1, $0x10, v3;
	vm1 =	vgt.f32 v44, v2  }
0x89: {  	v57 =	vld [tilespmem:$0x1FCB0];
	[tilespmem:$0x1FD60] =	vst v7;
	vm0 =	vnez.u8 v52;
	v7 =	vsel vm1, $0xFFFFFFFF, v50;
	v2 =	vsel vm1, v44, v2  }
0x8a: {  	vm1 =	vgt.f32 v44, v1;
	v3 =	vsel vm0, v5, v3;
	v5 =	vsel vm0, $0x10, v5  }
0x8b: {  	v50 =	vimm.s32 $0x0;
	v2 =	vsel vm1, v1, v2;
	v1 =	vsel vm1, v44, v1  }
0x8c: {  	v60 =	vld [tilespmem:$0x1FCC0];
	v3 =	vsel vm2, $0x11, v3;
	v44 =	vimm.s32 $0x0;
	vm0 =	vgt.f32 v47, v2  }
0x8d: {  	v51 =	vld [tilespmem:s19+$0x8080];
	vm2 =	vgt.f32 v47, v1;
	v3 =	vsel vm3, v5, v3;
	v5 =	vsel vm3, $0x11, v5  }
0x8e: {  	[tilespmem:$0x1FD70] =	vst v6;
	vm3 =	vnez.u8 v57;
	v6 =	vsel vm0, $0xFFFFFFFF, v53;
	v2 =	vsel vm0, v47, v2  }
0x8f: {  	v63 =	vld [tilespmem:$0x1FCD0];
	v3 =	vsel vm3, $0x12, v3;
	v53 =	vimm.s32 $0x0;
	v2 =	vsel vm2, v1, v2  }
0x90: {  	v1 =	vsel vm2, v47, v1;
	v3 =	vsel vm4, v5, v3;
	v5 =	vsel vm4, $0x12, v5  }
0x91: {  	v55 =	vld [tilespmem:s19+$0x8100];
	vm4 =	vnez.u8 v60;
	v47 =	vimm.s32 $0x0;
	v60 =	vimm.s32 $0x0  }
0x92: {  	v11 =	vld [tilespmem:$0x1FCE0];
	vm0 =	vgt.f32 v51, v2;
	vm3 =	vgt.f32 v51, v1;
	v3 =	vsel vm4, $0x13, v3  }
0x93: {  	[tilespmem:$0x1FD80] =	vst v4;
	v4 =	vsel vm0, $0xFFFFFFFF, v56;
	v2 =	vsel vm0, v51, v2;
	v3 =	vsel vm5, v5, v3  }
0x94: {  	v5 =	vsel vm5, $0x13, v5;
	vm5 =	vnez.u8 v63;
	v56 =	vimm.s32 $0x0  }
0x95: {  	v58 =	vld [tilespmem:s19+$0x8180];
	v63 =	vimm.s32 $0x0;
	v2 =	vsel vm3, v1, v2;
	v3 =	vsel vm5, $0x14, v3  }
0x96: {  	v14 =	vld [tilespmem:$0x1FCF0];
	v1 =	vsel vm3, v51, v1;
	vm0 =	vgt.f32 v55, v2;
	v3 =	vsel vm6, v5, v3  }
0x97: {  	v5 =	vsel vm6, $0x14, v5;
	vm6 =	vnez.u8 v11;
	v11 =	vimm.s32 $0x0  }
0x98: {  	[tilespmem:$0x1FD90] =	vst v7;
	v7 =	vsel vm0, $0xFFFFFFFF, v59;
	v2 =	vsel vm0, v55, v2;
	vm0 =	vgt.f32 v55, v1  }
0x99: {  	v17 =	vld [tilespmem:$0x1FD00];
	v3 =	vsel vm6, $0x15, v3;
	v59 =	vimm.s32 $0x0;
	v2 =	vsel vm0, v1, v2  }
0x9a: {  	v61 =	vld [tilespmem:s19+$0x8200];
	v1 =	vsel vm0, v55, v1;
	v3 =	vsel vm7, v5, v3;
	v5 =	vsel vm7, $0x15, v5  }
0x9b: {  	v20 =	vld [tilespmem:$0x1FD10];
	vm7 =	vnez.u8 v14;
	v14 =	vimm.s32 $0x0;
	vm4 =	vgt.f32 v58, v2  }
0x9c: {  	[tilespmem:$0x1FDA0] =	vst v6;
	v3 =	vsel vm7, $0x16, v3;
	v6 =	vsel vm4, $0xFFFFFFFF, v62;
	v2 =	vsel vm4, v58, v2  }
0x9d: {  	v24 =	vld [tilespmem:$0x1FD20];
	vm4 =	vgt.f32 v58, v1;
	v3 =	vsel vm8, v5, v3;
	v5 =	vsel vm8, $0x16, v5  }
0x9e: {  	vm8 =	vnez.u8 v17;
	v17 =	vimm.s32 $0x0;
	v2 =	vsel vm4, v1, v2  }
0x9f: {  	v9 =	vld [tilespmem:s19+$0x8280];
	v1 =	vsel vm4, v58, v1;
	v3 =	vsel vm8, $0x17, v3;
	vm5 =	vgt.f32 v61, v2  }
0xa0: {  	v28 =	vld [tilespmem:$0x1FD30];
	v3 =	vsel vm9, v5, v3;
	v5 =	vsel vm9, $0x17, v5;
	vm9 =	vnez.u8 v20  }
0xa1: {  	[tilespmem:$0x1FDB0] =	vst v4;
	v20 =	vimm.s32 $0x0;
	v4 =	vsel vm5, $0xFFFFFFFF, v10;
	v2 =	vsel vm5, v61, v2  }
0xa2: {  	[tilespmem:$0x1FD50] =	vst v8;
	vm5 =	vgt.f32 v61, v1;
	v3 =	vsel vm9, $0x18, v3;
	vm9 =	vnez.u8 v24  }
0xa3: {  	v35 =	vld [tilespmem:$0x1FD50];
	v24 =	vimm.s32 $0x0;
	v2 =	vsel vm5, v1, v2;
	v1 =	vsel vm5, v61, v1  }
0xa4: {  	v12 =	vld [tilespmem:s19+$0x8300];
	v3 =	vsel vm10, v5, v3;
	v5 =	vsel vm10, $0x18, v5;
	vm6 =	vgt.f32 v9, v2  }
0xa5: {  	v32 =	vld [tilespmem:$0x1FD40];
	v3 =	vsel vm9, $0x19, v3;
	vm9 =	vnez.u8 v28;
	v28 =	vimm.s32 $0x0  }
0xa6: {  	[tilespmem:$0x1FDC0] =	vst v7;
	v7 =	vsel vm6, $0xFFFFFFFF, v13;
	v2 =	vsel vm6, v9, v2;
	vm6 =	vgt.f32 v9, v1  }
0xa7: {  	v36 =	vld [tilespmem:$0x1FD60];
	v3 =	vsel vm11, v5, v3;
	v5 =	vsel vm11, $0x19, v5;
	v2 =	vsel vm6, v1, v2  }
0xa8: {  	v15 =	vld [tilespmem:s19+$0x8380];
	v1 =	vsel vm6, v9, v1;
	v3 =	vsel vm9, $0x1A, v3;
	vm9 =	vnez.u8 v35  }
0xa9: {  	vm7 =	vgt.f32 v12, v2;
	v3 =	vsel vm12, v5, v3;
	v5 =	vsel vm12, $0x1A, v5  }
0xaa: {  	[tilespmem:$0x1FDD0] =	vst v6;
	vm12 =	vnez.u8 v32;
	v32 =	vimm.s32 $0x0;
	v6 =	vsel vm7, $0xFFFFFFFF, v16  }
0xab: {  	v41 =	vld [tilespmem:$0x1FD70];
	v2 =	vsel vm7, v12, v2;
	vm7 =	vgt.f32 v12, v1;
	v3 =	vsel vm12, $0x1B, v3  }
0xac: {  	v18 =	vld [tilespmem:s19+$0xA000];
	vm12 =	vnez.u8 v36;
	v2 =	vsel vm7, v1, v2;
	v1 =	vsel vm7, v12, v1  }
0xad: {  	v3 =	vsel vm9, v5, v3;
	v5 =	vsel vm9, $0x1B, v5;
	vm8 =	vgt.f32 v15, v2  }
0xae: {  	[tilespmem:$0x1FDE0] =	vst v4;
	v3 =	vsel vm12, $0x1C, v3;
	v4 =	vsel vm8, $0xFFFFFFFF, v19;
	v2 =	vsel vm8, v15, v2  }
0xaf: {  	v21 =	vld [tilespmem:s19+$0xA080];
	vm8 =	vgt.f32 v15, v1;
	v3 =	vsel vm13, v5, v3;
	v5 =	vsel vm13, $0x1C, v5  }
0xb0: {  	vm13 =	vnez.u8 v41;
	v8 =	vsel vm8, $0xFFFFFFFF, v22;
	v2 =	vsel vm8, v1, v2  }
0xb1: {  	v45 =	vld [tilespmem:$0x1FD80];
	v1 =	vsel vm8, v15, v1;
	v3 =	vsel vm13, $0x1D, v3;
	vm8 =	vgt.f32 v18, v2  }
0xb2: {  	v25 =	vld [tilespmem:s19+$0xA100];
	[tilespmem:$0x1FDF0] =	vst v7;
	v7 =	vsel vm8, $0xFFFFFFFF, v23;
	v2 =	vsel vm8, v18, v2;
	vm8 =	vgt.f32 v18, v1  }
0xb3: {  	v36 =	vimm.s32 $0x0;
	v3 =	vsel vm14, v5, v3;
	v2 =	vsel vm8, v1, v2  }
0xb4: {  	v57 =	vld [tilespmem:$0x1FDC0];
	[tilespmem:$0x1FE20] =	vst v8;
	v8 =	vsel vm8, $0xFFFFFFFF, v26;
	v1 =	vsel vm8, v18, v1;
	vm8 =	vgt.f32 v21, v2  }
0xb5: {  	v29 =	vld [tilespmem:s19+$0xA180];
	[tilespmem:$0x1FE00] =	vst v6;
	v6 =	vsel vm8, $0xFFFFFFFF, v27;
	v2 =	vsel vm8, v21, v2;
	vm8 =	vgt.f32 v21, v1  }
0xb6: {  	v5 =	vsel vm14, $0x1D, v5;
	vm14 =	vnez.u8 v45;
	v2 =	vsel vm8, v1, v2  }
0xb7: {  	[tilespmem:$0x1FE40] =	vst v8;
	v8 =	vsel vm8, $0xFFFFFFFF, v30;
	v1 =	vsel vm8, v21, v1;
	vm8 =	vgt.f32 v25, v2  }
0xb8: {  	v33 =	vld [tilespmem:s19+$0xA200];
	[tilespmem:$0x1FE10] =	vst v4;
	v4 =	vsel vm8, $0xFFFFFFFF, v31;
	v2 =	vsel vm8, v25, v2;
	vm8 =	vgt.f32 v25, v1  }
0xb9: {  	vm9 =	vnez.u8 v57;
	v3 =	vsel vm14, $0x1E, v3;
	v2 =	vsel vm8, v1, v2  }
0xba: {  	v3 =	vsel vm15, v5, v3;
	v1 =	vsel vm8, v25, v1;
	vm12 =	vgt.f32 v29, v2  }
0xbb: {  	v38 =	vld [tilespmem:s19+$0xA280];
	[tilespmem:$0x1FE30] =	vst v7;
	v7 =	vsel vm12, $0xFFFFFFFF, v37;
	v2 =	vsel vm12, v29, v2;
	vm12 =	vgt.f32 v29, v1  }
0xbc: {  	v48 =	vld [tilespmem:$0x1FD90];
	v5 =	vsel vm15, $0x1E, v5;
	[tilespmem:$0x1FE60] =	vst v8;
	v8 =	vsel vm8, $0xFFFFFFFF, v34;
	v2 =	vsel vm12, v1, v2  }
0xbd: {  	[tilespmem:$0x1FE80] =	vst v8;
	v8 =	vsel vm12, $0xFFFFFFFF, v39;
	v1 =	vsel vm12, v29, v1;
	vm12 =	vgt.f32 v33, v2  }
0xbe: {  	v42 =	vld [tilespmem:s19+$0xA300];
	[tilespmem:$0x1FE50] =	vst v6;
	v6 =	vsel vm12, $0xFFFFFFFF, v40;
	v2 =	vsel vm12, v33, v2;
	vm12 =	vgt.f32 v33, v1  }
0xbf: {  	v40 =	vimm.s32 $0x0;
	v2 =	vsel vm12, v1, v2;
	v1 =	vsel vm12, v33, v1  }
0xc0: {  	v51 =	vld [tilespmem:$0x1FDA0];
	[tilespmem:$0x1FEA0] =	vst v8;
	v8 =	vsel vm12, $0xFFFFFFFF, v43;
	vm13 =	vgt.f32 v38, v2;
	vm10 =	vgt.f32 v38, v1  }
0xc1: {  	v46 =	vld [tilespmem:s19+$0xA380];
	[tilespmem:$0x1FE70] =	vst v4;
	v4 =	vsel vm13, $0xFFFFFFFF, v44;
	v2 =	vsel vm13, v38, v2;
	vm13 =	vnez.u8 v48  }
0xc2: {  	v44 =	vimm.s32 $0x0;
	v2 =	vsel vm10, v1, v2;
	v1 =	vsel vm10, v38, v1  }
0xc3: {  	v54 =	vld [tilespmem:$0x1FDB0];
	v3 =	vsel vm13, $0x1F, v3;
	vm12 =	vgt.f32 v42, v2;
	vm15 =	vgt.f32 v42, v1  }
0xc4: {  	v3 =	vsel vm1, v5, v3;
	v5 =	vsel vm1, $0x1F, v5;
	v2 =	vsel vm12, v42, v2  }
0xc5: {  	v49 =	vld [tilespmem:s19+$0xC000];
	[tilespmem:$0x1FE90] =	vst v7;
	v7 =	vsel vm12, $0xFFFFFFFF, v47;
	vm12 =	vnez.u8 v51;
	v2 =	vsel vm15, v1, v2  }
0xc6: {  	v1 =	vsel vm15, v42, v1;
	v3 =	vsel vm12, $0x20, v3;
	vm14 =	vgt.f32 v46, v2  }
0xc7: {  	vm11 =	vgt.f32 v46, v1;
	v3 =	vsel vm2, v5, v3;
	v5 =	vsel vm2, $0x20, v5  }
0xc8: {  	v52 =	vld [tilespmem:s19+$0xC080];
	[tilespmem:$0x1FEB0] =	vst v6;
	v6 =	vsel vm14, $0xFFFFFFFF, v50;
	v2 =	vsel vm14, v46, v2;
	vm14 =	vnez.u8 v54  }
0xc9: {  	v2 =	vsel vm11, v1, v2;
	v1 =	vsel vm11, v46, v1;
	v3 =	vsel vm14, $0x21, v3  }
0xca: {  	v61 =	vld [tilespmem:$0x1FDD0];
	vm13 =	vgt.f32 v49, v2;
	v3 =	vsel vm3, v5, v3;
	v5 =	vsel vm3, $0x21, v5  }
0xcb: {  	v18 =	vld [tilespmem:$0x1FE00];
	[tilespmem:$0x1FED0] =	vst v4;
	v4 =	vsel vm13, $0xFFFFFFFF, v53;
	v2 =	vsel vm13, v49, v2;
	vm13 =	vgt.f32 v49, v1  }
0xcc: {  	v55 =	vld [tilespmem:s19+$0xC100];
	v3 =	vsel vm9, $0x22, v3;
	v2 =	vsel vm13, v1, v2;
	v1 =	vsel vm13, v49, v1  }
0xcd: {  	v3 =	vsel vm0, v5, v3;
	v5 =	vsel vm0, $0x22, v5;
	vm8 =	vgt.f32 v52, v2  }
0xce: {  	v12 =	vld [tilespmem:$0x1FDE0];
	[tilespmem:$0x1FEE0] =	vst v7;
	vm12 =	vgt.f32 v52, v1;
	v7 =	vsel vm8, $0xFFFFFFFF, v56;
	v2 =	vsel vm8, v52, v2  }
0xcf: {  	v58 =	vld [tilespmem:s19+$0xC180];
	[tilespmem:$0x1FEC0] =	vst v8;
	v8 =	vsel vm12, $0xFFFFFFFF, v59;
	vm8 =	vnez.u8 v61;
	v2 =	vsel vm12, v1, v2  }
0xd0: {  	v15 =	vld [tilespmem:$0x1FDF0];
	v1 =	vsel vm12, v52, v1;
	v3 =	vsel vm8, $0x23, v3;
	vm8 =	vnez.u8 v18  }
0xd1: {  	vm14 =	vgt.f32 v55, v2;
	vm9 =	vgt.f32 v55, v1;
	v3 =	vsel vm4, v5, v3  }
0xd2: {  	v23 =	vld [tilespmem:$0x1FE20];
	[tilespmem:$0x1FEF0] =	vst v6;
	v5 =	vsel vm4, $0x23, v5;
	v6 =	vsel vm14, $0xFFFFFFFF, v60;
	v2 =	vsel vm14, v55, v2  }
0xd3: {  	[tilespmem:$0x1FF20] =	vst v8;
	v8 =	vsel vm9, $0xFFFFFFFF, v63;
	vm14 =	vnez.u8 v12;
	v2 =	vsel vm9, v1, v2  }
0xd4: {  	v62 =	vld [tilespmem:s19+$0xC200];
	v1 =	vsel vm9, v55, v1;
	v3 =	vsel vm14, $0x24, v3;
	vm12 =	vgt.f32 v58, v2  }
0xd5: {  	v3 =	vsel vm5, v5, v3;
	v5 =	vsel vm5, $0x24, v5;
	vm5 =	vnez.u8 v15  }
0xd6: {  	v21 =	vld [tilespmem:$0x1FE10];
	[tilespmem:$0x1FF00] =	vst v4;
	v4 =	vsel vm12, $0xFFFFFFFF, v11;
	v2 =	vsel vm12, v58, v2;
	vm12 =	vgt.f32 v58, v1  }
0xd7: {  	v13 =	vld [tilespmem:s19+$0xC280];
	v3 =	vsel vm5, $0x25, v3;
	vm5 =	vnez.u8 v23;
	v2 =	vsel vm12, v1, v2  }
0xd8: {  	v27 =	vld [tilespmem:$0x1FE40];
	v1 =	vsel vm12, v58, v1;
	v3 =	vsel vm6, v5, v3;
	v5 =	vsel vm6, $0x25, v5  }
0xd9: {  	vm4 =	vgt.f32 v62, v2;
	vm9 =	vgt.f32 v62, v1;
	v3 =	vsel vm8, $0x26, v3  }
0xda: {  	v16 =	vld [tilespmem:s19+$0xC300];
	[tilespmem:$0x1FF10] =	vst v7;
	v7 =	vsel vm4, $0xFFFFFFFF, v14;
	v2 =	vsel vm4, v62, v2;
	v3 =	vsel vm7, v5, v3  }
0xdb: {  	v19 =	vld [tilespmem:s19+$0xC380];
	v5 =	vsel vm7, $0x26, v5;
	vm4 =	vnez.u8 v21;
	v2 =	vsel vm9, v1, v2  }
0xdc: {  	v25 =	vld [tilespmem:$0x1FE30];
	v1 =	vsel vm9, v62, v1;
	v3 =	vsel vm4, $0x27, v3;
	vm6 =	vgt.f32 v13, v2  }
0xdd: {  	v29 =	vld [tilespmem:$0x1FE50];
	vm4 =	vnez.u8 v27;
	vm8 =	vgt.f32 v13, v1;
	v2 =	vsel vm6, v13, v2  }
0xde: {  	v31 =	vld [tilespmem:$0x1FE60];
	v3 =	vsel vm5, v5, v3;
	v5 =	vsel vm5, $0x27, v5;
	v2 =	vsel vm8, v1, v2  }
0xdf: {  	[tilespmem:$0x1FF30] =	vst v6;
	v6 =	vsel vm6, $0xFFFFFFFF, v17;
	v1 =	vsel vm8, v13, v1;
	vm14 =	vgt.f32 v16, v2  }
0xe0: {  	[tilespmem:$0x1FF50] =	vst v4;
	vm7 =	vgt.f32 v16, v1;
	v4 =	vsel vm14, $0xFFFFFFFF, v20;
	v2 =	vsel vm14, v16, v2  }
0xe1: {  	v22 =	vld [tilespmem:s19+$0xE000];
	vm14 =	vnez.u8 v25;
	v2 =	vsel vm7, v1, v2;
	v1 =	vsel vm7, v16, v1  }
0xe2: {  	v3 =	vsel vm14, $0x28, v3;
	vm14 =	vnez.u8 v29;
	vm6 =	vgt.f32 v19, v2  }
0xe3: {  	v33 =	vld [tilespmem:$0x1FE70];
	v3 =	vsel vm4, v5, v3;
	v5 =	vsel vm4, $0x28, v5;
	vm4 =	vnez.u8 v31  }
0xe4: {  	v26 =	vld [tilespmem:s19+$0xE080];
	[tilespmem:$0x1FF60] =	vst v7;
	v7 =	vsel vm6, $0xFFFFFFFF, v24;
	v2 =	vsel vm6, v19, v2;
	vm6 =	vgt.f32 v19, v1  }
0xe5: {  	v35 =	vld [tilespmem:$0x1FE80];
	v3 =	vsel vm14, $0x29, v3;
	v2 =	vsel vm6, v1, v2;
	v1 =	vsel vm6, v19, v1  }
0xe6: {  	v30 =	vld [tilespmem:s19+$0xE100];
	v3 =	vsel vm4, v5, v3;
	v5 =	vsel vm4, $0x29, v5;
	vm5 =	vgt.f32 v22, v2  }
0xe7: {  	v37 =	vld [tilespmem:$0x1FE90];
	[tilespmem:$0x1FF70] =	vst v6;
	v6 =	vsel vm5, $0xFFFFFFFF, v28;
	v2 =	vsel vm5, v22, v2;
	vm5 =	vgt.f32 v22, v1  }
0xe8: {  	v39 =	vld [tilespmem:$0x1FEA0];
	vm4 =	vnez.u8 v33;
	v2 =	vsel vm5, v1, v2;
	v1 =	vsel vm5, v22, v1  }
0xe9: {  	v3 =	vsel vm4, $0x2A, v3;
	vm14 =	vgt.f32 v26, v2;
	vm4 =	vgt.f32 v26, v1  }
0xea: {  	v41 =	vld [tilespmem:$0x1FEB0];
	[tilespmem:$0x1FF80] =	vst v4;
	v4 =	vsel vm14, $0xFFFFFFFF, v32;
	v2 =	vsel vm14, v26, v2;
	vm14 =	vnez.u8 v35  }
0xeb: {  	v43 =	vld [tilespmem:$0x1FEC0];
	v3 =	vsel vm14, v5, v3;
	v2 =	vsel vm4, v1, v2;
	v5 =	vsel vm14, $0x2A, v5  }
0xec: {  	v34 =	vld [tilespmem:s19+$0xE180];
	v1 =	vsel vm4, v26, v1;
	vm14 =	vnez.u8 v37;
	vm1 =	vgt.f32 v30, v2  }
0xed: {  	v45 =	vld [tilespmem:$0x1FED0];
	v3 =	vsel vm14, $0x2B, v3;
	vm3 =	vgt.f32 v30, v1;
	vm14 =	vnez.u8 v39  }
0xee: {  	v48 =	vld [tilespmem:$0x1FEE0];
	[tilespmem:$0x1FF90] =	vst v7;
	v7 =	vsel vm1, $0xFFFFFFFF, v36;
	v2 =	vsel vm1, v30, v2;
	v3 =	vsel vm14, v5, v3  }
0xef: {  	v5 =	vsel vm14, $0x2B, v5;
	vm14 =	vnez.u8 v41;
	v2 =	vsel vm3, v1, v2  }
0xf0: {  	v38 =	vld [tilespmem:s19+$0xE200];
	v1 =	vsel vm3, v30, v1;
	v3 =	vsel vm14, $0x2C, v3;
	vm14 =	vnez.u8 v43  }
0xf1: {  	vm1 =	vgt.f32 v34, v2;
	vm2 =	vgt.f32 v34, v1;
	v3 =	vsel vm14, v5, v3  }
0xf2: {  	[tilespmem:$0x1FFA0] =	vst v6;
	v5 =	vsel vm14, $0x2C, v5;
	vm14 =	vnez.u8 v45;
	v6 =	vsel vm1, $0xFFFFFFFF, v40  }
0xf3: {  	v42 =	vld [tilespmem:s19+$0xE280];
	v2 =	vsel vm1, v34, v2;
	v3 =	vsel vm14, $0x2D, v3;
	vm14 =	vnez.u8 v48  }
0xf4: {  	v50 =	vld [tilespmem:$0x1FEF0];
	v2 =	vsel vm2, v1, v2;
	v1 =	vsel vm2, v34, v1;
	v3 =	vsel vm10, v5, v3  }
0xf5: {  	v51 =	vld [tilespmem:$0x1FF00];
	v5 =	vsel vm10, $0x2D, v5;
	vm1 =	vgt.f32 v38, v2;
	v3 =	vsel vm14, $0x2E, v3  }
0xf6: {  	v46 =	vld [tilespmem:s19+$0xE300];
	[tilespmem:$0x1FFB0] =	vst v4;
	v4 =	vsel vm1, $0xFFFFFFFF, v44;
	v2 =	vsel vm1, v38, v2;
	vm1 =	vgt.f32 v38, v1  }
0xf7: {  	v47 =	vimm.s32 $0x0;
	v3 =	vsel vm15, v5, v3;
	v2 =	vsel vm1, v1, v2  }
0xf8: {  	v5 =	vsel vm15, $0x2E, v5;
	v1 =	vsel vm1, v38, v1;
	vm10 =	vgt.f32 v42, v2  }
0xf9: {  	v49 =	vld [tilespmem:s19+$0xE380];
	vm15 =	vnez.u8 v50;
	vm0 =	vgt.f32 v42, v1;
	v2 =	vsel vm10, v42, v2  }
0xfa: {  	vm14 =	vnez.u8 v51;
	v3 =	vsel vm15, $0x2F, v3;
	v2 =	vsel vm0, v1, v2  }
0xfb: {  	[tilespmem:$0x1FFC0] =	vst v7;
	v7 =	vsel vm10, $0xFFFFFFFF, v47;
	v1 =	vsel vm0, v42, v1;
	vm10 =	vgt.f32 v46, v2  }
0xfc: {  	v3 =	vsel vm11, v5, v3;
	vm15 =	vgt.f32 v46, v1;
	v2 =	vsel vm10, v46, v2  }
0xfd: {  	v5 =	vsel vm11, $0x2F, v5;
	v3 =	vsel vm14, $0x30, v3;
	v2 =	vsel vm15, v1, v2  }
0xfe: {  	v52 =	vsel vm13, $0x30, v5;
	v1 =	vsel vm15, v46, v1;
	vm11 =	vgt.f32 v49, v2  }
0xff: {  	v3 =	vsel vm13, v5, v3;
	vm13 =	vgt.f32 v49, v1;
	v2 =	vsel vm11, v49, v2  }
0x100: {  	v53 =	vld [tilespmem:$0x1FF10];
	v2 =	vsel vm13, v1, v2;
	v1 =	vsel vm13, v49, v1  }
0x101: {  	v1 =	vsub.f32 v2, v1;
	v2 =	vld [tilespmem:$0x1FF20]  }
0x102: {  	[tilespmem:$0x1FF40] =	vst v8;
	v54 =	vld [tilespmem:$0x1FF30]  }
0x103: {  	v55 =	vld [tilespmem:$0x1FF40]  }
0x104: {  	v56 =	vld [tilespmem:$0x1FF50]  }
0x105: {  	vm14 =	vnez.u8 v53  }
0x106: {  	v3 =	vsel vm14, $0x31, v3;
	vm14 =	vnez.u8 v2  }
0x107: {  	v2 =	vsel vm14, v52, v3;
	v3 =	vsel vm14, $0x31, v52;
	vm14 =	vnez.u8 v54  }
0x108: {  	v1 =	vmul.f32 $1.442695020e+00, v1;
	v2 =	vsel vm14, $0x32, v2;
	vm14 =	vnez.u8 v55  }
0x109: {  	v2 =	vsel vm14, v3, v2;
	v3 =	vsel vm14, $0x32, v3;
	vm14 =	vnez.u8 v56  }
0x10a: {  	v2 =	vsel vm14, $0x33, v2  }
0x10b: {  	(erf) = vpow2.f32 v1;
	v1 =	vsel vm12, v3, v2;
	v2 =	vsel vm12, $0x33, v3;
	v3 =	vld [tilespmem:$0x1FF60];
	_ =	sdelay $0x4  }
0x10c: {  	vm12 =	vnez.u8 v3;
	v3 =	vld [tilespmem:$0x1FF70];
	_ =	sdelay $0x4  }
0x10d: {  	v1 =	vsel vm12, $0x34, v1;
	vm12 =	vnez.u8 v3;
	v3 =	vld [tilespmem:$0x1FF80];
	_ =	sdelay $0x4  }
0x10e: {  	vm14 =	vnez.u8 v3;
	v3 =	vld [tilespmem:$0x1FF90];
	_ =	sdelay $0x3  }
0x10f: {  	v1 =	vsel vm9, v2, v1  }
0x110: {  	v2 =	vsel vm9, $0x34, v2;
	v1 =	vsel vm12, $0x35, v1;
	vm9 =	vnez.u8 v3;
	v3 =	vld [tilespmem:$0x1FFA0]  }
0x111: {  	v1 =	vsel vm8, v2, v1  }
0x112: {  	v58 =	vld [tilespmem:$0x1FFB0];
	v2 =	vsel vm8, $0x35, v2;
	v1 =	vsel vm14, $0x36, v1  }
0x113: {  	v1 =	vsel vm7, v2, v1  }
0x114: {  	v59 =	vld [tilespmem:$0x1FFC0];
	v2 =	vsel vm7, $0x36, v2;
	v1 =	vsel vm9, $0x37, v1  }
0x115: {  	[tilespmem:$0x1FFD0] =	vst v6;
	v1 =	vsel vm6, v2, v1;
	vm12 =	vnez.u8 v3  }
0x116: {  	v60 =	vld [tilespmem:$0x1FFD0];
	v2 =	vsel vm6, $0x37, v2;
	v3 =	vpop (erf);
	v1 =	vsel vm12, $0x38, v1  }
0x117: {  	[tilespmem:$0x1FFE0] =	vst v4;
	vm14 =	vnez.u8 v58;
	v57 =	vadd.f32 $1.000000000e+00, v3;
	v1 =	vsel vm5, v2, v1  }
0x118: {  	v61 =	vld [tilespmem:$0x1FFE0];
	v2 =	vsel vm5, $0x38, v2;
	v1 =	vsel vm14, $0x39, v1  }
0x119: {  	[tilespmem:$0x1FFF0] =	vst v7;
	vm8 =	vnez.u8 v59;
	(erf) = vrcp.f32 v57;
	v1 =	vsel vm4, v2, v1  }
0x11a: {  	v62 =	vld [tilespmem:$0x1FFF0];
	v2 =	vsel vm4, $0x39, v2;
	v1 =	vsel vm8, $0x3A, v1  }
0x11b: {  	vm9 =	vnez.u8 v60;
	v1 =	vsel vm3, v2, v1  }
0x11c: {  	v2 =	vsel vm3, $0x3A, v2;
	v1 =	vsel vm9, $0x3B, v1  }
0x11d: {  	vm12 =	vnez.u8 v61;
	v1 =	vsel vm2, v2, v1  }
0x11e: {  	v2 =	vsel vm2, $0x3B, v2;
	v1 =	vsel vm12, $0x3C, v1  }
0x11f: {  	vm14 =	vnez.u8 v62;
	v1 =	vsel vm1, v2, v1  }
0x120: {  	v2 =	vsel vm1, $0x3C, v2;
	v1 =	vsel vm14, $0x3D, v1  }
0x121: {  	v1 =	vsel vm0, v2, v1  }
0x122: {  	s21 =	simm.s32 $0x10;
	s30 =	simm.s32 $0x20;
	v2 =	vsel vm0, $0x3D, v2;
	v63 =	vpop (erf);
	v1 =	vsel vm10, $0x3E, v1  }
0x123: {  	s23 =	simm.s32 $0x80;
	s25 =	simm.s32 $0x10800;
	s22 =	simm.s32 $0x10000;
	v3 =	vmul.f32 v63, v3;
	v1 =	vsel vm15, v2, v1  }
0x124: {  	s24 =	simm.s32 $0x10C00;
	s20 =	simm.s32 $0x10C10;
	s28 =	sand.u32 $0x70, s21;
	[tilespmem:s14+$0x0] =	vst v63;
	v2 =	vsel vm15, $0x3E, v2;
	v1 =	vsel vm11, $0x3F, v1  }
0x125: {  	s29 =	sand.u32 $0x1C00, s23;
	s21 =	simm.s32 $0x10410;
	s19 =	simm.s32 $0x10810;
	[tilespmem:s15+$0x0] =	vst v3;
	v1 =	vsel vm13, v2, v1;
	v2 =	vsel vm13, $0x3F, v2  }
.LBB2_2:
0x126: {  	s29 =	sor.u32 s28, s29;
	s22 =	sadd.s32 $0x10, s22  }
0x127: {  	[tilespmem:s25+$0x0] =	vst v2;
	s28 =	smov.u32 s30;
	s26 =	sadd.s32 $0x10, s30;
	s25 =	smov.u32 s19  }
0x128: {  	p0 =	sne.s32 s30, $0x3F0;
	[tilespmem:s24+$0x0] =	vst v1;
	s24 =	smov.u32 s20  }
0x129: {  	v1 =	vld [tilespmem:s29+$0x80]  }
0x12a: {  	v2 =	vld [tilespmem:s29+$0x0];
	_ =	sdelay $0x2  }
0x12b: {  	v3 =	vld [tilespmem:s29+$0x100]  }
0x12c: {  	vm0 =	vlt.f32 v1, $-Inf;
	vm1 =	vgt.f32 v1, $-Inf  }
0x12d: {  	vm2 =	vgt.f32 v1, v2;
	vm0 =	vmor vm1, vm0  }
0x12e: {  	vm1 =	vmneg vm2;
	v4 =	vnsel vm0, $0xFF800000, v1;
	v5 =	vld [tilespmem:s29+$0x180]  }
0x12f: {  	v4 =	vsel vm1, v4, v2;
	vm0 =	vmand vm1, vm0;
	v1 =	vsel vm1, v2, v1  }
0x130: {  	v6 =	vsel vm2, $0x1, v0;
	v2 =	vsel vm0, $0x1, v0;
	vm0 =	vgt.f32 v3, v4  }
0x131: {  	vm1 =	vgt.f32 v3, v1;
	v4 =	vsel vm0, v3, v4;
	v2 =	vsel vm0, $0x2, v2;
	v7 =	vld [tilespmem:s29+$0x200]  }
0x132: {  	v4 =	vsel vm1, v1, v4;
	v2 =	vsel vm1, v6, v2;
	v6 =	vsel vm1, $0x2, v6  }
0x133: {  	v1 =	vsel vm1, v3, v1;
	vm0 =	vgt.f32 v5, v4  }
0x134: {  	vm1 =	vgt.f32 v5, v1;
	v3 =	vsel vm0, v5, v4;
	v2 =	vsel vm0, $0x3, v2;
	v4 =	vld [tilespmem:s29+$0x280]  }
0x135: {  	v3 =	vsel vm1, v1, v3;
	v2 =	vsel vm1, v6, v2;
	v1 =	vsel vm1, v5, v1  }
0x136: {  	v5 =	vsel vm1, $0x3, v6;
	vm0 =	vgt.f32 v7, v3  }
0x137: {  	vm1 =	vgt.f32 v7, v1;
	v3 =	vsel vm0, v7, v3;
	v2 =	vsel vm0, $0x4, v2;
	v6 =	vld [tilespmem:s29+$0x300]  }
0x138: {  	v3 =	vsel vm1, v1, v3;
	v2 =	vsel vm1, v5, v2;
	v1 =	vsel vm1, v7, v1  }
0x139: {  	v5 =	vsel vm1, $0x4, v5;
	vm0 =	vgt.f32 v4, v3  }
0x13a: {  	vm1 =	vgt.f32 v4, v1;
	v3 =	vsel vm0, v4, v3;
	v2 =	vsel vm0, $0x5, v2;
	v7 =	vld [tilespmem:s29+$0x380]  }
0x13b: {  	v3 =	vsel vm1, v1, v3;
	v2 =	vsel vm1, v5, v2;
	v1 =	vsel vm1, v4, v1  }
0x13c: {  	v4 =	vsel vm1, $0x5, v5;
	vm0 =	vgt.f32 v6, v3  }
0x13d: {  	vm1 =	vgt.f32 v6, v1;
	v3 =	vsel vm0, v6, v3;
	v2 =	vsel vm0, $0x6, v2;
	v5 =	vld [tilespmem:s29+$0x2000]  }
0x13e: {  	v3 =	vsel vm1, v1, v3;
	v2 =	vsel vm1, v4, v2;
	v1 =	vsel vm1, v6, v1  }
0x13f: {  	vm0 =	vgt.f32 v7, v3  }
0x140: {  	vm2 =	vgt.f32 v7, v1;
	v3 =	vsel vm0, v7, v3;
	v2 =	vsel vm0, $0x7, v2;
	v6 =	vld [tilespmem:s29+$0x2080]  }
0x141: {  	v4 =	vsel vm1, $0x6, v4;
	v3 =	vsel vm2, v1, v3;
	v1 =	vsel vm2, v7, v1  }
0x142: {  	v2 =	vsel vm2, v4, v2;
	v4 =	vsel vm2, $0x7, v4;
	vm0 =	vgt.f32 v5, v3  }
0x143: {  	vm1 =	vgt.f32 v5, v1;
	v3 =	vsel vm0, v5, v3;
	v2 =	vsel vm0, $0x8, v2;
	v7 =	vld [tilespmem:s29+$0x2100]  }
0x144: {  	v3 =	vsel vm1, v1, v3;
	v2 =	vsel vm1, v4, v2;
	v1 =	vsel vm1, v5, v1  }
0x145: {  	v4 =	vsel vm1, $0x8, v4;
	vm0 =	vgt.f32 v6, v3  }
0x146: {  	vm1 =	vgt.f32 v6, v1;
	v3 =	vsel vm0, v6, v3;
	v2 =	vsel vm0, $0x9, v2;
	v5 =	vld [tilespmem:s29+$0x2180]  }
0x147: {  	v3 =	vsel vm1, v1, v3;
	v1 =	vsel vm1, v6, v1;
	v6 =	vsel vm1, $0x9, v4  }
0x148: {  	v2 =	vsel vm1, v4, v2;
	vm0 =	vgt.f32 v7, v3  }
0x149: {  	vm1 =	vgt.f32 v7, v1;
	v3 =	vsel vm0, v7, v3;
	v2 =	vsel vm0, $0xA, v2;
	v4 =	vld [tilespmem:s29+$0x2200]  }
0x14a: {  	v3 =	vsel vm1, v1, v3;
	v2 =	vsel vm1, v6, v2;
	v6 =	vsel vm1, $0xA, v6  }
0x14b: {  	v1 =	vsel vm1, v7, v1;
	vm0 =	vgt.f32 v5, v3  }
0x14c: {  	vm1 =	vgt.f32 v5, v1;
	v3 =	vsel vm0, v5, v3;
	v2 =	vsel vm0, $0xB, v2;
	v7 =	vld [tilespmem:s29+$0x2280]  }
0x14d: {  	v3 =	vsel vm1, v1, v3;
	v2 =	vsel vm1, v6, v2  }
0x14e: {  	v1 =	vsel vm1, v5, v1;
	v5 =	vsel vm1, $0xB, v6;
	vm0 =	vgt.f32 v4, v3  }
0x14f: {  	vm1 =	vgt.f32 v4, v1;
	v3 =	vsel vm0, v4, v3;
	v2 =	vsel vm0, $0xC, v2;
	v6 =	vld [tilespmem:s29+$0x2300]  }
0x150: {  	v3 =	vsel vm1, v1, v3;
	v1 =	vsel vm1, v4, v1;
	v4 =	vsel vm1, $0xC, v5  }
0x151: {  	v2 =	vsel vm1, v5, v2;
	vm0 =	vgt.f32 v7, v3  }
0x152: {  	vm1 =	vgt.f32 v7, v1;
	v3 =	vsel vm0, v7, v3;
	v2 =	vsel vm0, $0xD, v2;
	v5 =	vld [tilespmem:s29+$0x2380]  }
0x153: {  	v3 =	vsel vm1, v1, v3;
	v2 =	vsel vm1, v4, v2;
	v1 =	vsel vm1, v7, v1  }
0x154: {  	v4 =	vsel vm1, $0xD, v4;
	vm0 =	vgt.f32 v6, v3  }
0x155: {  	vm1 =	vgt.f32 v6, v1;
	v3 =	vsel vm0, v6, v3;
	v2 =	vsel vm0, $0xE, v2;
	v7 =	vld [tilespmem:s29+$0x4000]  }
0x156: {  	v3 =	vsel vm1, v1, v3;
	v2 =	vsel vm1, v4, v2;
	v1 =	vsel vm1, v6, v1  }
0x157: {  	v4 =	vsel vm1, $0xE, v4;
	vm0 =	vgt.f32 v5, v3  }
0x158: {  	vm1 =	vgt.f32 v5, v1;
	v3 =	vsel vm0, v5, v3;
	v2 =	vsel vm0, $0xF, v2;
	v6 =	vld [tilespmem:s29+$0x4080]  }
0x159: {  	v3 =	vsel vm1, v1, v3;
	v2 =	vsel vm1, v4, v2;
	v1 =	vsel vm1, v5, v1  }
0x15a: {  	vm0 =	vgt.f32 v7, v3  }
0x15b: {  	vm2 =	vgt.f32 v7, v1;
	v3 =	vsel vm0, v7, v3;
	v2 =	vsel vm0, $0x10, v2;
	v5 =	vld [tilespmem:s29+$0x4100]  }
0x15c: {  	v4 =	vsel vm1, $0xF, v4;
	v3 =	vsel vm2, v1, v3;
	v1 =	vsel vm2, v7, v1  }
0x15d: {  	v2 =	vsel vm2, v4, v2;
	v4 =	vsel vm2, $0x10, v4;
	vm0 =	vgt.f32 v6, v3  }
0x15e: {  	vm1 =	vgt.f32 v6, v1;
	v3 =	vsel vm0, v6, v3;
	v2 =	vsel vm0, $0x11, v2;
	v7 =	vld [tilespmem:s29+$0x4180]  }
0x15f: {  	v3 =	vsel vm1, v1, v3;
	v2 =	vsel vm1, v4, v2;
	v1 =	vsel vm1, v6, v1  }
0x160: {  	v4 =	vsel vm1, $0x11, v4;
	vm0 =	vgt.f32 v5, v3  }
0x161: {  	vm1 =	vgt.f32 v5, v1;
	v3 =	vsel vm0, v5, v3;
	v2 =	vsel vm0, $0x12, v2;
	v6 =	vld [tilespmem:s29+$0x4200]  }
0x162: {  	v8 =	vsel vm1, $0x12, v4;
	v3 =	vsel vm1, v1, v3  }
0x163: {  	v2 =	vsel vm1, v4, v2;
	v1 =	vsel vm1, v5, v1;
	vm0 =	vgt.f32 v7, v3  }
0x164: {  	vm1 =	vgt.f32 v7, v1;
	v3 =	vsel vm0, v7, v3;
	v2 =	vsel vm0, $0x13, v2;
	v4 =	vld [tilespmem:s29+$0x4280]  }
0x165: {  	v3 =	vsel vm1, v1, v3;
	v2 =	vsel vm1, v8, v2  }
0x166: {  	v5 =	vsel vm1, $0x13, v8;
	v1 =	vsel vm1, v7, v1;
	vm0 =	vgt.f32 v6, v3  }
0x167: {  	vm1 =	vgt.f32 v6, v1;
	v3 =	vsel vm0, v6, v3;
	v2 =	vsel vm0, $0x14, v2;
	v7 =	vld [tilespmem:s29+$0x4300]  }
0x168: {  	v3 =	vsel vm1, v1, v3;
	v2 =	vsel vm1, v5, v2;
	v1 =	vsel vm1, v6, v1  }
0x169: {  	v5 =	vsel vm1, $0x14, v5;
	vm0 =	vgt.f32 v4, v3  }
0x16a: {  	vm1 =	vgt.f32 v4, v1;
	v3 =	vsel vm0, v4, v3;
	v2 =	vsel vm0, $0x15, v2;
	v6 =	vld [tilespmem:s29+$0x4380]  }
0x16b: {  	v3 =	vsel vm1, v1, v3;
	v2 =	vsel vm1, v5, v2;
	v1 =	vsel vm1, v4, v1  }
0x16c: {  	v4 =	vsel vm1, $0x15, v5;
	vm0 =	vgt.f32 v7, v3  }
0x16d: {  	vm1 =	vgt.f32 v7, v1;
	v3 =	vsel vm0, v7, v3;
	v2 =	vsel vm0, $0x16, v2;
	v5 =	vld [tilespmem:s29+$0x6000]  }
0x16e: {  	v3 =	vsel vm1, v1, v3;
	v2 =	vsel vm1, v4, v2  }
0x16f: {  	v1 =	vsel vm1, v7, v1;
	v4 =	vsel vm1, $0x16, v4;
	vm0 =	vgt.f32 v6, v3  }
0x170: {  	vm1 =	vgt.f32 v6, v1;
	v3 =	vsel vm0, v6, v3;
	v2 =	vsel vm0, $0x17, v2;
	v7 =	vld [tilespmem:s29+$0x6080]  }
0x171: {  	v8 =	vsel vm1, $0x17, v4;
	v3 =	vsel vm1, v1, v3  }
0x172: {  	v2 =	vsel vm1, v4, v2;
	v1 =	vsel vm1, v6, v1;
	vm0 =	vgt.f32 v5, v3  }
0x173: {  	vm1 =	vgt.f32 v5, v1;
	v3 =	vsel vm0, v5, v3;
	v2 =	vsel vm0, $0x18, v2;
	v4 =	vld [tilespmem:s29+$0x6100]  }
0x174: {  	v3 =	vsel vm1, v1, v3;
	v2 =	vsel vm1, v8, v2;
	v1 =	vsel vm1, v5, v1  }
0x175: {  	v5 =	vsel vm1, $0x18, v8;
	vm0 =	vgt.f32 v7, v3  }
0x176: {  	vm1 =	vgt.f32 v7, v1;
	v3 =	vsel vm0, v7, v3;
	v2 =	vsel vm0, $0x19, v2;
	v6 =	vld [tilespmem:s29+$0x6180]  }
0x177: {  	v3 =	vsel vm1, v1, v3;
	v2 =	vsel vm1, v5, v2;
	v1 =	vsel vm1, v7, v1  }
0x178: {  	v5 =	vsel vm1, $0x19, v5;
	vm0 =	vgt.f32 v4, v3  }
0x179: {  	vm1 =	vgt.f32 v4, v1;
	v3 =	vsel vm0, v4, v3;
	v2 =	vsel vm0, $0x1A, v2;
	v7 =	vld [tilespmem:s29+$0x6200]  }
0x17a: {  	v3 =	vsel vm1, v1, v3;
	v2 =	vsel vm1, v5, v2;
	v5 =	vsel vm1, $0x1A, v5  }
0x17b: {  	v1 =	vsel vm1, v4, v1;
	vm0 =	vgt.f32 v6, v3  }
0x17c: {  	vm1 =	vgt.f32 v6, v1;
	v3 =	vsel vm0, v6, v3;
	v2 =	vsel vm0, $0x1B, v2;
	v4 =	vld [tilespmem:s29+$0x6280]  }
0x17d: {  	v3 =	vsel vm1, v1, v3;
	v2 =	vsel vm1, v5, v2  }
0x17e: {  	v1 =	vsel vm1, v6, v1;
	vm0 =	vgt.f32 v7, v3  }
0x17f: {  	vm2 =	vgt.f32 v7, v1;
	v3 =	vsel vm0, v7, v3;
	v2 =	vsel vm0, $0x1C, v2;
	v6 =	vld [tilespmem:s29+$0x6300]  }
0x180: {  	v5 =	vsel vm1, $0x1B, v5;
	v3 =	vsel vm2, v1, v3;
	v1 =	vsel vm2, v7, v1  }
0x181: {  	v2 =	vsel vm2, v5, v2;
	v5 =	vsel vm2, $0x1C, v5;
	vm0 =	vgt.f32 v4, v3  }
0x182: {  	vm1 =	vgt.f32 v4, v1;
	v3 =	vsel vm0, v4, v3;
	v2 =	vsel vm0, $0x1D, v2;
	v7 =	vld [tilespmem:s29+$0x6380]  }
0x183: {  	v3 =	vsel vm1, v1, v3;
	v2 =	vsel vm1, v5, v2;
	v1 =	vsel vm1, v4, v1  }
0x184: {  	v4 =	vsel vm1, $0x1D, v5;
	vm0 =	vgt.f32 v6, v3  }
0x185: {  	vm1 =	vgt.f32 v6, v1;
	v3 =	vsel vm0, v6, v3;
	v2 =	vsel vm0, $0x1E, v2;
	v5 =	vld [tilespmem:s29+$0x8000]  }
0x186: {  	v3 =	vsel vm1, v1, v3;
	v2 =	vsel vm1, v4, v2  }
0x187: {  	v1 =	vsel vm1, v6, v1;
	v4 =	vsel vm1, $0x1E, v4;
	vm0 =	vgt.f32 v7, v3  }
0x188: {  	vm1 =	vgt.f32 v7, v1;
	v3 =	vsel vm0, v7, v3;
	v2 =	vsel vm0, $0x1F, v2;
	v6 =	vld [tilespmem:s29+$0x8080]  }
0x189: {  	v3 =	vsel vm1, v1, v3;
	v2 =	vsel vm1, v4, v2;
	v4 =	vsel vm1, $0x1F, v4  }
0x18a: {  	v1 =	vsel vm1, v7, v1;
	vm0 =	vgt.f32 v5, v3  }
0x18b: {  	vm1 =	vgt.f32 v5, v1;
	v3 =	vsel vm0, v5, v3;
	v2 =	vsel vm0, $0x20, v2;
	v7 =	vld [tilespmem:s29+$0x8100]  }
0x18c: {  	v3 =	vsel vm1, v1, v3;
	v2 =	vsel vm1, v4, v2  }
0x18d: {  	v1 =	vsel vm1, v5, v1;
	v4 =	vsel vm1, $0x20, v4;
	vm0 =	vgt.f32 v6, v3  }
0x18e: {  	vm1 =	vgt.f32 v6, v1;
	v3 =	vsel vm0, v6, v3;
	v2 =	vsel vm0, $0x21, v2;
	v5 =	vld [tilespmem:s29+$0x8180]  }
0x18f: {  	v3 =	vsel vm1, v1, v3;
	v2 =	vsel vm1, v4, v2  }
0x190: {  	v1 =	vsel vm1, v6, v1;
	v4 =	vsel vm1, $0x21, v4;
	vm0 =	vgt.f32 v7, v3  }
0x191: {  	vm1 =	vgt.f32 v7, v1;
	v3 =	vsel vm0, v7, v3;
	v2 =	vsel vm0, $0x22, v2;
	v6 =	vld [tilespmem:s29+$0x8200]  }
0x192: {  	v3 =	vsel vm1, v1, v3;
	v2 =	vsel vm1, v4, v2  }
0x193: {  	v1 =	vsel vm1, v7, v1;
	vm0 =	vgt.f32 v5, v3  }
0x194: {  	v4 =	vsel vm1, $0x22, v4;
	vm1 =	vgt.f32 v5, v1;
	v3 =	vsel vm0, v5, v3;
	v7 =	vld [tilespmem:s29+$0x8280]  }
0x195: {  	v2 =	vsel vm0, $0x23, v2;
	v8 =	vsel vm1, $0x23, v4;
	v3 =	vsel vm1, v1, v3  }
0x196: {  	v2 =	vsel vm1, v4, v2;
	v1 =	vsel vm1, v5, v1;
	vm0 =	vgt.f32 v6, v3  }
0x197: {  	vm1 =	vgt.f32 v6, v1;
	v3 =	vsel vm0, v6, v3;
	v2 =	vsel vm0, $0x24, v2;
	v4 =	vld [tilespmem:s29+$0x8300]  }
0x198: {  	v3 =	vsel vm1, v1, v3;
	v2 =	vsel vm1, v8, v2  }
0x199: {  	v5 =	vsel vm1, $0x24, v8;
	v1 =	vsel vm1, v6, v1;
	vm0 =	vgt.f32 v7, v3  }
0x19a: {  	vm1 =	vgt.f32 v7, v1;
	v3 =	vsel vm0, v7, v3;
	v2 =	vsel vm0, $0x25, v2;
	v6 =	vld [tilespmem:s29+$0x8380]  }
0x19b: {  	v3 =	vsel vm1, v1, v3;
	v2 =	vsel vm1, v5, v2  }
0x19c: {  	v1 =	vsel vm1, v7, v1;
	v5 =	vsel vm1, $0x25, v5;
	vm0 =	vgt.f32 v4, v3  }
0x19d: {  	vm1 =	vgt.f32 v4, v1;
	v3 =	vsel vm0, v4, v3;
	v2 =	vsel vm0, $0x26, v2;
	v7 =	vld [tilespmem:s29+$0xA000]  }
0x19e: {  	v3 =	vsel vm1, v1, v3;
	v2 =	vsel vm1, v5, v2  }
0x19f: {  	v1 =	vsel vm1, v4, v1;
	vm0 =	vgt.f32 v6, v3  }
0x1a0: {  	v4 =	vsel vm1, $0x26, v5;
	vm1 =	vgt.f32 v6, v1;
	v3 =	vsel vm0, v6, v3;
	v5 =	vld [tilespmem:s29+$0xA080]  }
0x1a1: {  	v2 =	vsel vm0, $0x27, v2;
	v8 =	vsel vm1, $0x27, v4;
	v3 =	vsel vm1, v1, v3  }
0x1a2: {  	v2 =	vsel vm1, v4, v2;
	v1 =	vsel vm1, v6, v1;
	vm0 =	vgt.f32 v7, v3  }
0x1a3: {  	vm1 =	vgt.f32 v7, v1;
	v3 =	vsel vm0, v7, v3;
	v2 =	vsel vm0, $0x28, v2;
	v4 =	vld [tilespmem:s29+$0xA100]  }
0x1a4: {  	v3 =	vsel vm1, v1, v3;
	v2 =	vsel vm1, v8, v2;
	v1 =	vsel vm1, v7, v1  }
0x1a5: {  	v6 =	vsel vm1, $0x28, v8;
	vm0 =	vgt.f32 v5, v3  }
0x1a6: {  	vm1 =	vgt.f32 v5, v1;
	v3 =	vsel vm0, v5, v3;
	v2 =	vsel vm0, $0x29, v2;
	v7 =	vld [tilespmem:s29+$0xA180]  }
0x1a7: {  	v3 =	vsel vm1, v1, v3;
	v2 =	vsel vm1, v6, v2;
	v1 =	vsel vm1, v5, v1  }
0x1a8: {  	v5 =	vsel vm1, $0x29, v6;
	vm0 =	vgt.f32 v4, v3  }
0x1a9: {  	vm1 =	vgt.f32 v4, v1;
	v3 =	vsel vm0, v4, v3;
	v2 =	vsel vm0, $0x2A, v2;
	v6 =	vld [tilespmem:s29+$0xA200]  }
0x1aa: {  	v3 =	vsel vm1, v1, v3;
	v2 =	vsel vm1, v5, v2;
	v5 =	vsel vm1, $0x2A, v5  }
0x1ab: {  	v1 =	vsel vm1, v4, v1;
	vm0 =	vgt.f32 v7, v3  }
0x1ac: {  	vm1 =	vgt.f32 v7, v1;
	v3 =	vsel vm0, v7, v3;
	v2 =	vsel vm0, $0x2B, v2;
	v4 =	vld [tilespmem:s29+$0xA280]  }
0x1ad: {  	v3 =	vsel vm1, v1, v3;
	v2 =	vsel vm1, v5, v2  }
0x1ae: {  	v1 =	vsel vm1, v7, v1;
	v5 =	vsel vm1, $0x2B, v5;
	vm0 =	vgt.f32 v6, v3  }
0x1af: {  	vm1 =	vgt.f32 v6, v1;
	v3 =	vsel vm0, v6, v3;
	v2 =	vsel vm0, $0x2C, v2;
	v7 =	vld [tilespmem:s29+$0xA300]  }
0x1b0: {  	v3 =	vsel vm1, v1, v3;
	v2 =	vsel vm1, v5, v2  }
0x1b1: {  	v1 =	vsel vm1, v6, v1;
	v5 =	vsel vm1, $0x2C, v5;
	vm0 =	vgt.f32 v4, v3  }
0x1b2: {  	vm1 =	vgt.f32 v4, v1;
	v3 =	vsel vm0, v4, v3;
	v2 =	vsel vm0, $0x2D, v2;
	v6 =	vld [tilespmem:s29+$0xA380]  }
0x1b3: {  	v3 =	vsel vm1, v1, v3;
	v2 =	vsel vm1, v5, v2;
	v1 =	vsel vm1, v4, v1  }
0x1b4: {  	v4 =	vsel vm1, $0x2D, v5;
	vm0 =	vgt.f32 v7, v3  }
0x1b5: {  	vm1 =	vgt.f32 v7, v1;
	v3 =	vsel vm0, v7, v3;
	v2 =	vsel vm0, $0x2E, v2;
	v5 =	vld [tilespmem:s29+$0xC000]  }
0x1b6: {  	v3 =	vsel vm1, v1, v3;
	v2 =	vsel vm1, v4, v2;
	v1 =	vsel vm1, v7, v1  }
0x1b7: {  	v4 =	vsel vm1, $0x2E, v4;
	vm0 =	vgt.f32 v6, v3  }
0x1b8: {  	vm1 =	vgt.f32 v6, v1;
	v3 =	vsel vm0, v6, v3;
	v2 =	vsel vm0, $0x2F, v2;
	v7 =	vld [tilespmem:s29+$0xC080]  }
0x1b9: {  	v3 =	vsel vm1, v1, v3;
	v2 =	vsel vm1, v4, v2  }
0x1ba: {  	v1 =	vsel vm1, v6, v1;
	v4 =	vsel vm1, $0x2F, v4;
	vm0 =	vgt.f32 v5, v3  }
0x1bb: {  	vm1 =	vgt.f32 v5, v1;
	v3 =	vsel vm0, v5, v3;
	v2 =	vsel vm0, $0x30, v2;
	v6 =	vld [tilespmem:s29+$0xC100]  }
0x1bc: {  	v3 =	vsel vm1, v1, v3;
	v2 =	vsel vm1, v4, v2  }
0x1bd: {  	v1 =	vsel vm1, v5, v1;
	v4 =	vsel vm1, $0x30, v4;
	vm0 =	vgt.f32 v7, v3  }
0x1be: {  	vm1 =	vgt.f32 v7, v1;
	v3 =	vsel vm0, v7, v3;
	v2 =	vsel vm0, $0x31, v2;
	v5 =	vld [tilespmem:s29+$0xC180]  }
0x1bf: {  	v3 =	vsel vm1, v1, v3;
	v2 =	vsel vm1, v4, v2  }
0x1c0: {  	v1 =	vsel vm1, v7, v1;
	v4 =	vsel vm1, $0x31, v4;
	vm0 =	vgt.f32 v6, v3  }
0x1c1: {  	vm1 =	vgt.f32 v6, v1;
	v3 =	vsel vm0, v6, v3;
	v2 =	vsel vm0, $0x32, v2;
	v7 =	vld [tilespmem:s29+$0xC200]  }
0x1c2: {  	v3 =	vsel vm1, v1, v3;
	v2 =	vsel vm1, v4, v2  }
0x1c3: {  	v1 =	vsel vm1, v6, v1;
	v4 =	vsel vm1, $0x32, v4;
	vm0 =	vgt.f32 v5, v3  }
0x1c4: {  	vm1 =	vgt.f32 v5, v1;
	v3 =	vsel vm0, v5, v3;
	v2 =	vsel vm0, $0x33, v2;
	v6 =	vld [tilespmem:s29+$0xC280]  }
0x1c5: {  	v3 =	vsel vm1, v1, v3;
	v2 =	vsel vm1, v4, v2;
	v1 =	vsel vm1, v5, v1  }
0x1c6: {  	v4 =	vsel vm1, $0x33, v4;
	vm0 =	vgt.f32 v7, v3  }
0x1c7: {  	vm1 =	vgt.f32 v7, v1;
	v3 =	vsel vm0, v7, v3;
	v2 =	vsel vm0, $0x34, v2;
	v5 =	vld [tilespmem:s29+$0xC300]  }
0x1c8: {  	v3 =	vsel vm1, v1, v3;
	v2 =	vsel vm1, v4, v2  }
0x1c9: {  	v1 =	vsel vm1, v7, v1;
	v4 =	vsel vm1, $0x34, v4;
	vm0 =	vgt.f32 v6, v3  }
0x1ca: {  	vm1 =	vgt.f32 v6, v1;
	v3 =	vsel vm0, v6, v3;
	v2 =	vsel vm0, $0x35, v2;
	v7 =	vld [tilespmem:s29+$0xC380]  }
0x1cb: {  	v3 =	vsel vm1, v1, v3;
	v2 =	vsel vm1, v4, v2  }
0x1cc: {  	v1 =	vsel vm1, v6, v1;
	v4 =	vsel vm1, $0x35, v4;
	vm0 =	vgt.f32 v5, v3  }
0x1cd: {  	vm1 =	vgt.f32 v5, v1;
	v3 =	vsel vm0, v5, v3;
	v2 =	vsel vm0, $0x36, v2;
	v6 =	vld [tilespmem:s29+$0xE000]  }
0x1ce: {  	v3 =	vsel vm1, v1, v3;
	v2 =	vsel vm1, v4, v2  }
0x1cf: {  	v1 =	vsel vm1, v5, v1;
	vm0 =	vgt.f32 v7, v3  }
0x1d0: {  	v4 =	vsel vm1, $0x36, v4;
	vm1 =	vgt.f32 v7, v1;
	v3 =	vsel vm0, v7, v3;
	v5 =	vld [tilespmem:s29+$0xE080]  }
0x1d1: {  	v2 =	vsel vm0, $0x37, v2;
	v8 =	vsel vm1, $0x37, v4;
	v3 =	vsel vm1, v1, v3  }
0x1d2: {  	v2 =	vsel vm1, v4, v2;
	v1 =	vsel vm1, v7, v1;
	vm0 =	vgt.f32 v6, v3  }
0x1d3: {  	vm1 =	vgt.f32 v6, v1;
	v3 =	vsel vm0, v6, v3;
	v2 =	vsel vm0, $0x38, v2;
	v4 =	vld [tilespmem:s29+$0xE100]  }
0x1d4: {  	v7 =	vsel vm1, $0x38, v8;
	v3 =	vsel vm1, v1, v3;
	v2 =	vsel vm1, v8, v2  }
0x1d5: {  	v1 =	vsel vm1, v6, v1;
	vm0 =	vgt.f32 v5, v3  }
0x1d6: {  	vm1 =	vgt.f32 v5, v1;
	v3 =	vsel vm0, v5, v3;
	v2 =	vsel vm0, $0x39, v2;
	v6 =	vld [tilespmem:s29+$0xE180]  }
0x1d7: {  	v3 =	vsel vm1, v1, v3;
	v2 =	vsel vm1, v7, v2;
	v1 =	vsel vm1, v5, v1  }
0x1d8: {  	v5 =	vsel vm1, $0x39, v7;
	vm0 =	vgt.f32 v4, v3  }
0x1d9: {  	vm1 =	vgt.f32 v4, v1;
	v3 =	vsel vm0, v4, v3;
	v2 =	vsel vm0, $0x3A, v2;
	v7 =	vld [tilespmem:s29+$0xE200]  }
0x1da: {  	v8 =	vsel vm1, $0x3A, v5;
	v3 =	vsel vm1, v1, v3  }
0x1db: {  	v2 =	vsel vm1, v5, v2;
	v1 =	vsel vm1, v4, v1;
	vm0 =	vgt.f32 v6, v3  }
0x1dc: {  	vm1 =	vgt.f32 v6, v1;
	v3 =	vsel vm0, v6, v3;
	v2 =	vsel vm0, $0x3B, v2;
	v4 =	vld [tilespmem:s29+$0xE280]  }
0x1dd: {  	v5 =	vsel vm1, $0x3B, v8;
	v3 =	vsel vm1, v1, v3;
	v2 =	vsel vm1, v8, v2  }
0x1de: {  	v1 =	vsel vm1, v6, v1;
	vm0 =	vgt.f32 v7, v3  }
0x1df: {  	vm1 =	vgt.f32 v7, v1;
	v3 =	vsel vm0, v7, v3;
	v2 =	vsel vm0, $0x3C, v2;
	v6 =	vld [tilespmem:s29+$0xE300]  }
0x1e0: {  	v8 =	vsel vm1, $0x3C, v5;
	v3 =	vsel vm1, v1, v3  }
0x1e1: {  	v2 =	vsel vm1, v5, v2;
	v1 =	vsel vm1, v7, v1;
	vm0 =	vgt.f32 v4, v3  }
0x1e2: {  	vm1 =	vgt.f32 v4, v1;
	v3 =	vsel vm0, v4, v3;
	v2 =	vsel vm0, $0x3D, v2;
	v5 =	vld [tilespmem:s29+$0xE380]  }
0x1e3: {  	v7 =	vsel vm1, $0x3D, v8;
	v3 =	vsel vm1, v1, v3;
	v2 =	vsel vm1, v8, v2  }
0x1e4: {  	v1 =	vsel vm1, v4, v1;
	vm1 =	vgt.f32 v6, v3  }
0x1e5: {  	vm0 =	vgt.f32 v6, v1;
	v3 =	vsel vm1, v6, v3;
	v2 =	vsel vm1, $0x3E, v2  }
0x1e6: {  	v3 =	vsel vm0, v1, v3  }
0x1e7: {  	v2 =	vsel vm0, v7, v2;
	v1 =	vsel vm0, v6, v1;
	vm2 =	vgt.f32 v5, v3  }
0x1e8: {  	vm1 =	vgt.f32 v5, v1;
	v3 =	vsel vm2, v5, v3;
	v2 =	vsel vm2, $0x3F, v2  }
0x1e9: {  	v3 =	vsel vm1, v1, v3;
	v1 =	vsel vm1, v5, v1  }
0x1ea: {  	v1 =	vsub.f32 v3, v1;
	_ =	sdelay $0x1  }
0x1eb: {  	v1 =	vmul.f32 $1.442695020e+00, v1;
	_ =	sdelay $0x1  }
0x1ec: {  	(erf) = vpow2.f32 v1;
	_ =	sdelay $0x8  }
0x1ed: {  	v1 =	vpop (erf)  }
0x1ee: {  	v3 =	vadd.f32 $1.000000000e+00, v1;
	_ =	sdelay $0x1  }
0x1ef: {  	(erf) = vrcp.f32 v3;
	_ =	sdelay $0x7  }
.Ltmp0:
0x1f0: {  	(pc) =	sbr.rel @p0 .LBB2_2-.Ltmp0, $4  }
0x1f1: {  	v3 =	vpop (erf)  }
0x1f2: {  	s23 =	sadd.s32 $0x80, s23;
	v4 =	vmul.f32 v3, v1  }
0x1f3: {  	s19 =	sadd.s32 $0x10, s19;
	s20 =	sadd.s32 $0x10, s20;
	s28 =	sand.u32 $0x70, s28;
	v5 =	vsel vm0, $0x3E, v7;
	[tilespmem:s22+$0x0] =	vst v3  }
0x1f4: {  	s30 =	smov.u32 s26;
	s29 =	sand.u32 $0x1C00, s23;
	v1 =	vsel vm1, v5, v2;
	v2 =	vsel vm1, $0x3F, v5;
	[tilespmem:s21+$0x0] =	vst v4;
	s21 =	sadd.s32 $0x10, s21  }
0x1f5: {  	[tilespmem:s25+$0x0] =	vst v2  }
0x1f6: {  	s23 =	sor.u32 s28, s29;
	[tilespmem:s24+$0x0] =	vst v1  }
0x1f7: {  	v1 =	vld [tilespmem:s23+$0x80]  }
0x1f8: {  	v2 =	vld [tilespmem:s23+$0x0];
	_ =	sdelay $0x2  }
0x1f9: {  	v3 =	vld [tilespmem:s23+$0x100]  }
0x1fa: {  	vm0 =	vlt.f32 v1, $-Inf;
	vm1 =	vgt.f32 v1, $-Inf  }
0x1fb: {  	v4 =	vimm.s32 $0x0;
	vm2 =	vgt.f32 v1, v2;
	vm3 =	vmor vm1, vm0  }
0x1fc: {  	v4 =	vsel vm2, $0xFFFFFFFF, v4;
	vm1 =	vmneg vm2;
	v41 =	vnsel vm3, $0xFF800000, v1  }
0x1fd: {  	v5 =	vld [tilespmem:s23+$0x180];
	[tilespmem:$0x1F700] =	vst v4;
	v4 =	vsel vm1, v41, v2  }
0x1fe: {  	v1 =	vsel vm1, v2, v1;
	v2 =	vimm.s32 $0x0;
	vm10 =	vgt.f32 v3, v4  }
0x1ff: {  	v2 =	vsel vm10, $0xFFFFFFFF, v2  }
0x200: {  	vm4 =	vgt.f32 v3, v1;
	[tilespmem:$0x1F710] =	vst v2;
	v2 =	vsel vm10, v3, v4  }
0x201: {  	v42 =	vld [tilespmem:s23+$0x200];
	v2 =	vsel vm4, v1, v2  }
0x202: {  	v1 =	vsel vm4, v3, v1;
	v3 =	vimm.s32 $0x0;
	vm11 =	vgt.f32 v5, v2  }
0x203: {  	v3 =	vsel vm11, $0xFFFFFFFF, v3  }
0x204: {  	vm5 =	vgt.f32 v5, v1;
	v2 =	vsel vm11, v5, v2;
	[tilespmem:$0x1F720] =	vst v3;
	v3 =	vld [tilespmem:s23+$0x280]  }
0x205: {  	v2 =	vsel vm5, v1, v2  }
0x206: {  	v1 =	vsel vm5, v5, v1;
	vm12 =	vgt.f32 v42, v2  }
0x207: {  	v44 =	vld [tilespmem:s23+$0x300];
	vm6 =	vgt.f32 v42, v1;
	v2 =	vsel vm12, v42, v2  }
0x208: {  	v2 =	vsel vm6, v1, v2  }
0x209: {  	v1 =	vsel vm6, v42, v1;
	vm13 =	vgt.f32 v3, v2  }
0x20a: {  	vm7 =	vgt.f32 v3, v1;
	v2 =	vsel vm13, v3, v2  }
0x20b: {  	v46 =	vld [tilespmem:s23+$0x380];
	v2 =	vsel vm7, v1, v2  }
0x20c: {  	v1 =	vsel vm7, v3, v1;
	v3 =	vimm.s32 $0x0;
	vm14 =	vgt.f32 v44, v2  }
0x20d: {  	v3 =	vsel vm14, $0xFFFFFFFF, v3  }
0x20e: {  	vm8 =	vgt.f32 v44, v1;
	v2 =	vsel vm14, v44, v2;
	[tilespmem:$0x1F750] =	vst v3;
	v3 =	vld [tilespmem:s23+$0x2000]  }
0x20f: {  	v2 =	vsel vm8, v1, v2  }
0x210: {  	v1 =	vsel vm8, v44, v1;
	vm15 =	vgt.f32 v46, v2  }
0x211: {  	v48 =	vld [tilespmem:s23+$0x2080];
	vm9 =	vgt.f32 v46, v1;
	v2 =	vsel vm15, v46, v2  }
0x212: {  	v43 =	vimm.s32 $0x0;
	v2 =	vsel vm9, v1, v2  }
0x213: {  	v5 =	vsel vm12, $0xFFFFFFFF, v43;
	v1 =	vsel vm9, v46, v1;
	vm12 =	vgt.f32 v3, v2  }
0x214: {  	v45 =	vimm.s32 $0x0;
	vm10 =	vgt.f32 v3, v1;
	v2 =	vsel vm12, v3, v2  }
0x215: {  	v50 =	vld [tilespmem:s23+$0x2100];
	v4 =	vsel vm13, $0xFFFFFFFF, v45;
	v2 =	vsel vm10, v1, v2  }
0x216: {  	v1 =	vsel vm10, v3, v1;
	v3 =	vimm.s32 $0x0;
	vm13 =	vgt.f32 v48, v2  }
0x217: {  	v3 =	vsel vm13, $0xFFFFFFFF, v3  }
0x218: {  	vm11 =	vgt.f32 v48, v1;
	v2 =	vsel vm13, v48, v2;
	[tilespmem:$0x1F780] =	vst v3;
	v3 =	vld [tilespmem:s23+$0x2180]  }
0x219: {  	v2 =	vsel vm11, v1, v2  }
0x21a: {  	v49 =	vimm.s32 $0x0;
	v1 =	vsel vm11, v48, v1;
	vm14 =	vgt.f32 v50, v2  }
0x21b: {  	v52 =	vld [tilespmem:s23+$0x2200];
	[tilespmem:$0x1F740] =	vst v4;
	v4 =	vsel vm12, $0xFFFFFFFF, v49;
	vm12 =	vgt.f32 v50, v1;
	v2 =	vsel vm14, v50, v2  }
0x21c: {  	v47 =	vimm.s32 $0x0;
	v2 =	vsel vm12, v1, v2  }
0x21d: {  	[tilespmem:$0x1F730] =	vst v5;
	v5 =	vsel vm15, $0xFFFFFFFF, v47;
	v1 =	vsel vm12, v50, v1;
	vm15 =	vgt.f32 v3, v2  }
0x21e: {  	vm2 =	vgt.f32 v3, v1;
	v2 =	vsel vm15, v3, v2  }
0x21f: {  	v54 =	vld [tilespmem:s23+$0x2280];
	v2 =	vsel vm2, v1, v2  }
0x220: {  	v1 =	vsel vm2, v3, v1;
	v3 =	vimm.s32 $0x0;
	vm13 =	vgt.f32 v52, v2  }
0x221: {  	v3 =	vsel vm13, $0xFFFFFFFF, v3  }
0x222: {  	v2 =	vsel vm13, v52, v2;
	vm13 =	vgt.f32 v52, v1;
	[tilespmem:$0x1F7B0] =	vst v3;
	v3 =	vld [tilespmem:s23+$0x2300]  }
0x223: {  	v51 =	vimm.s32 $0x0;
	v55 =	vimm.s32 $0x0;
	v2 =	vsel vm13, v1, v2  }
0x224: {  	[tilespmem:$0x1F760] =	vst v5;
	v5 =	vsel vm14, $0xFFFFFFFF, v51;
	v1 =	vsel vm13, v52, v1;
	vm14 =	vgt.f32 v54, v2  }
0x225: {  	v56 =	vld [tilespmem:s23+$0x2380];
	[tilespmem:$0x1F790] =	vst v5;
	v5 =	vsel vm14, $0xFFFFFFFF, v55;
	v2 =	vsel vm14, v54, v2;
	vm14 =	vgt.f32 v54, v1  }
0x226: {  	v53 =	vimm.s32 $0x0;
	v57 =	vimm.s32 $0x0;
	v2 =	vsel vm14, v1, v2  }
0x227: {  	[tilespmem:$0x1F770] =	vst v4;
	v4 =	vsel vm15, $0xFFFFFFFF, v53;
	v1 =	vsel vm14, v54, v1;
	vm15 =	vgt.f32 v3, v2  }
0x228: {  	[tilespmem:$0x1F7A0] =	vst v4;
	v4 =	vsel vm15, $0xFFFFFFFF, v57;
	v2 =	vsel vm15, v3, v2;
	vm15 =	vgt.f32 v3, v1  }
0x229: {  	v6 =	vimm.s32 $0x0;
	v59 =	vimm.s32 $0x0;
	v58 =	vld [tilespmem:s23+$0x4000];
	v2 =	vsel vm15, v1, v2  }
0x22a: {  	v1 =	vsel vm15, v3, v1;
	v3 =	vimm.s32 $0x0;
	vm0 =	vgt.f32 v56, v2  }
0x22b: {  	v61 =	vimm.s32 $0x0;
	v63 =	vimm.s32 $0x0;
	v3 =	vsel vm0, $0xFFFFFFFF, v3  }
0x22c: {  	v11 =	vimm.s32 $0x0;
	v2 =	vsel vm0, v56, v2;
	vm0 =	vgt.f32 v56, v1;
	[tilespmem:$0x1F7E0] =	vst v3;
	v3 =	vld [tilespmem:s23+$0x4080]  }
0x22d: {  	v14 =	vimm.s32 $0x0;
	v17 =	vimm.s32 $0x0;
	v2 =	vsel vm0, v1, v2  }
0x22e: {  	v6 =	vsel vm0, $0xFFFFFFFF, v6;
	v1 =	vsel vm0, v56, v1;
	vm0 =	vgt.f32 v58, v2  }
0x22f: {  	v60 =	vld [tilespmem:s23+$0x4100];
	[tilespmem:$0x1F7C0] =	vst v5;
	v5 =	vsel vm0, $0xFFFFFFFF, v59;
	v2 =	vsel vm0, v58, v2;
	vm0 =	vgt.f32 v58, v1  }
0x230: {  	v20 =	vimm.s32 $0x0;
	vm3 =	vmand vm1, vm3;
	v2 =	vsel vm0, v1, v2  }
0x231: {  	v7 =	vld [tilespmem:$0x1F700];
	[tilespmem:$0x1F7F0] =	vst v6;
	v6 =	vsel vm0, $0xFFFFFFFF, v61;
	v1 =	vsel vm0, v58, v1;
	vm0 =	vgt.f32 v3, v2  }
0x232: {  	v62 =	vsel vm3, $0x1, v0;
	vm3 =	vgt.f32 v3, v1;
	v2 =	vsel vm0, v3, v2  }
0x233: {  	v23 =	vimm.s32 $0x0;
	v8 =	vld [tilespmem:$0x1F710];
	[tilespmem:$0x1F7D0] =	vst v4;
	v4 =	vsel vm0, $0xFFFFFFFF, v63;
	v2 =	vsel vm3, v1, v2  }
0x234: {  	v1 =	vsel vm3, v3, v1;
	v3 =	vimm.s32 $0x0;
	vm0 =	vgt.f32 v60, v2  }
0x235: {  	v26 =	vimm.s32 $0x0;
	v29 =	vimm.s32 $0x0;
	v36 =	vld [tilespmem:$0x1F7B0];
	v3 =	vsel vm0, $0xFFFFFFFF, v3  }
0x236: {  	v32 =	vimm.s32 $0x0;
	v35 =	vimm.s32 $0x0;
	vm1 =	vnez.u8 v7;
	[tilespmem:$0x1F830] =	vst v3;
	v3 =	vld [tilespmem:$0x1F720]  }
0x237: {  	v38 =	vimm.s32 $0x0;
	v39 =	vimm.s32 $0x0;
	v7 =	vsel vm1, $0x1, v0  }
0x238: {  	vm1 =	vnez.u8 v8;
	v42 =	vimm.s32 $0x0;
	v45 =	vimm.s32 $0x0  }
0x239: {  	v12 =	vld [tilespmem:$0x1F730];
	v50 =	vimm.s32 $0x0;
	v53 =	vimm.s32 $0x0;
	v56 =	vimm.s32 $0x0  }
0x23a: {  	v9 =	vld [tilespmem:s23+$0x4180];
	v59 =	vimm.s32 $0x0;
	[tilespmem:$0x1F820] =	vst v4;
	v4 =	vsel vm1, $0x2, v62;
	vm1 =	vnez.u8 v36  }
0x23b: {  	v4 =	vsel vm4, v7, v4;
	v7 =	vsel vm4, $0x2, v7;
	vm4 =	vnez.u8 v3  }
0x23c: {  	v15 =	vld [tilespmem:$0x1F740];
	v62 =	vimm.s32 $0x0;
	v36 =	vimm.s32 $0x0;
	v3 =	vsel vm4, $0x3, v4  }
0x23d: {  	v2 =	vsel vm0, v60, v2;
	vm4 =	vgt.f32 v60, v1;
	v3 =	vsel vm5, v7, v3  }
0x23e: {  	v10 =	vld [tilespmem:s23+$0x4200];
	v2 =	vsel vm4, v1, v2;
	v7 =	vsel vm5, $0x3, v7;
	vm5 =	vnez.u8 v12  }
0x23f: {  	v18 =	vld [tilespmem:$0x1F750];
	v1 =	vsel vm4, v60, v1;
	vm0 =	vgt.f32 v9, v2;
	v3 =	vsel vm5, $0x4, v3  }
0x240: {  	[tilespmem:$0x1F800] =	vst v5;
	vm5 =	vgt.f32 v9, v1;
	v5 =	vsel vm0, $0xFFFFFFFF, v11;
	v2 =	vsel vm0, v9, v2  }
0x241: {  	v3 =	vsel vm6, v7, v3;
	v7 =	vsel vm6, $0x4, v7;
	vm6 =	vnez.u8 v15  }
0x242: {  	v13 =	vld [tilespmem:s23+$0x4280];
	v2 =	vsel vm5, v1, v2;
	v1 =	vsel vm5, v9, v1;
	v3 =	vsel vm6, $0x5, v3  }
0x243: {  	v8 =	vld [tilespmem:$0x1F760];
	vm0 =	vgt.f32 v10, v2;
	vm6 =	vgt.f32 v10, v1;
	v3 =	vsel vm7, v7, v3  }
0x244: {  	[tilespmem:$0x1F810] =	vst v6;
	v7 =	vsel vm7, $0x5, v7;
	vm7 =	vnez.u8 v18;
	v6 =	vsel vm0, $0xFFFFFFFF, v14  }
0x245: {  	v16 =	vld [tilespmem:s23+$0x4300];
	v2 =	vsel vm0, v10, v2;
	v3 =	vsel vm7, $0x6, v3;
	v21 =	vsel vm8, $0x6, v7  }
0x246: {  	v2 =	vsel vm6, v1, v2;
	v1 =	vsel vm6, v10, v1;
	v3 =	vsel vm8, v7, v3  }
0x247: {  	v19 =	vld [tilespmem:s23+$0x4380];
	v10 =	vimm.s32 $0x0;
	vm0 =	vgt.f32 v13, v2;
	vm7 =	vgt.f32 v13, v1  }
0x248: {  	v24 =	vld [tilespmem:$0x1F770];
	v4 =	vsel vm0, $0xFFFFFFFF, v17;
	v2 =	vsel vm0, v13, v2;
	vm0 =	vnez.u8 v8  }
0x249: {  	v2 =	vsel vm7, v1, v2;
	v3 =	vsel vm0, $0x7, v3;
	v1 =	vsel vm7, v13, v1  }
0x24a: {  	v13 =	vimm.s32 $0x0;
	vm0 =	vgt.f32 v16, v2;
	vm8 =	vgt.f32 v16, v1  }
0x24b: {  	v27 =	vld [tilespmem:$0x1F780];
	[tilespmem:$0x1F840] =	vst v5;
	v3 =	vsel vm9, v21, v3;
	v5 =	vsel vm0, $0xFFFFFFFF, v20;
	v2 =	vsel vm0, v16, v2  }
0x24c: {  	v22 =	vld [tilespmem:s23+$0x6000];
	[tilespmem:$0x1F870] =	vst v5;
	v2 =	vsel vm8, v1, v2;
	v5 =	vsel vm9, $0x7, v21;
	v1 =	vsel vm8, v16, v1  }
0x24d: {  	vm9 =	vnez.u8 v24;
	v16 =	vimm.s32 $0x0;
	vm0 =	vgt.f32 v19, v2  }
0x24e: {  	v30 =	vld [tilespmem:$0x1F790];
	[tilespmem:$0x1F850] =	vst v6;
	v3 =	vsel vm9, $0x8, v3;
	vm9 =	vgt.f32 v19, v1;
	v6 =	vsel vm0, $0xFFFFFFFF, v23  }
0x24f: {  	v2 =	vsel vm0, v19, v2;
	v3 =	vsel vm10, v5, v3;
	v5 =	vsel vm10, $0x8, v5  }
0x250: {  	vm10 =	vnez.u8 v27;
	v2 =	vsel vm9, v1, v2;
	v1 =	vsel vm9, v19, v1  }
0x251: {  	v33 =	vld [tilespmem:$0x1F7A0];
	v3 =	vsel vm10, $0x9, v3;
	v19 =	vimm.s32 $0x0;
	vm0 =	vgt.f32 v22, v2  }
0x252: {  	v25 =	vld [tilespmem:s23+$0x6080];
	vm10 =	vgt.f32 v22, v1;
	v3 =	vsel vm11, v5, v3;
	v5 =	vsel vm11, $0x9, v5  }
0x253: {  	[tilespmem:$0x1F860] =	vst v4;
	vm11 =	vnez.u8 v30;
	v30 =	vimm.s32 $0x0;
	v4 =	vsel vm0, $0xFFFFFFFF, v26  }
0x254: {  	v54 =	vld [tilespmem:$0x1F820];
	v2 =	vsel vm0, v22, v2;
	v3 =	vsel vm11, $0xA, v3;
	v26 =	vimm.s32 $0x0  }
0x255: {  	v2 =	vsel vm10, v1, v2;
	v1 =	vsel vm10, v22, v1;
	v3 =	vsel vm12, v5, v3  }
0x256: {  	v49 =	vld [tilespmem:$0x1F800];
	v5 =	vsel vm12, $0xA, v5;
	vm12 =	vnez.u8 v33;
	v22 =	vimm.s32 $0x0  }
0x257: {  	v28 =	vld [tilespmem:s23+$0x6100];
	v33 =	vimm.s32 $0x0;
	vm0 =	vgt.f32 v25, v2;
	vm11 =	vgt.f32 v25, v1  }
0x258: {  	v40 =	vld [tilespmem:$0x1F7C0];
	v3 =	vsel vm12, $0xB, v3;
	v7 =	vsel vm0, $0xFFFFFFFF, v29;
	v2 =	vsel vm0, v25, v2  }
0x259: {  	v3 =	vsel vm2, v5, v3;
	v5 =	vsel vm2, $0xB, v5;
	vm2 =	vnez.u8 v54  }
0x25a: {  	v43 =	vld [tilespmem:$0x1F7D0];
	v29 =	vimm.s32 $0x0;
	v2 =	vsel vm11, v1, v2;
	v1 =	vsel vm11, v25, v1  }
0x25b: {  	v31 =	vld [tilespmem:s23+$0x6180];
	v3 =	vsel vm1, $0xC, v3;
	vm1 =	vnez.u8 v49;
	v25 =	vimm.s32 $0x0  }
0x25c: {  	vm0 =	vgt.f32 v28, v2;
	vm12 =	vgt.f32 v28, v1;
	v3 =	vsel vm13, v5, v3  }
0x25d: {  	v5 =	vsel vm13, $0xC, v5;
	vm13 =	vnez.u8 v40;
	v2 =	vsel vm0, v28, v2  }
0x25e: {  	v34 =	vld [tilespmem:s23+$0x6200];
	[tilespmem:$0x1F880] =	vst v6;
	v6 =	vsel vm0, $0xFFFFFFFF, v32;
	v3 =	vsel vm13, $0xD, v3;
	v2 =	vsel vm12, v1, v2  }
0x25f: {  	v46 =	vld [tilespmem:$0x1F7E0];
	v3 =	vsel vm14, v5, v3;
	v5 =	vsel vm14, $0xD, v5;
	vm14 =	vnez.u8 v43  }
0x260: {  	v1 =	vsel vm12, v28, v1;
	vm0 =	vgt.f32 v31, v2;
	v3 =	vsel vm14, $0xE, v3  }
0x261: {  	v37 =	vld [tilespmem:s23+$0x6280];
	[tilespmem:$0x1F890] =	vst v4;
	v4 =	vsel vm0, $0xFFFFFFFF, v35;
	v2 =	vsel vm0, v31, v2;
	vm0 =	vgt.f32 v31, v1  }
0x262: {  	v3 =	vsel vm15, v5, v3;
	v5 =	vsel vm15, $0xE, v5;
	v2 =	vsel vm0, v1, v2  }
0x263: {  	v8 =	vsel vm0, $0xFFFFFFFF, v38;
	v1 =	vsel vm0, v31, v1;
	vm0 =	vgt.f32 v34, v2  }
0x264: {  	v41 =	vld [tilespmem:s23+$0x6300];
	vm15 =	vnez.u8 v46;
	vm13 =	vgt.f32 v34, v1;
	v2 =	vsel vm0, v34, v2  }
0x265: {  	v48 =	vld [tilespmem:$0x1F7F0];
	v3 =	vsel vm15, $0xF, v3;
	v38 =	vimm.s32 $0x0;
	v2 =	vsel vm13, v1, v2  }
0x266: {  	[tilespmem:$0x1F8A0] =	vst v7;
	v7 =	vsel vm0, $0xFFFFFFFF, v39;
	v1 =	vsel vm13, v34, v1;
	vm0 =	vgt.f32 v37, v2  }
0x267: {  	v44 =	vld [tilespmem:s23+$0x6380];
	v39 =	vimm.s32 $0x0;
	vm14 =	vgt.f32 v37, v1;
	v2 =	vsel vm0, v37, v2  }
0x268: {  	v52 =	vld [tilespmem:$0x1F810];
	[tilespmem:$0x1F8B0] =	vst v6;
	v6 =	vsel vm0, $0xFFFFFFFF, v42;
	v2 =	vsel vm14, v1, v2;
	v1 =	vsel vm14, v37, v1  }
0x269: {  	v42 =	vimm.s32 $0x0;
	vm0 =	vgt.f32 v41, v2;
	vm15 =	vgt.f32 v41, v1  }
0x26a: {  	[tilespmem:$0x1F8C0] =	vst v4;
	v4 =	vsel vm0, $0xFFFFFFFF, v45;
	v2 =	vsel vm0, v41, v2;
	vm0 =	vnez.u8 v48  }
0x26b: {  	v45 =	vimm.s32 $0x0;
	v48 =	vimm.s32 $0x0;
	v3 =	vsel vm0, v5, v3  }
0x26c: {  	v47 =	vld [tilespmem:s23+$0x8000];
	v2 =	vsel vm15, v1, v2;
	v1 =	vsel vm15, v41, v1;
	v5 =	vsel vm0, $0xF, v5  }
0x26d: {  	v57 =	vld [tilespmem:$0x1F830];
	vm0 =	vnez.u8 v52;
	v3 =	vsel vm1, $0x10, v3;
	vm1 =	vgt.f32 v44, v2  }
0x26e: {  	[tilespmem:$0x1F8E0] =	vst v7;
	v52 =	vimm.s32 $0x0;
	v7 =	vsel vm1, $0xFFFFFFFF, v50;
	v2 =	vsel vm1, v44, v2  }
0x26f: {  	v51 =	vld [tilespmem:s23+$0x8080];
	vm1 =	vgt.f32 v44, v1;
	v3 =	vsel vm0, v5, v3;
	v5 =	vsel vm0, $0x10, v5  }
0x270: {  	v60 =	vld [tilespmem:$0x1F840];
	v2 =	vsel vm1, v1, v2;
	v1 =	vsel vm1, v44, v1;
	v3 =	vsel vm2, $0x11, v3  }
0x271: {  	vm0 =	vgt.f32 v47, v2;
	vm2 =	vgt.f32 v47, v1;
	v3 =	vsel vm3, v5, v3  }
0x272: {  	v5 =	vsel vm3, $0x11, v5;
	vm3 =	vnez.u8 v57;
	v2 =	vsel vm0, v47, v2  }
0x273: {  	v63 =	vld [tilespmem:$0x1F850];
	[tilespmem:$0x1F8F0] =	vst v6;
	v6 =	vsel vm0, $0xFFFFFFFF, v53;
	v3 =	vsel vm3, $0x12, v3;
	v2 =	vsel vm2, v1, v2  }
0x274: {  	v1 =	vsel vm2, v47, v1;
	v3 =	vsel vm4, v5, v3;
	v5 =	vsel vm4, $0x12, v5  }
0x275: {  	v55 =	vld [tilespmem:s23+$0x8100];
	vm4 =	vnez.u8 v60;
	v60 =	vimm.s32 $0x0;
	vm0 =	vgt.f32 v51, v2  }
0x276: {  	v11 =	vld [tilespmem:$0x1F860];
	[tilespmem:$0x1F900] =	vst v4;
	v3 =	vsel vm4, $0x13, v3;
	v4 =	vsel vm0, $0xFFFFFFFF, v56;
	v2 =	vsel vm0, v51, v2  }
0x277: {  	vm0 =	vgt.f32 v51, v1;
	v3 =	vsel vm5, v5, v3;
	v5 =	vsel vm5, $0x13, v5  }
0x278: {  	vm5 =	vnez.u8 v63;
	v56 =	vimm.s32 $0x0;
	v63 =	vimm.s32 $0x0  }
0x279: {  	v14 =	vld [tilespmem:$0x1F870];
	v2 =	vsel vm0, v1, v2;
	v1 =	vsel vm0, v51, v1;
	v3 =	vsel vm5, $0x14, v3  }
0x27a: {  	v58 =	vld [tilespmem:s23+$0x8180];
	v51 =	vimm.s32 $0x0;
	vm3 =	vgt.f32 v55, v2;
	v3 =	vsel vm6, v5, v3  }
0x27b: {  	[tilespmem:$0x1F910] =	vst v7;
	v5 =	vsel vm6, $0x14, v5;
	vm6 =	vnez.u8 v11;
	v7 =	vsel vm3, $0xFFFFFFFF, v59  }
0x27c: {  	v17 =	vld [tilespmem:$0x1F880];
	v2 =	vsel vm3, v55, v2;
	vm3 =	vgt.f32 v55, v1;
	v3 =	vsel vm6, $0x15, v3  }
0x27d: {  	v59 =	vimm.s32 $0x0;
	v2 =	vsel vm3, v1, v2;
	v1 =	vsel vm3, v55, v1  }
0x27e: {  	v61 =	vld [tilespmem:s23+$0x8200];
	v3 =	vsel vm7, v5, v3;
	v5 =	vsel vm7, $0x15, v5;
	vm7 =	vnez.u8 v14  }
0x27f: {  	v20 =	vld [tilespmem:$0x1F890];
	v55 =	vimm.s32 $0x0;
	vm4 =	vgt.f32 v58, v2;
	v3 =	vsel vm7, $0x16, v3  }
0x280: {  	[tilespmem:$0x1F920] =	vst v6;
	v6 =	vsel vm4, $0xFFFFFFFF, v62;
	v2 =	vsel vm4, v58, v2;
	vm4 =	vgt.f32 v58, v1  }
0x281: {  	v9 =	vld [tilespmem:s23+$0x8280];
	v3 =	vsel vm8, v5, v3;
	v5 =	vsel vm8, $0x16, v5;
	vm8 =	vnez.u8 v17  }
0x282: {  	v23 =	vld [tilespmem:$0x1F8A0];
	v2 =	vsel vm4, v1, v2;
	v1 =	vsel vm4, v58, v1;
	v3 =	vsel vm8, $0x17, v3  }
0x283: {  	v27 =	vld [tilespmem:$0x1F8B0];
	vm5 =	vgt.f32 v61, v2;
	v3 =	vsel vm9, v5, v3;
	v5 =	vsel vm9, $0x17, v5  }
0x284: {  	[tilespmem:$0x1F930] =	vst v4;
	vm9 =	vnez.u8 v20;
	v4 =	vsel vm5, $0xFFFFFFFF, v10;
	v2 =	vsel vm5, v61, v2  }
0x285: {  	[tilespmem:$0x1F8D0] =	vst v8;
	vm5 =	vgt.f32 v61, v1;
	v3 =	vsel vm9, $0x18, v3;
	v10 =	vimm.s32 $0x0  }
0x286: {  	v34 =	vld [tilespmem:$0x1F8D0];
	v2 =	vsel vm5, v1, v2;
	v1 =	vsel vm5, v61, v1;
	v3 =	vsel vm10, v5, v3  }
0x287: {  	v12 =	vld [tilespmem:s23+$0x8300];
	v5 =	vsel vm10, $0x18, v5;
	vm10 =	vnez.u8 v23;
	vm6 =	vgt.f32 v9, v2  }
0x288: {  	[tilespmem:$0x1F940] =	vst v7;
	v3 =	vsel vm10, $0x19, v3;
	vm10 =	vnez.u8 v27;
	v7 =	vsel vm6, $0xFFFFFFFF, v13  }
0x289: {  	v31 =	vld [tilespmem:$0x1F8C0];
	v2 =	vsel vm6, v9, v2;
	vm6 =	vgt.f32 v9, v1;
	v3 =	vsel vm11, v5, v3  }
0x28a: {  	v15 =	vld [tilespmem:s23+$0x8380];
	v5 =	vsel vm11, $0x19, v5;
	v13 =	vimm.s32 $0x0;
	v2 =	vsel vm6, v1, v2  }
0x28b: {  	v1 =	vsel vm6, v9, v1;
	v3 =	vsel vm10, $0x1A, v3;
	vm10 =	vnez.u8 v34  }
0x28c: {  	v35 =	vld [tilespmem:$0x1F8E0];
	v34 =	vimm.s32 $0x0;
	vm7 =	vgt.f32 v12, v2;
	v3 =	vsel vm12, v5, v3  }
0x28d: {  	v18 =	vld [tilespmem:s23+$0xA000];
	[tilespmem:$0x1F950] =	vst v6;
	v6 =	vsel vm7, $0xFFFFFFFF, v16;
	v2 =	vsel vm7, v12, v2;
	vm7 =	vgt.f32 v12, v1  }
0x28e: {  	v5 =	vsel vm12, $0x1A, v5;
	vm12 =	vnez.u8 v31;
	v2 =	vsel vm7, v1, v2  }
0x28f: {  	v3 =	vsel vm12, $0x1B, v3;
	v1 =	vsel vm7, v12, v1;
	vm8 =	vgt.f32 v15, v2  }
0x290: {  	v21 =	vld [tilespmem:s23+$0xA080];
	[tilespmem:$0x1F960] =	vst v4;
	v4 =	vsel vm8, $0xFFFFFFFF, v19;
	v2 =	vsel vm8, v15, v2;
	vm8 =	vgt.f32 v15, v1  }
0x291: {  	vm12 =	vnez.u8 v35;
	v16 =	vimm.s32 $0x0;
	v2 =	vsel vm8, v1, v2  }
0x292: {  	v3 =	vsel vm10, v5, v3;
	v1 =	vsel vm8, v15, v1;
	vm9 =	vgt.f32 v18, v2  }
0x293: {  	v24 =	vld [tilespmem:s23+$0xA100];
	[tilespmem:$0x1F970] =	vst v7;
	v7 =	vsel vm9, $0xFFFFFFFF, v22;
	v2 =	vsel vm9, v18, v2;
	vm9 =	vgt.f32 v18, v1  }
0x294: {  	v5 =	vsel vm10, $0x1B, v5;
	v3 =	vsel vm12, $0x1C, v3;
	v2 =	vsel vm9, v1, v2  }
0x295: {  	v8 =	vsel vm9, $0xFFFFFFFF, v25;
	v1 =	vsel vm9, v18, v1;
	vm9 =	vgt.f32 v21, v2  }
0x296: {  	v28 =	vld [tilespmem:s23+$0xA180];
	[tilespmem:$0x1F980] =	vst v6;
	v6 =	vsel vm9, $0xFFFFFFFF, v26;
	v2 =	vsel vm9, v21, v2;
	vm9 =	vgt.f32 v21, v1  }
0x297: {  	v3 =	vsel vm13, v5, v3;
	v5 =	vsel vm13, $0x1C, v5;
	v2 =	vsel vm9, v1, v2  }
0x298: {  	[tilespmem:$0x1F9B0] =	vst v8;
	v8 =	vsel vm9, $0xFFFFFFFF, v29;
	v1 =	vsel vm9, v21, v1;
	vm9 =	vgt.f32 v24, v2  }
0x299: {  	v40 =	vld [tilespmem:$0x1F8F0];
	[tilespmem:$0x1F990] =	vst v4;
	v4 =	vsel vm9, $0xFFFFFFFF, v30;
	v2 =	vsel vm9, v24, v2;
	vm9 =	vgt.f32 v24, v1  }
0x29a: {  	v32 =	vld [tilespmem:s23+$0xA200];
	v19 =	vimm.s32 $0x0;
	v22 =	vimm.s32 $0x0;
	v2 =	vsel vm9, v1, v2  }
0x29b: {  	[tilespmem:$0x1F9D0] =	vst v8;
	v8 =	vsel vm9, $0xFFFFFFFF, v33;
	v1 =	vsel vm9, v24, v1;
	vm12 =	vgt.f32 v28, v2  }
0x29c: {  	[tilespmem:$0x1F9A0] =	vst v7;
	v7 =	vsel vm12, $0xFFFFFFFF, v36;
	v2 =	vsel vm12, v28, v2;
	vm12 =	vgt.f32 v28, v1  }
0x29d: {  	v43 =	vld [tilespmem:$0x1F900];
	v26 =	vimm.s32 $0x0;
	v30 =	vimm.s32 $0x0;
	[tilespmem:$0x1F9F0] =	vst v8;
	v8 =	vsel vm12, $0xFFFFFFFF, v38  }
0x29e: {  	v37 =	vld [tilespmem:s23+$0xA280];
	v2 =	vsel vm12, v1, v2;
	v1 =	vsel vm12, v28, v1;
	vm12 =	vnez.u8 v40  }
0x29f: {  	v38 =	vimm.s32 $0x0;
	vm13 =	vgt.f32 v32, v2;
	v3 =	vsel vm12, $0x1D, v3  }
0x2a0: {  	v46 =	vld [tilespmem:$0x1F910];
	[tilespmem:$0x1F9C0] =	vst v6;
	v6 =	vsel vm13, $0xFFFFFFFF, v39;
	v2 =	vsel vm13, v32, v2;
	vm13 =	vgt.f32 v32, v1  }
0x2a1: {  	v41 =	vld [tilespmem:s23+$0xA300];
	v3 =	vsel vm14, v5, v3;
	v5 =	vsel vm14, $0x1D, v5;
	v2 =	vsel vm13, v1, v2  }
0x2a2: {  	v1 =	vsel vm13, v32, v1;
	vm14 =	vmmov vm13;
	vm13 =	vnez.u8 v43  }
0x2a3: {  	vm12 =	vgt.f32 v37, v2;
	v3 =	vsel vm13, $0x1E, v3;
	vm13 =	vgt.f32 v37, v1  }
0x2a4: {  	v49 =	vld [tilespmem:$0x1F920];
	[tilespmem:$0x1F9E0] =	vst v4;
	v4 =	vsel vm12, $0xFFFFFFFF, v42;
	v2 =	vsel vm12, v37, v2;
	v3 =	vsel vm15, v5, v3  }
0x2a5: {  	v44 =	vld [tilespmem:s23+$0xA380];
	v5 =	vsel vm15, $0x1E, v5;
	vm15 =	vnez.u8 v46;
	v2 =	vsel vm13, v1, v2  }
0x2a6: {  	v1 =	vsel vm13, v37, v1;
	v3 =	vsel vm15, $0x1F, v3;
	vm12 =	vgt.f32 v41, v2  }
0x2a7: {  	[tilespmem:$0x1FA00] =	vst v7;
	v7 =	vsel vm12, $0xFFFFFFFF, v45;
	v2 =	vsel vm12, v41, v2;
	vm12 =	vgt.f32 v41, v1  }
0x2a8: {  	v53 =	vld [tilespmem:$0x1F930];
	v3 =	vsel vm1, v5, v3;
	v5 =	vsel vm1, $0x1F, v5;
	v2 =	vsel vm12, v1, v2  }
0x2a9: {  	v47 =	vld [tilespmem:s23+$0xC000];
	v1 =	vsel vm12, v41, v1;
	vm1 =	vmmov vm12;
	vm12 =	vnez.u8 v49  }
0x2aa: {  	v57 =	vld [tilespmem:$0x1F940];
	v41 =	vimm.s32 $0x0;
	vm15 =	vgt.f32 v44, v2;
	v3 =	vsel vm12, $0x20, v3  }
0x2ab: {  	[tilespmem:$0x1FA20] =	vst v6;
	v6 =	vsel vm15, $0xFFFFFFFF, v48;
	v2 =	vsel vm15, v44, v2;
	vm15 =	vgt.f32 v44, v1  }
0x2ac: {  	v50 =	vld [tilespmem:s23+$0xC080];
	[tilespmem:$0x1FA10] =	vst v8;
	v3 =	vsel vm2, v5, v3;
	v5 =	vsel vm2, $0x20, v5;
	v8 =	vsel vm15, $0xFFFFFFFF, v51  }
0x2ad: {  	v61 =	vld [tilespmem:$0x1F950];
	v2 =	vsel vm15, v1, v2;
	v1 =	vsel vm15, v44, v1;
	vm15 =	vnez.u8 v53  }
0x2ae: {  	v44 =	vimm.s32 $0x0;
	vm12 =	vgt.f32 v47, v2;
	v3 =	vsel vm15, $0x21, v3  }
0x2af: {  	v54 =	vld [tilespmem:s23+$0xC100];
	[tilespmem:$0x1FA30] =	vst v4;
	vm11 =	vgt.f32 v47, v1;
	vm15 =	vnez.u8 v57;
	v4 =	vsel vm12, $0xFFFFFFFF, v52  }
0x2b0: {  	v17 =	vld [tilespmem:$0x1F980];
	[tilespmem:$0x1FA60] =	vst v8;
	v2 =	vsel vm12, v47, v2;
	v8 =	vsel vm11, $0xFFFFFFFF, v55;
	v3 =	vsel vm0, v5, v3  }
0x2b1: {  	v11 =	vld [tilespmem:$0x1F960];
	v5 =	vsel vm0, $0x21, v5;
	v2 =	vsel vm11, v1, v2;
	v1 =	vsel vm11, v47, v1  }
0x2b2: {  	v14 =	vld [tilespmem:$0x1F970];
	v3 =	vsel vm15, $0x22, v3;
	vm11 =	vnez.u8 v61;
	vm12 =	vgt.f32 v50, v2  }
0x2b3: {  	[tilespmem:$0x1FA40] =	vst v7;
	vm9 =	vgt.f32 v50, v1;
	v3 =	vsel vm3, v5, v3;
	v5 =	vsel vm3, $0x22, v5  }
0x2b4: {  	[tilespmem:$0x1FA80] =	vst v8;
	v7 =	vsel vm12, $0xFFFFFFFF, v56;
	v2 =	vsel vm12, v50, v2;
	v8 =	vsel vm9, $0xFFFFFFFF, v59  }
0x2b5: {  	v3 =	vsel vm11, $0x23, v3;
	vm11 =	vnez.u8 v17;
	v2 =	vsel vm9, v1, v2  }
0x2b6: {  	v58 =	vld [tilespmem:s23+$0xC180];
	v1 =	vsel vm9, v50, v1;
	v3 =	vsel vm4, v5, v3;
	v5 =	vsel vm4, $0x23, v5  }
0x2b7: {  	vm4 =	vnez.u8 v11;
	vm9 =	vnez.u8 v14;
	vm10 =	vgt.f32 v54, v2  }
0x2b8: {  	[tilespmem:$0x1FA50] =	vst v6;
	vm12 =	vgt.f32 v54, v1;
	v3 =	vsel vm4, $0x24, v3;
	v6 =	vsel vm10, $0xFFFFFFFF, v60  }
0x2b9: {  	v62 =	vld [tilespmem:s23+$0xC200];
	[tilespmem:$0x1FAA0] =	vst v8;
	v2 =	vsel vm10, v54, v2;
	v8 =	vsel vm12, $0xFFFFFFFF, v63;
	v3 =	vsel vm5, v5, v3  }
0x2ba: {  	v23 =	vld [tilespmem:$0x1F9A0];
	v5 =	vsel vm5, $0x24, v5;
	v2 =	vsel vm12, v1, v2;
	v3 =	vsel vm9, $0x25, v3  }
0x2bb: {  	v20 =	vld [tilespmem:$0x1F990];
	v1 =	vsel vm12, v54, v1;
	vm15 =	vgt.f32 v58, v2;
	v3 =	vsel vm6, v5, v3  }
0x2bc: {  	v12 =	vld [tilespmem:s23+$0xC280];
	[tilespmem:$0x1FA70] =	vst v4;
	v4 =	vsel vm15, $0xFFFFFFFF, v10;
	v2 =	vsel vm15, v58, v2;
	vm15 =	vgt.f32 v58, v1  }
0x2bd: {  	v27 =	vld [tilespmem:$0x1F9C0];
	v5 =	vsel vm6, $0x25, v5;
	v3 =	vsel vm11, $0x26, v3;
	v2 =	vsel vm15, v1, v2  }
0x2be: {  	v1 =	vsel vm15, v58, v1;
	v3 =	vsel vm7, v5, v3;
	v5 =	vsel vm7, $0x26, v5  }
0x2bf: {  	v25 =	vld [tilespmem:$0x1F9B0];
	vm7 =	vnez.u8 v23;
	vm5 =	vgt.f32 v62, v2;
	vm12 =	vgt.f32 v62, v1  }
0x2c0: {  	v15 =	vld [tilespmem:s23+$0xC300];
	[tilespmem:$0x1FA90] =	vst v7;
	v7 =	vsel vm5, $0xFFFFFFFF, v13;
	v2 =	vsel vm5, v62, v2;
	vm5 =	vnez.u8 v20  }
0x2c1: {  	v2 =	vsel vm12, v1, v2;
	v1 =	vsel vm12, v62, v1;
	v3 =	vsel vm5, $0x27, v3  }
0x2c2: {  	v18 =	vld [tilespmem:s23+$0xC380];
	vm5 =	vnez.u8 v27;
	vm10 =	vgt.f32 v12, v2;
	vm11 =	vgt.f32 v12, v1  }
0x2c3: {  	v33 =	vld [tilespmem:$0x1F9F0];
	v3 =	vsel vm8, v5, v3;
	v5 =	vsel vm8, $0x27, v5;
	v2 =	vsel vm10, v12, v2  }
0x2c4: {  	[tilespmem:$0x1FAB0] =	vst v6;
	vm8 =	vnez.u8 v25;
	v6 =	vsel vm10, $0xFFFFFFFF, v16;
	v2 =	vsel vm11, v1, v2  }
0x2c5: {  	v29 =	vld [tilespmem:$0x1F9D0];
	v3 =	vsel vm7, $0x28, v3;
	v1 =	vsel vm11, v12, v1;
	vm4 =	vgt.f32 v15, v2  }
0x2c6: {  	v21 =	vld [tilespmem:s23+$0xE000];
	v3 =	vsel vm8, v5, v3;
	vm10 =	vgt.f32 v15, v1;
	v2 =	vsel vm4, v15, v2  }
0x2c7: {  	v5 =	vsel vm8, $0x28, v5;
	v3 =	vsel vm5, $0x29, v3;
	v2 =	vsel vm10, v1, v2  }
0x2c8: {  	v31 =	vld [tilespmem:$0x1F9E0];
	vm5 =	vnez.u8 v33;
	v1 =	vsel vm10, v15, v1;
	vm6 =	vgt.f32 v18, v2  }
0x2c9: {  	v35 =	vld [tilespmem:$0x1FA00];
	[tilespmem:$0x1FAD0] =	vst v4;
	v4 =	vsel vm4, $0xFFFFFFFF, v19;
	vm9 =	vgt.f32 v18, v1;
	v2 =	vsel vm6, v18, v2  }
0x2ca: {  	v24 =	vld [tilespmem:s23+$0xE080];
	[tilespmem:$0x1FAE0] =	vst v7;
	v7 =	vsel vm6, $0xFFFFFFFF, v22;
	vm6 =	vnez.u8 v29;
	v2 =	vsel vm9, v1, v2  }
0x2cb: {  	v1 =	vsel vm9, v18, v1;
	v3 =	vsel vm6, v5, v3;
	vm4 =	vgt.f32 v21, v2  }
0x2cc: {  	v37 =	vld [tilespmem:$0x1FA10];
	v5 =	vsel vm6, $0x29, v5;
	vm8 =	vgt.f32 v21, v1;
	v2 =	vsel vm4, v21, v2  }
0x2cd: {  	v39 =	vld [tilespmem:$0x1FA20];
	[tilespmem:$0x1FAF0] =	vst v6;
	v6 =	vsel vm4, $0xFFFFFFFF, v26;
	vm4 =	vnez.u8 v31;
	v2 =	vsel vm8, v1, v2  }
0x2ce: {  	v28 =	vld [tilespmem:s23+$0xE100];
	v1 =	vsel vm8, v21, v1;
	v3 =	vsel vm4, $0x2A, v3;
	vm4 =	vnez.u8 v35  }
0x2cf: {  	vm7 =	vgt.f32 v24, v2;
	v3 =	vsel vm5, v5, v3;
	v5 =	vsel vm5, $0x2A, v5  }
0x2d0: {  	[tilespmem:$0x1FB00] =	vst v4;
	v4 =	vsel vm7, $0xFFFFFFFF, v30;
	v2 =	vsel vm7, v24, v2;
	vm7 =	vgt.f32 v24, v1  }
0x2d1: {  	v32 =	vld [tilespmem:s23+$0xE180];
	vm5 =	vnez.u8 v37;
	v3 =	vsel vm4, $0x2B, v3;
	v2 =	vsel vm7, v1, v2  }
0x2d2: {  	v42 =	vld [tilespmem:$0x1FA30];
	v3 =	vsel vm5, v5, v3;
	v5 =	vsel vm5, $0x2B, v5;
	vm5 =	vnez.u8 v39  }
0x2d3: {  	v1 =	vsel vm7, v24, v1;
	vm6 =	vgt.f32 v28, v2;
	v3 =	vsel vm5, $0x2C, v3  }
0x2d4: {  	v36 =	vld [tilespmem:s23+$0xE200];
	[tilespmem:$0x1FB10] =	vst v7;
	v7 =	vsel vm6, $0xFFFFFFFF, v34;
	v2 =	vsel vm6, v28, v2;
	vm6 =	vgt.f32 v28, v1  }
0x2d5: {  	v3 =	vsel vm14, v5, v3;
	v2 =	vsel vm6, v1, v2;
	v1 =	vsel vm6, v28, v1  }
0x2d6: {  	v45 =	vld [tilespmem:$0x1FA40];
	v5 =	vsel vm14, $0x2C, v5;
	vm4 =	vgt.f32 v32, v2;
	vm5 =	vgt.f32 v32, v1  }
0x2d7: {  	v40 =	vld [tilespmem:s23+$0xE280];
	[tilespmem:$0x1FB20] =	vst v6;
	v6 =	vsel vm4, $0xFFFFFFFF, v38;
	v2 =	vsel vm4, v32, v2;
	vm4 =	vnez.u8 v42  }
0x2d8: {  	v2 =	vsel vm5, v1, v2;
	v1 =	vsel vm5, v32, v1;
	v3 =	vsel vm4, $0x2D, v3  }
0x2d9: {  	v47 =	vld [tilespmem:$0x1FA50];
	vm14 =	vgt.f32 v36, v2;
	vm4 =	vgt.f32 v36, v1;
	v3 =	vsel vm13, v5, v3  }
0x2da: {  	v43 =	vld [tilespmem:s23+$0xE300];
	[tilespmem:$0x1FB30] =	vst v4;
	v5 =	vsel vm13, $0x2D, v5;
	v4 =	vsel vm14, $0xFFFFFFFF, v41;
	v2 =	vsel vm14, v36, v2  }
0x2db: {  	v48 =	vld [tilespmem:$0x1FA60];
	vm14 =	vnez.u8 v45;
	v2 =	vsel vm4, v1, v2;
	v1 =	vsel vm4, v36, v1  }
0x2dc: {  	v3 =	vsel vm14, $0x2E, v3;
	vm13 =	vgt.f32 v40, v2;
	vm3 =	vgt.f32 v40, v1  }
0x2dd: {  	v46 =	vld [tilespmem:s23+$0xE380];
	v3 =	vsel vm1, v5, v3;
	v5 =	vsel vm1, $0x2E, v5;
	v2 =	vsel vm13, v40, v2  }
0x2de: {  	[tilespmem:$0x1FB40] =	vst v7;
	v7 =	vsel vm13, $0xFFFFFFFF, v44;
	vm13 =	vnez.u8 v47;
	v2 =	vsel vm3, v1, v2  }
0x2df: {  	v1 =	vsel vm3, v40, v1;
	v3 =	vsel vm13, $0x2F, v3;
	vm14 =	vgt.f32 v43, v2  }
0x2e0: {  	vm13 =	vnez.u8 v48;
	vm2 =	vgt.f32 v43, v1;
	v2 =	vsel vm14, v43, v2  }
0x2e1: {  	v3 =	vsel vm13, v5, v3;
	v2 =	vsel vm2, v1, v2  }
0x2e2: {  	v49 =	vld [tilespmem:$0x1FA70];
	v5 =	vsel vm13, $0x2F, v5;
	v1 =	vsel vm2, v43, v1;
	vm13 =	vgt.f32 v46, v2  }
0x2e3: {  	v50 =	vld [tilespmem:$0x1FA80];
	vm1 =	vgt.f32 v46, v1;
	v2 =	vsel vm13, v46, v2  }
0x2e4: {  	v51 =	vld [tilespmem:$0x1FA90];
	v2 =	vsel vm1, v1, v2;
	v1 =	vsel vm1, v46, v1  }
0x2e5: {  	v1 =	vsub.f32 v2, v1;
	v2 =	vld [tilespmem:$0x1FAA0]  }
0x2e6: {  	[tilespmem:$0x1FAC0] =	vst v8;
	v52 =	vld [tilespmem:$0x1FAB0]  }
0x2e7: {  	vm0 =	vnez.u8 v49;
	v53 =	vld [tilespmem:$0x1FAC0]  }
0x2e8: {  	v54 =	vld [tilespmem:$0x1FAD0];
	v3 =	vsel vm0, $0x30, v3;
	vm0 =	vnez.u8 v50  }
0x2e9: {  	[tilespmem:$0x1FB60] =	vst v4;
	v3 =	vsel vm0, v5, v3;
	v4 =	vsel vm0, $0x30, v5;
	vm0 =	vnez.u8 v51  }
0x2ea: {  	v3 =	vsel vm0, $0x31, v3;
	vm0 =	vnez.u8 v2  }
0x2eb: {  	v2 =	vsel vm0, v4, v3;
	v3 =	vsel vm0, $0x31, v4;
	vm0 =	vnez.u8 v52  }
0x2ec: {  	v1 =	vmul.f32 $1.442695020e+00, v1;
	v2 =	vsel vm0, $0x32, v2;
	vm0 =	vnez.u8 v53  }
0x2ed: {  	v2 =	vsel vm0, v3, v2;
	v3 =	vsel vm0, $0x32, v3;
	vm0 =	vnez.u8 v54  }
0x2ee: {  	v2 =	vsel vm0, $0x33, v2  }
0x2ef: {  	(erf) = vpow2.f32 v1;
	v1 =	vsel vm15, v3, v2;
	v2 =	vsel vm15, $0x33, v3;
	v3 =	vld [tilespmem:$0x1FAE0];
	_ =	sdelay $0x4  }
0x2f0: {  	vm15 =	vnez.u8 v3;
	v3 =	vld [tilespmem:$0x1FAF0];
	_ =	sdelay $0x4  }
0x2f1: {  	v1 =	vsel vm15, $0x34, v1;
	vm15 =	vnez.u8 v3;
	v3 =	vld [tilespmem:$0x1FB00];
	_ =	sdelay $0x2  }
0x2f2: {  	v1 =	vsel vm12, v2, v1  }
0x2f3: {  	v2 =	vsel vm12, $0x34, v2;
	v1 =	vsel vm15, $0x35, v1  }
0x2f4: {  	v1 =	vsel vm11, v2, v1;
	v2 =	vsel vm11, $0x35, v2;
	vm11 =	vnez.u8 v3;
	v3 =	vld [tilespmem:$0x1FB10];
	_ =	sdelay $0x1  }
0x2f5: {  	v55 =	vld [tilespmem:$0x1FB20];
	_ =	sdelay $0x1  }
0x2f6: {  	v57 =	vld [tilespmem:$0x1FB30];
	v1 =	vsel vm11, $0x36, v1  }
0x2f7: {  	v1 =	vsel vm10, v2, v1;
	vm12 =	vnez.u8 v3  }
0x2f8: {  	v58 =	vld [tilespmem:$0x1FB40];
	v2 =	vsel vm10, $0x36, v2;
	v1 =	vsel vm12, $0x37, v1  }
0x2f9: {  	[tilespmem:$0x1FB50] =	vst v6;
	vm15 =	vnez.u8 v55;
	v3 =	vpop (erf);
	v1 =	vsel vm9, v2, v1  }
0x2fa: {  	v59 =	vld [tilespmem:$0x1FB50];
	v56 =	vadd.f32 $1.000000000e+00, v3;
	v2 =	vsel vm9, $0x37, v2;
	v1 =	vsel vm15, $0x38, v1  }
0x2fb: {  	vm9 =	vnez.u8 v57;
	v1 =	vsel vm8, v2, v1  }
0x2fc: {  	v60 =	vld [tilespmem:$0x1FB60];
	(erf) = vrcp.f32 v56;
	v2 =	vsel vm8, $0x38, v2;
	v1 =	vsel vm9, $0x39, v1  }
0x2fd: {  	[tilespmem:$0x1FB70] =	vst v7;
	vm10 =	vnez.u8 v58;
	v1 =	vsel vm7, v2, v1  }
0x2fe: {  	v61 =	vld [tilespmem:$0x1FB70];
	v2 =	vsel vm7, $0x39, v2;
	v1 =	vsel vm10, $0x3A, v1  }
0x2ff: {  	vm11 =	vnez.u8 v59;
	v1 =	vsel vm6, v2, v1  }
0x300: {  	v2 =	vsel vm6, $0x3A, v2;
	v1 =	vsel vm11, $0x3B, v1  }
0x301: {  	vm12 =	vnez.u8 v60;
	v1 =	vsel vm5, v2, v1  }
0x302: {  	v2 =	vsel vm5, $0x3B, v2;
	v1 =	vsel vm12, $0x3C, v1  }
0x303: {  	vm15 =	vnez.u8 v61;
	v1 =	vsel vm4, v2, v1  }
0x304: {  	v2 =	vsel vm4, $0x3C, v2;
	v1 =	vsel vm15, $0x3D, v1  }
0x305: {  	v62 =	vpop (erf);
	v1 =	vsel vm3, v2, v1  }
0x306: {  	s22 =	sadd.s32 $0x10, s22;
	v3 =	vmul.f32 v62, v3;
	v2 =	vsel vm3, $0x3D, v2;
	v1 =	vsel vm14, $0x3E, v1  }
0x307: {  	[tilespmem:s22+$0x0] =	vst v62;
	v1 =	vsel vm2, v2, v1;
	v2 =	vsel vm2, $0x3E, v2  }
0x308: {  	[tilespmem:s21+$0x0] =	vst v3;
	v1 =	vsel vm13, $0x3F, v1;
	v63 =	vsel vm1, $0x3F, v2  }
0x309: {  	v1 =	vsel vm1, v2, v1;
	[tilespmem:s19+$0x0] =	vst v63  }
0x30a: {  	[tilespmem:s20+$0x0] =	vst v1  }
0x30b: {  	[hbm4b:s4+s12] =	stream.strided.scatter [tilespmem:s14], [sflag:$0x1], $0x400, s13, s12, $0x38;
	[tilespmem:$0x11000] =	vst v63  }
0x30c: {  	_ =	swait.ge [sflag:s11], $0x400  }
0x30d: {  	[sflag:s11] =	ssyncset.done $0x0  }
0x30e: {  	[sflag:s11] =	ssyncadd.s32 $0xFFFFFC00  }
0x30f: {  	[hbm4b:s5+s12] =	stream.strided.scatter [tilespmem:s15], [sflag:$0x1], $0x400, s13, s12, $0x38;
	[tilespmem:$0x11000] =	vst v63  }
0x310: {  	_ =	swait.ge [sflag:s11], $0x400  }
0x311: {  	[sflag:s11] =	ssyncset.done $0x0  }
0x312: {  	[sflag:s11] =	ssyncadd.s32 $0xFFFFFC00  }
0x313: {  	[hbm4b:s6+s12] =	stream.strided.scatter [tilespmem:s16], [sflag:$0x1], $0x400, s13, s12, $0x38;
	[tilespmem:$0x11000] =	vst v63  }
0x314: {  	s18 =	sadd.s32 $0x1, s18;
	_ =	swait.ge [sflag:s11], $0x400  }
0x315: {  	p0 =	sne.s32 s18, s8;
	[sflag:s11] =	ssyncset.done $0x0  }
.Ltmp1:
0x316: {  	[sflag:s11] =	ssyncadd.s32 $0xFFFFFC00;
	(pc) =	sbr.rel @p0 .LBB2_1-.Ltmp1, $4  }
0x317: {  	[hbm4b:s7+s12] =	stream.strided.scatter [tilespmem:s17], [sflag:$0x1], $0x400, s13, s12, $0x38;
	[tilespmem:$0x11000] =	vst v63  }
0x318: {  	_ =	swait.ge [sflag:s11], $0x400  }
0x319: {  	[sflag:s11] =	ssyncset.done $0x0  }
0x31a: {  	[sflag:s11] =	ssyncadd.s32 $0xFFFFFC00  }
0x31b: {  	_ =	sfence.sel $0x180000  }
0x31c: {  	[bflag:$0x0] =	sbarrier.arrive $0xFFFF  }
0x31d: {  	p0 =	sne.s32 s1, $0x0;
	_ =	strace $0x90000047  }
0x31e: {  	s0 =	sadd.s32 @!p0 $0x100000, s0;
	[bflag:$0x2] =	sbarrier.arrive $0xFFFF  }
0x31f: {  	[sflag:s0] =	ssyncadd.tile.s32 @!p0 $0x1;
	_ =	shalt  }
.Lfunc_end2:
_tile_overlayer_lowered:
.L_overlay_start_2:
0x320: {  	(tag) =	ssettag $0x2  }
0x321: {  	s0 =	rddreg [dreg:$0x0];
	s2 =	stileid.u32  }
0x322: {  	s1 =	rddreg [dreg:$0x1];
	p0 =	sne.s32 s2, $0x0  }
0x323: {  	s3 =	rddreg [dreg:$0x2];
	[bflag:$0x3] =	sbarrier.arrive $0xFFFF;
	s2 =	simm.s32 @!p0 $0x1C01  }
0x324: {  	[timem:s3], [sflag:s2] =	dma.local @!p0 [hbm:s0], s1  }
0x325: {  	s0 =	simm.s32 @!p0 $0x1  }
0x326: {  	_ =	swait.ge @!p0 [sflag:s0], s1  }
0x327: {  	s1 =	ssub.s32 @!p0 $0x0, s1;
	[sflag:s0] =	ssyncset.done @!p0 $0x0  }
0x328: {  	[sflag:s0] =	ssyncadd.s32 @!p0 s1  }
0x329: {  	[bflag:$0x3] =	sbarrier.arrive $0xFFFF  }
0x32a: {  	_ =	shalt  }

</sc_bundles>
